<compile_context>
chip_gen: v7x
topology: tpu7x:2x2x1
jax: 0.10.2.dev20260603
libtpu: 0.0.44.dev20260713+nightly
codegen_flags: <defaults>
</compile_context>

<pallas_src>
import functools

import jax
import jax.numpy as jnp
from jax import lax
from jax.experimental import pallas as pl
from jax.experimental.pallas import tpu as pltpu
from jax.experimental.pallas import tpu_sc as plsc

NFILT = 512
FH = FW = 64
H = W = 512
NPART = 8192
NC, NS, L = 2, 16, 16
NW = NC * NS
BAND = H // NW
FO = FH // 2
GB = 8
SENT_R = 4 * H


def _body(phw_hbm, filt_hbm, out_hbm, phw_v, hits_v, idxb, fbuf, band_f, sems):
    wid = lax.axis_index("s") * NC + lax.axis_index("c")
    y0 = (wid * BAND).astype(jnp.int32)
    lane = lax.iota(jnp.int32, L)
    zv = jnp.zeros((L,), jnp.float32)

    pltpu.sync_copy(phw_hbm, phw_v.at[pl.ds(0, NPART * 3)])
    sent = jnp.where(lane == 1, jnp.int32(SENT_R), jnp.int32(0))
    phw_v[pl.ds(NPART * 3, L)] = sent

    def zero_chunk(i, carry):
        band_f[pl.ds(i * L, L)] = zv
        return carry
    lax.fori_loop(0, BAND * W // L, zero_chunk, 0)

    def scan_chunk(k, cnt):
        base = k * L
        r = plsc.load_gather(phw_v, [(base + lane) * 3 + 1])
        hit = (r >= y0 - (FO - 1)) & (r <= y0 + BAND + (FO - 1))
        plsc.store_compressed(hits_v.at[pl.ds(cnt, L)], base + lane, mask=hit)
        return cnt + jnp.sum(hit.astype(jnp.int32))
    nhits = lax.fori_loop(0, NPART // L, scan_chunk, jnp.int32(0))
    hits_v[pl.ds(nhits, L)] = jnp.full((L,), NPART, jnp.int32)

    ngroups = lax.div(nhits + (GB - 1), jnp.int32(GB))

    def group_geom(base):
        pidv = hits_v[pl.ds(base, L)]
        pv = plsc.load_gather(phw_v, [pidv * 3])
        rv = plsc.load_gather(phw_v, [pidv * 3 + 1])
        cv = plsc.load_gather(phw_v, [pidv * 3 + 2])
        l0v = jnp.maximum(0, rv - FO - y0)
        l1v = jnp.minimum(BAND, rv + FO - y0)
        fbv = jnp.clip(y0 + l0v + FO - rv, 0, FH - L)
        foffv = y0 + FO - rv - fbv
        rbv = pv * FH + fbv
        return l0v, l1v, foffv, cv, rbv

    def build_issue(g, slot):
        _, _, _, _, rbv = group_geom(g * GB)
        for j in range(GB):
            idxb[slot, j * L:(j + 1) * L] = rbv[j] + lane
        pltpu.async_copy(filt_hbm.at[idxb.at[slot]], fbuf.at[slot],
                         sems.at[slot])

    @pl.when(ngroups > 0)
    def _():
        build_issue(0, 0)

    def process_group(g, carry):
        slot = lax.rem(g, 2)
        @pl.when(g + 1 < ngroups)
        def _():
            build_issue(g + 1, 1 - slot)
        l0v, l1v, foffv, cv, _ = group_geom(g * GB)
        pltpu.make_async_copy(filt_hbm.at[idxb.at[slot]], fbuf.at[slot],
                              sems.at[slot]).wait()
        for j in range(GB):
            l0 = l0v[j]
            l1 = l1v[j]
            foff = foffv[j] + j * L
            c = cv[j]
            lo = jnp.minimum(l0, l1)
            x0 = c - FO + lane
            xi = []
            ms = []
            for s in range(FW // L):
                x = x0 + s * L
                ms.append((x >= 0) & (x < W))
                xi.append(jnp.clip(x, 0, W - 1))
            def row_body(l, carry2):
                fl = foff + l
                lw = l * W
                for s in range(FW // L):
                    v = fbuf[slot, fl, s * L:(s + 1) * L]
                    plsc.addupdate_scatter(band_f, [xi[s] + lw], v,
                                           mask=ms[s])
                return carry2
            lax.fori_loop(lo, l1, row_body, 0)
        return carry
    lax.fori_loop(0, ngroups, process_group, 0)

    pltpu.sync_copy(band_f, out_hbm.at[pl.ds(y0 * W, BAND * W)])


def kernel(phw_list, filters):
    phw_flat = phw_list.reshape(-1)
    filt2d = filters.reshape(NFILT * FH, FW)
    mesh = plsc.VectorSubcoreMesh(
        core_axis_name="c", subcore_axis_name="s", num_cores=NC, num_subcores=NS)
    run = functools.partial(
        pl.kernel,
        out_type=jax.ShapeDtypeStruct((H * W,), jnp.float32),
        mesh=mesh,
        scratch_types=[
            pltpu.VMEM((NPART * 3 + L,), jnp.int32),
            pltpu.VMEM((NPART + 2 * L,), jnp.int32),
            pltpu.VMEM((2, GB * L), jnp.int32),
            pltpu.VMEM((2, GB * L, FW), jnp.float32),
            pltpu.VMEM((BAND * W,), jnp.float32),
            pltpu.SemaphoreType.DMA((2,)),
        ],
        compiler_params=pltpu.CompilerParams(
            needs_layout_passes=False, use_tc_tiling_on_sc=False),
    )(_body)
    return run(phw_flat, filt2d).reshape(H, W)

# --- scband reference (transcript-rebuilt; emitter-appended) ---
"""Pipeline reference for scband-rendering-model-50216757625363 (READ-ONLY COPY).

The authoritative reference and input builder live on the scoring server;
editing this copy changes nothing except your own understanding.
"""

import jax, jax.numpy as jnp
import numpy as np

NUM_PARTS = 512
FH, FW = 64, 64
H, W = 512, 512
N = 8192


def setup_inputs(seed: int = 0) -> dict:
    key = jax.random.key(seed)
    k1, k2 = jax.random.split(key)
    phw_list = jax.random.randint(k1, (N, 3), 0, 512, dtype=jnp.int32)
    filters = jax.random.normal(k2, (NUM_PARTS, FH, FW), dtype=jnp.float32)
    return {"phw_list": phw_list, "filters": filters}


def reference(phw_list, filters):
    # Padded-canvas formulation: placing the full (FH, FW) filter at padded
    # position (row, col) and cropping the interior is mathematically identical
    # to the torch loop that clips each filter against the canvas border,
    # because clipped regions land in the padding and are discarded.
    fo_h, fo_w = FH // 2, FW // 2
    Hp, Wp = H + FH, W + FW
    p = phw_list[:, 0]
    r = phw_list[:, 1]
    c = phw_list[:, 2]
    rows = r[:, None, None] + jnp.arange(FH, dtype=phw_list.dtype)[None, :, None]  # [N, FH, 1]
    cols = c[:, None, None] + jnp.arange(FW, dtype=phw_list.dtype)[None, None, :]  # [N, 1, FW]
    flat_idx = (rows * Wp + cols).reshape(-1)            # [N*FH*FW]
    vals = filters[p].reshape(-1)                         # gather filters, [N*FH*FW]
    canvas = jnp.zeros((Hp * Wp,), dtype=filters.dtype).at[flat_idx].add(vals)
    canvas = canvas.reshape(Hp, Wp)
    return canvas[fo_h:fo_h + H, fo_w:fo_w + W]

if __name__ == "__main__":
    import jax
    _d = setup_inputs()
    print(jax.jit(kernel)(*tuple(_d.values())))

</pallas_src>

<mosaic_0001>
#map = affine_map<(d0, d1) -> (0)>
#map1 = affine_map<(d0, d1) -> (0, 0)>
module attributes {stable_mosaic.version = 14 : i64} {
  func.func @_body(%arg0: i32, %arg1: i32, %arg2: memref<24576xi32, #tpu.memory_space<hbm>>, %arg3: memref<32768x64xf32, #tpu.memory_space<hbm>>, %arg4: memref<262144xf32, #tpu.memory_space<hbm>>, %arg5: memref<24592xi32, #tpu.memory_space<vmem>>, %arg6: memref<8224xi32, #tpu.memory_space<vmem>>, %arg7: memref<2x128xi32, #tpu.memory_space<vmem>>, %arg8: memref<2x128x64xf32, #tpu.memory_space<vmem>>, %arg9: memref<8192xf32, #tpu.memory_space<vmem>>, %arg10: memref<2x!tpu.dma_semaphore, #tpu.memory_space<semaphore_mem>>) attributes {dimension_semantics = [#tpu.dimension_semantics<core_parallel>, #tpu.dimension_semantics<subcore_parallel>], iteration_bounds = array<i64: 2, 16>, scalar_prefetch = 0 : i64, scratch_operands = 6 : i64, tpu.core_type = #tpu.core_type<sc_vector_subcore>, window_params = [{transform_indices = #map}, {transform_indices = #map1}, {transform_indices = #map}]} {
    %mul3A = arith.constant 2 : i32
    %mul3A_0 = arith.muli %arg1, %mul3A : i32
    %add3A = arith.addi %mul3A_0, %arg0 : i32
    %mul3A_1 = arith.constant 16 : i32
    %mul3A_2 = arith.muli %add3A, %mul3A_1 : i32
    %iota3A = tpu.iota {dimensions = array<i32: 0>} : vector<16xi32>
    %broadcast_in_dim3A = arith.constant 0.000000e+00 : f32
    %broadcast_in_dim3A_3 = vector.broadcast %broadcast_in_dim3A : f32 to vector<16xf32>
    "tpu.region"() ({
      %run_scoped3A = tpu.sem_alloc : memref<!tpu.dma_semaphore, #tpu.memory_space<semaphore_mem>>
      %dma_start3A = arith.constant 0 : i32
      %dma_start3A_42 = tpu.memref_slice %arg5[%dma_start3A] : memref<24592xi32, #tpu.memory_space<vmem>> -> memref<24576xi32, #tpu.memory_space<vmem>>
      %dma_start3A_43 = arith.constant 0 : i32
      %dma_start3A_44 = tpu.memref_slice %arg5[%dma_start3A_43] : memref<24592xi32, #tpu.memory_space<vmem>> -> memref<24576xi32, #tpu.memory_space<vmem>>
      tpu.enqueue_dma source(%arg2 : memref<24576xi32, #tpu.memory_space<hbm>>) target(%dma_start3A_44 : memref<24576xi32, #tpu.memory_space<vmem>>) target_semaphore(%run_scoped3A : memref<!tpu.dma_semaphore, #tpu.memory_space<semaphore_mem>>)
      %dma_wait3A = arith.constant 0 : i32
      %dma_wait3A_45 = tpu.memref_slice %arg5[%dma_wait3A] : memref<24592xi32, #tpu.memory_space<vmem>> -> memref<24576xi32, #tpu.memory_space<vmem>>
      %dma_wait3A_46 = arith.constant 0 : i32
      %dma_wait3A_47 = tpu.memref_slice %arg5[%dma_wait3A_46] : memref<24592xi32, #tpu.memory_space<vmem>> -> memref<24576xi32, #tpu.memory_space<vmem>>
      tpu.wait_dma2 semaphore(%run_scoped3A : memref<!tpu.dma_semaphore, #tpu.memory_space<semaphore_mem>>) src(%arg2 : memref<24576xi32, #tpu.memory_space<hbm>>) dst(%dma_wait3A_47 : memref<24576xi32, #tpu.memory_space<vmem>>)
      tpu.yield
    }) : () -> ()
    %eq3A = arith.constant 1 : i32
    %eq3A_4 = vector.broadcast %eq3A : i32 to vector<16xi32>
    %eq3A_5 = arith.cmpi eq, %iota3A, %eq3A_4 : vector<16xi32>
    %jit3A = arith.constant 2048 : i32
    %jit3A_6 = arith.constant 0 : i32
    %broadcast_in_dim3A_7 = vector.broadcast %jit3A : i32 to vector<16xi32>
    %broadcast_in_dim3A_8 = vector.broadcast %jit3A_6 : i32 to vector<16xi32>
    %select_n3A = arith.select %eq3A_5, %broadcast_in_dim3A_7, %broadcast_in_dim3A_8 : vector<16xi1>, vector<16xi32>
    %swap3A = arith.constant 24576 : index
    %swap3A_9 = tpu.vector_load %arg5[%swap3A] {strides = array<i32>} : memref<24592xi32, #tpu.memory_space<vmem>>, vector<16xi32>,
    tpu.vector_store %arg5[%swap3A], %select_n3A {strides = array<i32>} : memref<24592xi32, #tpu.memory_space<vmem>>, vector<16xi32>,
    %scan3A = arith.constant 0 : i32
    %scan3A_10 = arith.constant 0 : i32
    %scan3A_11 = arith.constant 512 : i32
    %scan3A_12 = arith.addi %scan3A_10, %scan3A_11 : i32
    %scan3A_13 = arith.constant 1 : i32
    scf.for %scan3A_42 = %scan3A_10 to %scan3A_12 step %scan3A_13  : i32 {
      %mul3A_43 = arith.constant 16 : i32
      %mul3A_44 = arith.muli %scan3A_42, %mul3A_43 : i32
      %swap3A_45 = arith.index_cast %mul3A_44 : i32 to index
      %swap3A_46 = tpu.vector_load %arg9[%swap3A_45] {strides = array<i32>} : memref<8192xf32, #tpu.memory_space<vmem>>, vector<16xf32>,
      tpu.vector_store %arg9[%swap3A_45], %broadcast_in_dim3A_3 {strides = array<i32>} : memref<8192xf32, #tpu.memory_space<vmem>>, vector<16xf32>,
    }
    %scan3A_14 = arith.constant 512 : i32
    %scan3A_15 = arith.constant 0 : i32
    %scan3A_16 = arith.constant 0 : i32
    %scan3A_17 = arith.constant 512 : i32
    %scan3A_18 = arith.addi %scan3A_16, %scan3A_17 : i32
    %scan3A_19 = arith.constant 1 : i32
    %scan3A_20 = scf.for %scan3A_42 = %scan3A_16 to %scan3A_18 step %scan3A_19 iter_args(%scan3A_43 = %scan3A_15) -> (i32)  : i32 {
      %mul3A_44 = arith.constant 16 : i32
      %mul3A_45 = arith.muli %scan3A_42, %mul3A_44 : i32
      %add3A_46 = vector.broadcast %mul3A_45 : i32 to vector<16xi32>
      %add3A_47 = arith.addi %add3A_46, %iota3A : vector<16xi32>
      %mul3A_48 = arith.constant 3 : i32
      %mul3A_49 = vector.broadcast %mul3A_48 : i32 to vector<16xi32>
      %mul3A_50 = arith.muli %add3A_47, %mul3A_49 : vector<16xi32>
      %add3A_51 = arith.constant 1 : i32
      %add3A_52 = vector.broadcast %add3A_51 : i32 to vector<16xi32>
      %add3A_53 = arith.addi %mul3A_50, %add3A_52 : vector<16xi32>
      %gather3A = tpu.vector_load_idx %arg5[%add3A_53] : memref<24592xi32, #tpu.memory_space<vmem>>[vector<16xi32>], vector<16xi32>,
      %sub3A = arith.constant 31 : i32
      %sub3A_54 = arith.subi %mul3A_2, %sub3A : i32
      %ge3A = vector.broadcast %sub3A_54 : i32 to vector<16xi32>
      %ge3A_55 = arith.cmpi sge, %gather3A, %ge3A : vector<16xi32>
      %add3A_56 = arith.constant 16 : i32
      %add3A_57 = arith.addi %mul3A_2, %add3A_56 : i32
      %add3A_58 = arith.constant 31 : i32
      %add3A_59 = arith.addi %add3A_57, %add3A_58 : i32
      %le3A = vector.broadcast %add3A_59 : i32 to vector<16xi32>
      %le3A_60 = arith.cmpi sle, %gather3A, %le3A : vector<16xi32>
      %and3A = arith.andi %ge3A_55, %le3A_60 : vector<16xi1>
      %add3A_61 = vector.broadcast %mul3A_45 : i32 to vector<16xi32>
      %add3A_62 = arith.addi %add3A_61, %iota3A : vector<16xi32>
      %swap3A_63 = arith.index_cast %scan3A_43 : i32 to index
      %swap3A_64 = tpu.vector_load %arg6[%swap3A_63] masked %and3A {strides = array<i32>} : memref<8224xi32, #tpu.memory_space<vmem>>, vector<16xi32>, vector<16xi1>
      tpu.vector_store %arg6[%swap3A_63], %add3A_62 masked %and3A {strides = array<i32>} : memref<8224xi32, #tpu.memory_space<vmem>>, vector<16xi32>, vector<16xi1>
      %convert_element_type3A_65 = arith.extui %and3A : vector<16xi1> to vector<16xi32>
      %reduce_sum3A = arith.constant true
      %reduce_sum3A_66 = vector.broadcast %reduce_sum3A : i1 to vector<16xi1>
      %reduce_sum3A_67 = tpu.scan <sum>, %convert_element_type3A_65 masked %reduce_sum3A_66 : vector<16xi32>, vector<16xi1> -> vector<16xi32>
      %reduce_sum3A_68 = vector.extract %reduce_sum3A_67[15] : i32 from vector<16xi32>
      %add3A_69 = arith.addi %scan3A_43, %reduce_sum3A_68 : i32
      scf.yield %add3A_69 : i32
    }
    %scan3A_21 = arith.constant 512 : i32
    %broadcast_in_dim3A_22 = arith.constant 8192 : i32
    %broadcast_in_dim3A_23 = vector.broadcast %broadcast_in_dim3A_22 : i32 to vector<16xi32>
    %swap3A_24 = arith.index_cast %scan3A_20 : i32 to index
    %swap3A_25 = tpu.vector_load %arg6[%swap3A_24] {strides = array<i32>} : memref<8224xi32, #tpu.memory_space<vmem>>, vector<16xi32>,
    tpu.vector_store %arg6[%swap3A_24], %broadcast_in_dim3A_23 {strides = array<i32>} : memref<8224xi32, #tpu.memory_space<vmem>>, vector<16xi32>,
    %add3A_26 = arith.constant 7 : i32
    %add3A_27 = arith.addi %scan3A_20, %add3A_26 : i32
    %div3A = arith.constant 8 : i32
    %div3A_28 = arith.divsi %add3A_27, %div3A : i32
    %gt3A = arith.constant 0 : i32
    %gt3A_29 = arith.cmpi sgt, %div3A_28, %gt3A : i32
    %convert_element_type3A = arith.extui %gt3A_29 : i1 to i32
    %cond3A = arith.constant 0 : i32
    %cond3A_30 = arith.cmpi ne, %convert_element_type3A, %cond3A : i32
    scf.if %cond3A_30 {
      %get3A = arith.constant 0 : index
      %get3A_42 = tpu.vector_load %arg6[%get3A] {strides = array<i32>} : memref<8224xi32, #tpu.memory_space<vmem>>, vector<16xi32>,
      %mul3A_43 = arith.constant 3 : i32
      %mul3A_44 = vector.broadcast %mul3A_43 : i32 to vector<16xi32>
      %mul3A_45 = arith.muli %get3A_42, %mul3A_44 : vector<16xi32>
      %gather3A = tpu.vector_load_idx %arg5[%mul3A_45] : memref<24592xi32, #tpu.memory_space<vmem>>[vector<16xi32>], vector<16xi32>,
      %mul3A_46 = arith.constant 3 : i32
      %mul3A_47 = vector.broadcast %mul3A_46 : i32 to vector<16xi32>
      %mul3A_48 = arith.muli %get3A_42, %mul3A_47 : vector<16xi32>
      %add3A_49 = arith.constant 1 : i32
      %add3A_50 = vector.broadcast %add3A_49 : i32 to vector<16xi32>
      %add3A_51 = arith.addi %mul3A_48, %add3A_50 : vector<16xi32>
      %gather3A_52 = tpu.vector_load_idx %arg5[%add3A_51] : memref<24592xi32, #tpu.memory_space<vmem>>[vector<16xi32>], vector<16xi32>,
      %mul3A_53 = arith.constant 3 : i32
      %mul3A_54 = vector.broadcast %mul3A_53 : i32 to vector<16xi32>
      %mul3A_55 = arith.muli %get3A_42, %mul3A_54 : vector<16xi32>
      %add3A_56 = arith.constant 2 : i32
      %add3A_57 = vector.broadcast %add3A_56 : i32 to vector<16xi32>
      %add3A_58 = arith.addi %mul3A_55, %add3A_57 : vector<16xi32>
      %gather3A_59 = tpu.vector_load_idx %arg5[%add3A_58] : memref<24592xi32, #tpu.memory_space<vmem>>[vector<16xi32>], vector<16xi32>,
      %sub3A = arith.constant 32 : i32
      %sub3A_60 = vector.broadcast %sub3A : i32 to vector<16xi32>
      %sub3A_61 = arith.subi %gather3A_52, %sub3A_60 : vector<16xi32>
      %sub3A_62 = vector.broadcast %mul3A_2 : i32 to vector<16xi32>
      %sub3A_63 = arith.subi %sub3A_61, %sub3A_62 : vector<16xi32>
      %max3A = arith.constant 0 : i32
      %max3A_64 = vector.broadcast %max3A : i32 to vector<16xi32>
      %max3A_65 = arith.maxsi %max3A_64, %sub3A_63 : vector<16xi32>
      %add3A_66 = arith.constant 32 : i32
      %add3A_67 = vector.broadcast %add3A_66 : i32 to vector<16xi32>
      %add3A_68 = arith.addi %gather3A_52, %add3A_67 : vector<16xi32>
      %sub3A_69 = vector.broadcast %mul3A_2 : i32 to vector<16xi32>
      %sub3A_70 = arith.subi %add3A_68, %sub3A_69 : vector<16xi32>
      %min3A = arith.constant 16 : i32
      %min3A_71 = vector.broadcast %min3A : i32 to vector<16xi32>
      %min3A_72 = arith.minsi %min3A_71, %sub3A_70 : vector<16xi32>
      %add3A_73 = vector.broadcast %mul3A_2 : i32 to vector<16xi32>
      %add3A_74 = arith.addi %add3A_73, %max3A_65 : vector<16xi32>
      %add3A_75 = arith.constant 32 : i32
      %add3A_76 = vector.broadcast %add3A_75 : i32 to vector<16xi32>
      %add3A_77 = arith.addi %add3A_74, %add3A_76 : vector<16xi32>
      %sub3A_78 = arith.subi %add3A_77, %gather3A_52 : vector<16xi32>
      %jit3A_79 = arith.constant 0 : i32
      %jit3A_80 = arith.constant 48 : i32
      %max3A_81 = vector.broadcast %jit3A_79 : i32 to vector<16xi32>
      %max3A_82 = arith.maxsi %max3A_81, %sub3A_78 : vector<16xi32>
      %min3A_83 = vector.broadcast %jit3A_80 : i32 to vector<16xi32>
      %min3A_84 = arith.minsi %min3A_83, %max3A_82 : vector<16xi32>
      %add3A_85 = arith.constant 32 : i32
      %add3A_86 = arith.addi %mul3A_2, %add3A_85 : i32
      %sub3A_87 = vector.broadcast %add3A_86 : i32 to vector<16xi32>
      %sub3A_88 = arith.subi %sub3A_87, %gather3A_52 : vector<16xi32>
      %sub3A_89 = arith.subi %sub3A_88, %min3A_84 : vector<16xi32>
      %mul3A_90 = arith.constant 64 : i32
      %mul3A_91 = vector.broadcast %mul3A_90 : i32 to vector<16xi32>
      %mul3A_92 = arith.muli %gather3A, %mul3A_91 : vector<16xi32>
      %add3A_93 = arith.addi %mul3A_92, %min3A_84 : vector<16xi32>
      %slice3A = vector.extract_strided_slice %add3A_93 {offsets = [0], sizes = [1], strides = [1]} : vector<16xi32> to vector<1xi32>
      %squeeze3A = vector.extract %slice3A[0] : i32 from vector<1xi32>
      %add3A_94 = vector.broadcast %squeeze3A : i32 to vector<16xi32>
      %add3A_95 = arith.addi %add3A_94, %iota3A : vector<16xi32>
      %swap3A_96 = arith.constant 0 : i32
      %swap3A_97 = arith.index_cast %swap3A_96 : i32 to index
      %swap3A_98 = arith.constant 0 : index
      %swap3A_99 = tpu.vector_load %arg7[%swap3A_97, %swap3A_98] {strides = array<i32>} : memref<2x128xi32, #tpu.memory_space<vmem>>, vector<16xi32>,
      tpu.vector_store %arg7[%swap3A_97, %swap3A_98], %add3A_95 {strides = array<i32>} : memref<2x128xi32, #tpu.memory_space<vmem>>, vector<16xi32>,
      %slice3A_100 = vector.extract_strided_slice %add3A_93 {offsets = [1], sizes = [1], strides = [1]} : vector<16xi32> to vector<1xi32>
      %squeeze3A_101 = vector.extract %slice3A_100[0] : i32 from vector<1xi32>
      %add3A_102 = vector.broadcast %squeeze3A_101 : i32 to vector<16xi32>
      %add3A_103 = arith.addi %add3A_102, %iota3A : vector<16xi32>
      %swap3A_104 = arith.constant 0 : i32
      %swap3A_105 = arith.index_cast %swap3A_104 : i32 to index
      %swap3A_106 = arith.constant 16 : index
      %swap3A_107 = tpu.vector_load %arg7[%swap3A_105, %swap3A_106] {strides = array<i32>} : memref<2x128xi32, #tpu.memory_space<vmem>>, vector<16xi32>,
      tpu.vector_store %arg7[%swap3A_105, %swap3A_106], %add3A_103 {strides = array<i32>} : memref<2x128xi32, #tpu.memory_space<vmem>>, vector<16xi32>,
      %slice3A_108 = vector.extract_strided_slice %add3A_93 {offsets = [2], sizes = [1], strides = [1]} : vector<16xi32> to vector<1xi32>
      %squeeze3A_109 = vector.extract %slice3A_108[0] : i32 from vector<1xi32>
      %add3A_110 = vector.broadcast %squeeze3A_109 : i32 to vector<16xi32>
      %add3A_111 = arith.addi %add3A_110, %iota3A : vector<16xi32>
      %swap3A_112 = arith.constant 0 : i32
      %swap3A_113 = arith.index_cast %swap3A_112 : i32 to index
      %swap3A_114 = arith.constant 32 : index
      %swap3A_115 = tpu.vector_load %arg7[%swap3A_113, %swap3A_114] {strides = array<i32>} : memref<2x128xi32, #tpu.memory_space<vmem>>, vector<16xi32>,
      tpu.vector_store %arg7[%swap3A_113, %swap3A_114], %add3A_111 {strides = array<i32>} : memref<2x128xi32, #tpu.memory_space<vmem>>, vector<16xi32>,
      %slice3A_116 = vector.extract_strided_slice %add3A_93 {offsets = [3], sizes = [1], strides = [1]} : vector<16xi32> to vector<1xi32>
      %squeeze3A_117 = vector.extract %slice3A_116[0] : i32 from vector<1xi32>
      %add3A_118 = vector.broadcast %squeeze3A_117 : i32 to vector<16xi32>
      %add3A_119 = arith.addi %add3A_118, %iota3A : vector<16xi32>
      %swap3A_120 = arith.constant 0 : i32
      %swap3A_121 = arith.index_cast %swap3A_120 : i32 to index
      %swap3A_122 = arith.constant 48 : index
      %swap3A_123 = tpu.vector_load %arg7[%swap3A_121, %swap3A_122] {strides = array<i32>} : memref<2x128xi32, #tpu.memory_space<vmem>>, vector<16xi32>,
      tpu.vector_store %arg7[%swap3A_121, %swap3A_122], %add3A_119 {strides = array<i32>} : memref<2x128xi32, #tpu.memory_space<vmem>>, vector<16xi32>,
      %slice3A_124 = vector.extract_strided_slice %add3A_93 {offsets = [4], sizes = [1], strides = [1]} : vector<16xi32> to vector<1xi32>
      %squeeze3A_125 = vector.extract %slice3A_124[0] : i32 from vector<1xi32>
      %add3A_126 = vector.broadcast %squeeze3A_125 : i32 to vector<16xi32>
      %add3A_127 = arith.addi %add3A_126, %iota3A : vector<16xi32>
      %swap3A_128 = arith.constant 0 : i32
      %swap3A_129 = arith.index_cast %swap3A_128 : i32 to index
      %swap3A_130 = arith.constant 64 : index
      %swap3A_131 = tpu.vector_load %arg7[%swap3A_129, %swap3A_130] {strides = array<i32>} : memref<2x128xi32, #tpu.memory_space<vmem>>, vector<16xi32>,
      tpu.vector_store %arg7[%swap3A_129, %swap3A_130], %add3A_127 {strides = array<i32>} : memref<2x128xi32, #tpu.memory_space<vmem>>, vector<16xi32>,
      %slice3A_132 = vector.extract_strided_slice %add3A_93 {offsets = [5], sizes = [1], strides = [1]} : vector<16xi32> to vector<1xi32>
      %squeeze3A_133 = vector.extract %slice3A_132[0] : i32 from vector<1xi32>
      %add3A_134 = vector.broadcast %squeeze3A_133 : i32 to vector<16xi32>
      %add3A_135 = arith.addi %add3A_134, %iota3A : vector<16xi32>
      %swap3A_136 = arith.constant 0 : i32
      %swap3A_137 = arith.index_cast %swap3A_136 : i32 to index
      %swap3A_138 = arith.constant 80 : index
      %swap3A_139 = tpu.vector_load %arg7[%swap3A_137, %swap3A_138] {strides = array<i32>} : memref<2x128xi32, #tpu.memory_space<vmem>>, vector<16xi32>,
      tpu.vector_store %arg7[%swap3A_137, %swap3A_138], %add3A_135 {strides = array<i32>} : memref<2x128xi32, #tpu.memory_space<vmem>>, vector<16xi32>,
      %slice3A_140 = vector.extract_strided_slice %add3A_93 {offsets = [6], sizes = [1], strides = [1]} : vector<16xi32> to vector<1xi32>
      %squeeze3A_141 = vector.extract %slice3A_140[0] : i32 from vector<1xi32>
      %add3A_142 = vector.broadcast %squeeze3A_141 : i32 to vector<16xi32>
      %add3A_143 = arith.addi %add3A_142, %iota3A : vector<16xi32>
      %swap3A_144 = arith.constant 0 : i32
      %swap3A_145 = arith.index_cast %swap3A_144 : i32 to index
      %swap3A_146 = arith.constant 96 : index
      %swap3A_147 = tpu.vector_load %arg7[%swap3A_145, %swap3A_146] {strides = array<i32>} : memref<2x128xi32, #tpu.memory_space<vmem>>, vector<16xi32>,
      tpu.vector_store %arg7[%swap3A_145, %swap3A_146], %add3A_143 {strides = array<i32>} : memref<2x128xi32, #tpu.memory_space<vmem>>, vector<16xi32>,
      %slice3A_148 = vector.extract_strided_slice %add3A_93 {offsets = [7], sizes = [1], strides = [1]} : vector<16xi32> to vector<1xi32>
      %squeeze3A_149 = vector.extract %slice3A_148[0] : i32 from vector<1xi32>
      %add3A_150 = vector.broadcast %squeeze3A_149 : i32 to vector<16xi32>
      %add3A_151 = arith.addi %add3A_150, %iota3A : vector<16xi32>
      %swap3A_152 = arith.constant 0 : i32
      %swap3A_153 = arith.index_cast %swap3A_152 : i32 to index
      %swap3A_154 = arith.constant 112 : index
      %swap3A_155 = tpu.vector_load %arg7[%swap3A_153, %swap3A_154] {strides = array<i32>} : memref<2x128xi32, #tpu.memory_space<vmem>>, vector<16xi32>,
      tpu.vector_store %arg7[%swap3A_153, %swap3A_154], %add3A_151 {strides = array<i32>} : memref<2x128xi32, #tpu.memory_space<vmem>>, vector<16xi32>,
      %dma_start3A = arith.constant 0 : i32
      %dma_start3A_156 = arith.constant 0 : i32
      %dma_start3A_157 = arith.constant 0 : i32
      %dma_start3A_158 = arith.constant 0 : i32
      %dma_start3A_159 = arith.constant 0 : i32
      %dma_start3A_160 = tpu.memref_slice %arg8[%dma_start3A_156, %dma_start3A_158, %dma_start3A_159] : memref<2x128x64xf32, #tpu.memory_space<vmem>> -> memref<1x128x64xf32, #tpu.memory_space<vmem>>
      %dma_start3A_161 = tpu.memref_squeeze %dma_start3A_160 : memref<1x128x64xf32, #tpu.memory_space<vmem>> -> memref<128x64xf32, #tpu.memory_space<vmem>>
      %dma_start3A_162 = arith.constant 0 : i32
      %dma_start3A_163 = tpu.memref_slice %arg7[%dma_start3A, %dma_start3A_162] : memref<2x128xi32, #tpu.memory_space<vmem>> -> memref<1x128xi32, #tpu.memory_space<vmem>>
      %dma_start3A_164 = tpu.memref_squeeze %dma_start3A_163 : memref<1x128xi32, #tpu.memory_space<vmem>> -> memref<128xi32, #tpu.memory_space<vmem>>
      %dma_start3A_165 = arith.constant 0 : i32
      %dma_start3A_166 = arith.constant 0 : i32
      %dma_start3A_167 = tpu.memref_slice %arg3[%dma_start3A_165, %dma_start3A_166] : memref<32768x64xf32, #tpu.memory_space<hbm>> -> memref<32768x64xf32, #tpu.memory_space<hbm>>
      %dma_start3A_168 = tpu.memref_slice %arg10[%dma_start3A_157] : memref<2x!tpu.dma_semaphore, #tpu.memory_space<semaphore_mem>> -> memref<1x!tpu.dma_semaphore, #tpu.memory_space<semaphore_mem>>
      %dma_start3A_169 = tpu.memref_squeeze %dma_start3A_168 : memref<1x!tpu.dma_semaphore, #tpu.memory_space<semaphore_mem>> -> memref<!tpu.dma_semaphore, #tpu.memory_space<semaphore_mem>>
      tpu.enqueue_indirect_dma source(%dma_start3A_167 : memref<32768x64xf32, #tpu.memory_space<hbm>>) target(%dma_start3A_161 : memref<128x64xf32, #tpu.memory_space<vmem>>) offsets(%dma_start3A_164 : memref<128xi32, #tpu.memory_space<vmem>>) semaphore(%dma_start3A_169 : memref<!tpu.dma_semaphore, #tpu.memory_space<semaphore_mem>>)
    } else {
    }
    %while3A = arith.constant 0 : i32
    %while3A_31 = arith.constant 0 : i32
    %while3A_32 = arith.subi %div3A_28, %while3A_31 : i32
    %while3A_33 = arith.addi %while3A_31, %while3A_32 : i32
    %while3A_34 = arith.constant 1 : i32
    %while3A_35 = arith.divsi %while3A_32, %while3A_34 : i32
    %while3A_36 = arith.muli %while3A_35, %while3A_34 : i32
    %while3A_37 = arith.addi %while3A_31, %while3A_36 : i32
    %while3A_38 = arith.constant 1 : i32
    scf.for %while3A_42 = %while3A_31 to %while3A_37 step %while3A_38  : i32 {
      %rem3A = arith.constant 2 : i32
      %rem3A_43 = arith.remsi %while3A_42, %rem3A : i32
      %add3A_44 = arith.constant 1 : i32
      %add3A_45 = arith.addi %while3A_42, %add3A_44 : i32
      %lt3A = arith.cmpi slt, %add3A_45, %div3A_28 : i32
      %convert_element_type3A_46 = arith.extui %lt3A : i1 to i32
      %cond3A_47 = arith.constant 0 : i32
      %cond3A_48 = arith.cmpi ne, %convert_element_type3A_46, %cond3A_47 : i32
      scf.if %cond3A_48 {
        %add3A_814 = arith.constant 1 : i32
        %add3A_815 = arith.addi %while3A_42, %add3A_814 : i32
        %sub3A_816 = arith.constant 1 : i32
        %sub3A_817 = arith.subi %sub3A_816, %rem3A_43 : i32
        %mul3A_818 = arith.constant 8 : i32
        %mul3A_819 = arith.muli %add3A_815, %mul3A_818 : i32
        %get3A_820 = arith.index_cast %mul3A_819 : i32 to index
        %get3A_821 = tpu.vector_load %arg6[%get3A_820] {strides = array<i32>} : memref<8224xi32, #tpu.memory_space<vmem>>, vector<16xi32>,
        %mul3A_822 = arith.constant 3 : i32
        %mul3A_823 = vector.broadcast %mul3A_822 : i32 to vector<16xi32>
        %mul3A_824 = arith.muli %get3A_821, %mul3A_823 : vector<16xi32>
        %gather3A_825 = tpu.vector_load_idx %arg5[%mul3A_824] : memref<24592xi32, #tpu.memory_space<vmem>>[vector<16xi32>], vector<16xi32>,
        %mul3A_826 = arith.constant 3 : i32
        %mul3A_827 = vector.broadcast %mul3A_826 : i32 to vector<16xi32>
        %mul3A_828 = arith.muli %get3A_821, %mul3A_827 : vector<16xi32>
        %add3A_829 = arith.constant 1 : i32
        %add3A_830 = vector.broadcast %add3A_829 : i32 to vector<16xi32>
        %add3A_831 = arith.addi %mul3A_828, %add3A_830 : vector<16xi32>
        %gather3A_832 = tpu.vector_load_idx %arg5[%add3A_831] : memref<24592xi32, #tpu.memory_space<vmem>>[vector<16xi32>], vector<16xi32>,
        %mul3A_833 = arith.constant 3 : i32
        %mul3A_834 = vector.broadcast %mul3A_833 : i32 to vector<16xi32>
        %mul3A_835 = arith.muli %get3A_821, %mul3A_834 : vector<16xi32>
        %add3A_836 = arith.constant 2 : i32
        %add3A_837 = vector.broadcast %add3A_836 : i32 to vector<16xi32>
        %add3A_838 = arith.addi %mul3A_835, %add3A_837 : vector<16xi32>
        %gather3A_839 = tpu.vector_load_idx %arg5[%add3A_838] : memref<24592xi32, #tpu.memory_space<vmem>>[vector<16xi32>], vector<16xi32>,
        %sub3A_840 = arith.constant 32 : i32
        %sub3A_841 = vector.broadcast %sub3A_840 : i32 to vector<16xi32>
        %sub3A_842 = arith.subi %gather3A_832, %sub3A_841 : vector<16xi32>
        %sub3A_843 = vector.broadcast %mul3A_2 : i32 to vector<16xi32>
        %sub3A_844 = arith.subi %sub3A_842, %sub3A_843 : vector<16xi32>
        %max3A_845 = arith.constant 0 : i32
        %max3A_846 = vector.broadcast %max3A_845 : i32 to vector<16xi32>
        %max3A_847 = arith.maxsi %max3A_846, %sub3A_844 : vector<16xi32>
        %add3A_848 = arith.constant 32 : i32
        %add3A_849 = vector.broadcast %add3A_848 : i32 to vector<16xi32>
        %add3A_850 = arith.addi %gather3A_832, %add3A_849 : vector<16xi32>
        %sub3A_851 = vector.broadcast %mul3A_2 : i32 to vector<16xi32>
        %sub3A_852 = arith.subi %add3A_850, %sub3A_851 : vector<16xi32>
        %min3A_853 = arith.constant 16 : i32
        %min3A_854 = vector.broadcast %min3A_853 : i32 to vector<16xi32>
        %min3A_855 = arith.minsi %min3A_854, %sub3A_852 : vector<16xi32>
        %add3A_856 = vector.broadcast %mul3A_2 : i32 to vector<16xi32>
        %add3A_857 = arith.addi %add3A_856, %max3A_847 : vector<16xi32>
        %add3A_858 = arith.constant 32 : i32
        %add3A_859 = vector.broadcast %add3A_858 : i32 to vector<16xi32>
        %add3A_860 = arith.addi %add3A_857, %add3A_859 : vector<16xi32>
        %sub3A_861 = arith.subi %add3A_860, %gather3A_832 : vector<16xi32>
        %jit3A_862 = arith.constant 0 : i32
        %jit3A_863 = arith.constant 48 : i32
        %max3A_864 = vector.broadcast %jit3A_862 : i32 to vector<16xi32>
        %max3A_865 = arith.maxsi %max3A_864, %sub3A_861 : vector<16xi32>
        %min3A_866 = vector.broadcast %jit3A_863 : i32 to vector<16xi32>
        %min3A_867 = arith.minsi %min3A_866, %max3A_865 : vector<16xi32>
        %add3A_868 = arith.constant 32 : i32
        %add3A_869 = arith.addi %mul3A_2, %add3A_868 : i32
        %sub3A_870 = vector.broadcast %add3A_869 : i32 to vector<16xi32>
        %sub3A_871 = arith.subi %sub3A_870, %gather3A_832 : vector<16xi32>
        %sub3A_872 = arith.subi %sub3A_871, %min3A_867 : vector<16xi32>
        %mul3A_873 = arith.constant 64 : i32
        %mul3A_874 = vector.broadcast %mul3A_873 : i32 to vector<16xi32>
        %mul3A_875 = arith.muli %gather3A_825, %mul3A_874 : vector<16xi32>
        %add3A_876 = arith.addi %mul3A_875, %min3A_867 : vector<16xi32>
        %slice3A_877 = vector.extract_strided_slice %add3A_876 {offsets = [0], sizes = [1], strides = [1]} : vector<16xi32> to vector<1xi32>
        %squeeze3A_878 = vector.extract %slice3A_877[0] : i32 from vector<1xi32>
        %add3A_879 = vector.broadcast %squeeze3A_878 : i32 to vector<16xi32>
        %add3A_880 = arith.addi %add3A_879, %iota3A : vector<16xi32>
        %swap3A_881 = arith.index_cast %sub3A_817 : i32 to index
        %swap3A_882 = arith.constant 0 : index
        %swap3A_883 = tpu.vector_load %arg7[%swap3A_881, %swap3A_882] {strides = array<i32>} : memref<2x128xi32, #tpu.memory_space<vmem>>, vector<16xi32>,
        tpu.vector_store %arg7[%swap3A_881, %swap3A_882], %add3A_880 {strides = array<i32>} : memref<2x128xi32, #tpu.memory_space<vmem>>, vector<16xi32>,
        %slice3A_884 = vector.extract_strided_slice %add3A_876 {offsets = [1], sizes = [1], strides = [1]} : vector<16xi32> to vector<1xi32>
        %squeeze3A_885 = vector.extract %slice3A_884[0] : i32 from vector<1xi32>
        %add3A_886 = vector.broadcast %squeeze3A_885 : i32 to vector<16xi32>
        %add3A_887 = arith.addi %add3A_886, %iota3A : vector<16xi32>
        %swap3A_888 = arith.index_cast %sub3A_817 : i32 to index
        %swap3A_889 = arith.constant 16 : index
        %swap3A_890 = tpu.vector_load %arg7[%swap3A_888, %swap3A_889] {strides = array<i32>} : memref<2x128xi32, #tpu.memory_space<vmem>>, vector<16xi32>,
        tpu.vector_store %arg7[%swap3A_888, %swap3A_889], %add3A_887 {strides = array<i32>} : memref<2x128xi32, #tpu.memory_space<vmem>>, vector<16xi32>,
        %slice3A_891 = vector.extract_strided_slice %add3A_876 {offsets = [2], sizes = [1], strides = [1]} : vector<16xi32> to vector<1xi32>
        %squeeze3A_892 = vector.extract %slice3A_891[0] : i32 from vector<1xi32>
        %add3A_893 = vector.broadcast %squeeze3A_892 : i32 to vector<16xi32>
        %add3A_894 = arith.addi %add3A_893, %iota3A : vector<16xi32>
        %swap3A_895 = arith.index_cast %sub3A_817 : i32 to index
        %swap3A_896 = arith.constant 32 : index
        %swap3A_897 = tpu.vector_load %arg7[%swap3A_895, %swap3A_896] {strides = array<i32>} : memref<2x128xi32, #tpu.memory_space<vmem>>, vector<16xi32>,
        tpu.vector_store %arg7[%swap3A_895, %swap3A_896], %add3A_894 {strides = array<i32>} : memref<2x128xi32, #tpu.memory_space<vmem>>, vector<16xi32>,
        %slice3A_898 = vector.extract_strided_slice %add3A_876 {offsets = [3], sizes = [1], strides = [1]} : vector<16xi32> to vector<1xi32>
        %squeeze3A_899 = vector.extract %slice3A_898[0] : i32 from vector<1xi32>
        %add3A_900 = vector.broadcast %squeeze3A_899 : i32 to vector<16xi32>
        %add3A_901 = arith.addi %add3A_900, %iota3A : vector<16xi32>
        %swap3A_902 = arith.index_cast %sub3A_817 : i32 to index
        %swap3A_903 = arith.constant 48 : index
        %swap3A_904 = tpu.vector_load %arg7[%swap3A_902, %swap3A_903] {strides = array<i32>} : memref<2x128xi32, #tpu.memory_space<vmem>>, vector<16xi32>,
        tpu.vector_store %arg7[%swap3A_902, %swap3A_903], %add3A_901 {strides = array<i32>} : memref<2x128xi32, #tpu.memory_space<vmem>>, vector<16xi32>,
        %slice3A_905 = vector.extract_strided_slice %add3A_876 {offsets = [4], sizes = [1], strides = [1]} : vector<16xi32> to vector<1xi32>
        %squeeze3A_906 = vector.extract %slice3A_905[0] : i32 from vector<1xi32>
        %add3A_907 = vector.broadcast %squeeze3A_906 : i32 to vector<16xi32>
        %add3A_908 = arith.addi %add3A_907, %iota3A : vector<16xi32>
        %swap3A_909 = arith.index_cast %sub3A_817 : i32 to index
        %swap3A_910 = arith.constant 64 : index
        %swap3A_911 = tpu.vector_load %arg7[%swap3A_909, %swap3A_910] {strides = array<i32>} : memref<2x128xi32, #tpu.memory_space<vmem>>, vector<16xi32>,
        tpu.vector_store %arg7[%swap3A_909, %swap3A_910], %add3A_908 {strides = array<i32>} : memref<2x128xi32, #tpu.memory_space<vmem>>, vector<16xi32>,
        %slice3A_912 = vector.extract_strided_slice %add3A_876 {offsets = [5], sizes = [1], strides = [1]} : vector<16xi32> to vector<1xi32>
        %squeeze3A_913 = vector.extract %slice3A_912[0] : i32 from vector<1xi32>
        %add3A_914 = vector.broadcast %squeeze3A_913 : i32 to vector<16xi32>
        %add3A_915 = arith.addi %add3A_914, %iota3A : vector<16xi32>
        %swap3A_916 = arith.index_cast %sub3A_817 : i32 to index
        %swap3A_917 = arith.constant 80 : index
        %swap3A_918 = tpu.vector_load %arg7[%swap3A_916, %swap3A_917] {strides = array<i32>} : memref<2x128xi32, #tpu.memory_space<vmem>>, vector<16xi32>,
        tpu.vector_store %arg7[%swap3A_916, %swap3A_917], %add3A_915 {strides = array<i32>} : memref<2x128xi32, #tpu.memory_space<vmem>>, vector<16xi32>,
        %slice3A_919 = vector.extract_strided_slice %add3A_876 {offsets = [6], sizes = [1], strides = [1]} : vector<16xi32> to vector<1xi32>
        %squeeze3A_920 = vector.extract %slice3A_919[0] : i32 from vector<1xi32>
        %add3A_921 = vector.broadcast %squeeze3A_920 : i32 to vector<16xi32>
        %add3A_922 = arith.addi %add3A_921, %iota3A : vector<16xi32>
        %swap3A_923 = arith.index_cast %sub3A_817 : i32 to index
        %swap3A_924 = arith.constant 96 : index
        %swap3A_925 = tpu.vector_load %arg7[%swap3A_923, %swap3A_924] {strides = array<i32>} : memref<2x128xi32, #tpu.memory_space<vmem>>, vector<16xi32>,
        tpu.vector_store %arg7[%swap3A_923, %swap3A_924], %add3A_922 {strides = array<i32>} : memref<2x128xi32, #tpu.memory_space<vmem>>, vector<16xi32>,
        %slice3A_926 = vector.extract_strided_slice %add3A_876 {offsets = [7], sizes = [1], strides = [1]} : vector<16xi32> to vector<1xi32>
        %squeeze3A_927 = vector.extract %slice3A_926[0] : i32 from vector<1xi32>
        %add3A_928 = vector.broadcast %squeeze3A_927 : i32 to vector<16xi32>
        %add3A_929 = arith.addi %add3A_928, %iota3A : vector<16xi32>
        %swap3A_930 = arith.index_cast %sub3A_817 : i32 to index
        %swap3A_931 = arith.constant 112 : index
        %swap3A_932 = tpu.vector_load %arg7[%swap3A_930, %swap3A_931] {strides = array<i32>} : memref<2x128xi32, #tpu.memory_space<vmem>>, vector<16xi32>,
        tpu.vector_store %arg7[%swap3A_930, %swap3A_931], %add3A_929 {strides = array<i32>} : memref<2x128xi32, #tpu.memory_space<vmem>>, vector<16xi32>,
        %dma_start3A = arith.constant 0 : i32
        %dma_start3A_933 = arith.constant 0 : i32
        %dma_start3A_934 = tpu.memref_slice %arg8[%sub3A_817, %dma_start3A, %dma_start3A_933] : memref<2x128x64xf32, #tpu.memory_space<vmem>> -> memref<1x128x64xf32, #tpu.memory_space<vmem>>
        %dma_start3A_935 = tpu.memref_squeeze %dma_start3A_934 : memref<1x128x64xf32, #tpu.memory_space<vmem>> -> memref<128x64xf32, #tpu.memory_space<vmem>>
        %dma_start3A_936 = arith.constant 0 : i32
        %dma_start3A_937 = tpu.memref_slice %arg7[%sub3A_817, %dma_start3A_936] : memref<2x128xi32, #tpu.memory_space<vmem>> -> memref<1x128xi32, #tpu.memory_space<vmem>>
        %dma_start3A_938 = tpu.memref_squeeze %dma_start3A_937 : memref<1x128xi32, #tpu.memory_space<vmem>> -> memref<128xi32, #tpu.memory_space<vmem>>
        %dma_start3A_939 = arith.constant 0 : i32
        %dma_start3A_940 = arith.constant 0 : i32
        %dma_start3A_941 = tpu.memref_slice %arg3[%dma_start3A_939, %dma_start3A_940] : memref<32768x64xf32, #tpu.memory_space<hbm>> -> memref<32768x64xf32, #tpu.memory_space<hbm>>
        %dma_start3A_942 = tpu.memref_slice %arg10[%sub3A_817] : memref<2x!tpu.dma_semaphore, #tpu.memory_space<semaphore_mem>> -> memref<1x!tpu.dma_semaphore, #tpu.memory_space<semaphore_mem>>
        %dma_start3A_943 = tpu.memref_squeeze %dma_start3A_942 : memref<1x!tpu.dma_semaphore, #tpu.memory_space<semaphore_mem>> -> memref<!tpu.dma_semaphore, #tpu.memory_space<semaphore_mem>>
        tpu.enqueue_indirect_dma source(%dma_start3A_941 : memref<32768x64xf32, #tpu.memory_space<hbm>>) target(%dma_start3A_935 : memref<128x64xf32, #tpu.memory_space<vmem>>) offsets(%dma_start3A_938 : memref<128xi32, #tpu.memory_space<vmem>>) semaphore(%dma_start3A_943 : memref<!tpu.dma_semaphore, #tpu.memory_space<semaphore_mem>>)
      } else {
      }
      %mul3A_49 = arith.constant 8 : i32
      %mul3A_50 = arith.muli %while3A_42, %mul3A_49 : i32
      %get3A = arith.index_cast %mul3A_50 : i32 to index
      %get3A_51 = tpu.vector_load %arg6[%get3A] {strides = array<i32>} : memref<8224xi32, #tpu.memory_space<vmem>>, vector<16xi32>,
      %mul3A_52 = arith.constant 3 : i32
      %mul3A_53 = vector.broadcast %mul3A_52 : i32 to vector<16xi32>
      %mul3A_54 = arith.muli %get3A_51, %mul3A_53 : vector<16xi32>
      %gather3A = tpu.vector_load_idx %arg5[%mul3A_54] : memref<24592xi32, #tpu.memory_space<vmem>>[vector<16xi32>], vector<16xi32>,
      %mul3A_55 = arith.constant 3 : i32
      %mul3A_56 = vector.broadcast %mul3A_55 : i32 to vector<16xi32>
      %mul3A_57 = arith.muli %get3A_51, %mul3A_56 : vector<16xi32>
      %add3A_58 = arith.constant 1 : i32
      %add3A_59 = vector.broadcast %add3A_58 : i32 to vector<16xi32>
      %add3A_60 = arith.addi %mul3A_57, %add3A_59 : vector<16xi32>
      %gather3A_61 = tpu.vector_load_idx %arg5[%add3A_60] : memref<24592xi32, #tpu.memory_space<vmem>>[vector<16xi32>], vector<16xi32>,
      %mul3A_62 = arith.constant 3 : i32
      %mul3A_63 = vector.broadcast %mul3A_62 : i32 to vector<16xi32>
      %mul3A_64 = arith.muli %get3A_51, %mul3A_63 : vector<16xi32>
      %add3A_65 = arith.constant 2 : i32
      %add3A_66 = vector.broadcast %add3A_65 : i32 to vector<16xi32>
      %add3A_67 = arith.addi %mul3A_64, %add3A_66 : vector<16xi32>
      %gather3A_68 = tpu.vector_load_idx %arg5[%add3A_67] : memref<24592xi32, #tpu.memory_space<vmem>>[vector<16xi32>], vector<16xi32>,
      %sub3A = arith.constant 32 : i32
      %sub3A_69 = vector.broadcast %sub3A : i32 to vector<16xi32>
      %sub3A_70 = arith.subi %gather3A_61, %sub3A_69 : vector<16xi32>
      %sub3A_71 = vector.broadcast %mul3A_2 : i32 to vector<16xi32>
      %sub3A_72 = arith.subi %sub3A_70, %sub3A_71 : vector<16xi32>
      %max3A = arith.constant 0 : i32
      %max3A_73 = vector.broadcast %max3A : i32 to vector<16xi32>
      %max3A_74 = arith.maxsi %max3A_73, %sub3A_72 : vector<16xi32>
      %add3A_75 = arith.constant 32 : i32
      %add3A_76 = vector.broadcast %add3A_75 : i32 to vector<16xi32>
      %add3A_77 = arith.addi %gather3A_61, %add3A_76 : vector<16xi32>
      %sub3A_78 = vector.broadcast %mul3A_2 : i32 to vector<16xi32>
      %sub3A_79 = arith.subi %add3A_77, %sub3A_78 : vector<16xi32>
      %min3A = arith.constant 16 : i32
      %min3A_80 = vector.broadcast %min3A : i32 to vector<16xi32>
      %min3A_81 = arith.minsi %min3A_80, %sub3A_79 : vector<16xi32>
      %add3A_82 = vector.broadcast %mul3A_2 : i32 to vector<16xi32>
      %add3A_83 = arith.addi %add3A_82, %max3A_74 : vector<16xi32>
      %add3A_84 = arith.constant 32 : i32
      %add3A_85 = vector.broadcast %add3A_84 : i32 to vector<16xi32>
      %add3A_86 = arith.addi %add3A_83, %add3A_85 : vector<16xi32>
      %sub3A_87 = arith.subi %add3A_86, %gather3A_61 : vector<16xi32>
      %jit3A_88 = arith.constant 0 : i32
      %jit3A_89 = arith.constant 48 : i32
      %max3A_90 = vector.broadcast %jit3A_88 : i32 to vector<16xi32>
      %max3A_91 = arith.maxsi %max3A_90, %sub3A_87 : vector<16xi32>
      %min3A_92 = vector.broadcast %jit3A_89 : i32 to vector<16xi32>
      %min3A_93 = arith.minsi %min3A_92, %max3A_91 : vector<16xi32>
      %add3A_94 = arith.constant 32 : i32
      %add3A_95 = arith.addi %mul3A_2, %add3A_94 : i32
      %sub3A_96 = vector.broadcast %add3A_95 : i32 to vector<16xi32>
      %sub3A_97 = arith.subi %sub3A_96, %gather3A_61 : vector<16xi32>
      %sub3A_98 = arith.subi %sub3A_97, %min3A_93 : vector<16xi32>
      %mul3A_99 = arith.constant 64 : i32
      %mul3A_100 = vector.broadcast %mul3A_99 : i32 to vector<16xi32>
      %mul3A_101 = arith.muli %gather3A, %mul3A_100 : vector<16xi32>
      %add3A_102 = arith.addi %mul3A_101, %min3A_93 : vector<16xi32>
      %dma_wait3A = arith.constant 0 : i32
      %dma_wait3A_103 = arith.constant 0 : i32
      %dma_wait3A_104 = tpu.memref_slice %arg8[%rem3A_43, %dma_wait3A, %dma_wait3A_103] : memref<2x128x64xf32, #tpu.memory_space<vmem>> -> memref<1x128x64xf32, #tpu.memory_space<vmem>>
      %dma_wait3A_105 = tpu.memref_squeeze %dma_wait3A_104 : memref<1x128x64xf32, #tpu.memory_space<vmem>> -> memref<128x64xf32, #tpu.memory_space<vmem>>
      %dma_wait3A_106 = arith.constant 0 : i32
      %dma_wait3A_107 = tpu.memref_slice %arg7[%rem3A_43, %dma_wait3A_106] : memref<2x128xi32, #tpu.memory_space<vmem>> -> memref<1x128xi32, #tpu.memory_space<vmem>>
      %dma_wait3A_108 = tpu.memref_squeeze %dma_wait3A_107 : memref<1x128xi32, #tpu.memory_space<vmem>> -> memref<128xi32, #tpu.memory_space<vmem>>
      %dma_wait3A_109 = arith.constant 0 : i32
      %dma_wait3A_110 = arith.constant 0 : i32
      %dma_wait3A_111 = tpu.memref_slice %arg3[%dma_wait3A_109, %dma_wait3A_110] : memref<32768x64xf32, #tpu.memory_space<hbm>> -> memref<32768x64xf32, #tpu.memory_space<hbm>>
      %dma_wait3A_112 = tpu.memref_slice %arg10[%rem3A_43] : memref<2x!tpu.dma_semaphore, #tpu.memory_space<semaphore_mem>> -> memref<1x!tpu.dma_semaphore, #tpu.memory_space<semaphore_mem>>
      %dma_wait3A_113 = tpu.memref_squeeze %dma_wait3A_112 : memref<1x!tpu.dma_semaphore, #tpu.memory_space<semaphore_mem>> -> memref<!tpu.dma_semaphore, #tpu.memory_space<semaphore_mem>>
      tpu.wait_indirect_dma semaphore(%dma_wait3A_113 : memref<!tpu.dma_semaphore, #tpu.memory_space<semaphore_mem>>) src(%dma_wait3A_111 : memref<32768x64xf32, #tpu.memory_space<hbm>>) dst(%dma_wait3A_105 : memref<128x64xf32, #tpu.memory_space<vmem>>)
      %slice3A = vector.extract_strided_slice %max3A_74 {offsets = [0], sizes = [1], strides = [1]} : vector<16xi32> to vector<1xi32>
      %squeeze3A = vector.extract %slice3A[0] : i32 from vector<1xi32>
      %slice3A_114 = vector.extract_strided_slice %min3A_81 {offsets = [0], sizes = [1], strides = [1]} : vector<16xi32> to vector<1xi32>
      %squeeze3A_115 = vector.extract %slice3A_114[0] : i32 from vector<1xi32>
      %slice3A_116 = vector.extract_strided_slice %sub3A_98 {offsets = [0], sizes = [1], strides = [1]} : vector<16xi32> to vector<1xi32>
      %squeeze3A_117 = vector.extract %slice3A_116[0] : i32 from vector<1xi32>
      %add3A_118 = arith.constant 0 : i32
      %add3A_119 = arith.addi %squeeze3A_117, %add3A_118 : i32
      %slice3A_120 = vector.extract_strided_slice %gather3A_68 {offsets = [0], sizes = [1], strides = [1]} : vector<16xi32> to vector<1xi32>
      %squeeze3A_121 = vector.extract %slice3A_120[0] : i32 from vector<1xi32>
      %min3A_122 = arith.minsi %squeeze3A, %squeeze3A_115 : i32
      %sub3A_123 = arith.constant 32 : i32
      %sub3A_124 = arith.subi %squeeze3A_121, %sub3A_123 : i32
      %add3A_125 = vector.broadcast %sub3A_124 : i32 to vector<16xi32>
      %add3A_126 = arith.addi %add3A_125, %iota3A : vector<16xi32>
      %add3A_127 = arith.constant 0 : i32
      %add3A_128 = vector.broadcast %add3A_127 : i32 to vector<16xi32>
      %add3A_129 = arith.addi %add3A_126, %add3A_128 : vector<16xi32>
      %ge3A = arith.constant 0 : i32
      %ge3A_130 = vector.broadcast %ge3A : i32 to vector<16xi32>
      %ge3A_131 = arith.cmpi sge, %add3A_129, %ge3A_130 : vector<16xi32>
      %lt3A_132 = arith.constant 512 : i32
      %lt3A_133 = vector.broadcast %lt3A_132 : i32 to vector<16xi32>
      %lt3A_134 = arith.cmpi slt, %add3A_129, %lt3A_133 : vector<16xi32>
      %and3A = arith.andi %ge3A_131, %lt3A_134 : vector<16xi1>
      %jit3A_135 = arith.constant 0 : i32
      %jit3A_136 = arith.constant 511 : i32
      %max3A_137 = vector.broadcast %jit3A_135 : i32 to vector<16xi32>
      %max3A_138 = arith.maxsi %max3A_137, %add3A_129 : vector<16xi32>
      %min3A_139 = vector.broadcast %jit3A_136 : i32 to vector<16xi32>
      %min3A_140 = arith.minsi %min3A_139, %max3A_138 : vector<16xi32>
      %add3A_141 = arith.constant 16 : i32
      %add3A_142 = vector.broadcast %add3A_141 : i32 to vector<16xi32>
      %add3A_143 = arith.addi %add3A_126, %add3A_142 : vector<16xi32>
      %ge3A_144 = arith.constant 0 : i32
      %ge3A_145 = vector.broadcast %ge3A_144 : i32 to vector<16xi32>
      %ge3A_146 = arith.cmpi sge, %add3A_143, %ge3A_145 : vector<16xi32>
      %lt3A_147 = arith.constant 512 : i32
      %lt3A_148 = vector.broadcast %lt3A_147 : i32 to vector<16xi32>
      %lt3A_149 = arith.cmpi slt, %add3A_143, %lt3A_148 : vector<16xi32>
      %and3A_150 = arith.andi %ge3A_146, %lt3A_149 : vector<16xi1>
      %jit3A_151 = arith.constant 0 : i32
      %jit3A_152 = arith.constant 511 : i32
      %max3A_153 = vector.broadcast %jit3A_151 : i32 to vector<16xi32>
      %max3A_154 = arith.maxsi %max3A_153, %add3A_143 : vector<16xi32>
      %min3A_155 = vector.broadcast %jit3A_152 : i32 to vector<16xi32>
      %min3A_156 = arith.minsi %min3A_155, %max3A_154 : vector<16xi32>
      %add3A_157 = arith.constant 32 : i32
      %add3A_158 = vector.broadcast %add3A_157 : i32 to vector<16xi32>
      %add3A_159 = arith.addi %add3A_126, %add3A_158 : vector<16xi32>
      %ge3A_160 = arith.constant 0 : i32
      %ge3A_161 = vector.broadcast %ge3A_160 : i32 to vector<16xi32>
      %ge3A_162 = arith.cmpi sge, %add3A_159, %ge3A_161 : vector<16xi32>
      %lt3A_163 = arith.constant 512 : i32
      %lt3A_164 = vector.broadcast %lt3A_163 : i32 to vector<16xi32>
      %lt3A_165 = arith.cmpi slt, %add3A_159, %lt3A_164 : vector<16xi32>
      %and3A_166 = arith.andi %ge3A_162, %lt3A_165 : vector<16xi1>
      %jit3A_167 = arith.constant 0 : i32
      %jit3A_168 = arith.constant 511 : i32
      %max3A_169 = vector.broadcast %jit3A_167 : i32 to vector<16xi32>
      %max3A_170 = arith.maxsi %max3A_169, %add3A_159 : vector<16xi32>
      %min3A_171 = vector.broadcast %jit3A_168 : i32 to vector<16xi32>
      %min3A_172 = arith.minsi %min3A_171, %max3A_170 : vector<16xi32>
      %add3A_173 = arith.constant 48 : i32
      %add3A_174 = vector.broadcast %add3A_173 : i32 to vector<16xi32>
      %add3A_175 = arith.addi %add3A_126, %add3A_174 : vector<16xi32>
      %ge3A_176 = arith.constant 0 : i32
      %ge3A_177 = vector.broadcast %ge3A_176 : i32 to vector<16xi32>
      %ge3A_178 = arith.cmpi sge, %add3A_175, %ge3A_177 : vector<16xi32>
      %lt3A_179 = arith.constant 512 : i32
      %lt3A_180 = vector.broadcast %lt3A_179 : i32 to vector<16xi32>
      %lt3A_181 = arith.cmpi slt, %add3A_175, %lt3A_180 : vector<16xi32>
      %and3A_182 = arith.andi %ge3A_178, %lt3A_181 : vector<16xi1>
      %jit3A_183 = arith.constant 0 : i32
      %jit3A_184 = arith.constant 511 : i32
      %max3A_185 = vector.broadcast %jit3A_183 : i32 to vector<16xi32>
      %max3A_186 = arith.maxsi %max3A_185, %add3A_175 : vector<16xi32>
      %min3A_187 = vector.broadcast %jit3A_184 : i32 to vector<16xi32>
      %min3A_188 = arith.minsi %min3A_187, %max3A_186 : vector<16xi32>
      %while3A_189 = arith.constant 0 : i32
      %while3A_190 = arith.subi %squeeze3A_115, %min3A_122 : i32
      %while3A_191 = arith.addi %min3A_122, %while3A_190 : i32
      %while3A_192 = arith.constant 1 : i32
      %while3A_193 = arith.divsi %while3A_190, %while3A_192 : i32
      %while3A_194 = arith.muli %while3A_193, %while3A_192 : i32
      %while3A_195 = arith.addi %min3A_122, %while3A_194 : i32
      %while3A_196 = arith.constant 1 : i32
      scf.for %while3A_814 = %min3A_122 to %while3A_195 step %while3A_196  : i32 {
        %add3A_815 = arith.addi %add3A_119, %while3A_814 : i32
        %mul3A_816 = arith.constant 512 : i32
        %mul3A_817 = arith.muli %while3A_814, %mul3A_816 : i32
        %get3A_818 = arith.index_cast %rem3A_43 : i32 to index
        %get3A_819 = arith.index_cast %add3A_815 : i32 to index
        %get3A_820 = arith.constant 0 : index
        %get3A_821 = tpu.vector_load %arg8[%get3A_818, %get3A_819, %get3A_820] {strides = array<i32>} : memref<2x128x64xf32, #tpu.memory_space<vmem>>, vector<16xf32>,
        %add3A_822 = vector.broadcast %mul3A_817 : i32 to vector<16xi32>
        %add3A_823 = arith.addi %min3A_140, %add3A_822 : vector<16xi32>
        tpu.vector_store_idx %arg9[%add3A_823], %get3A_821 masked %and3A {add = true} : memref<8192xf32, #tpu.memory_space<vmem>>[vector<16xi32>], vector<16xf32>, vector<16xi1>
        %get3A_824 = arith.index_cast %rem3A_43 : i32 to index
        %get3A_825 = arith.index_cast %add3A_815 : i32 to index
        %get3A_826 = arith.constant 16 : index
        %get3A_827 = tpu.vector_load %arg8[%get3A_824, %get3A_825, %get3A_826] {strides = array<i32>} : memref<2x128x64xf32, #tpu.memory_space<vmem>>, vector<16xf32>,
        %add3A_828 = vector.broadcast %mul3A_817 : i32 to vector<16xi32>
        %add3A_829 = arith.addi %min3A_156, %add3A_828 : vector<16xi32>
        tpu.vector_store_idx %arg9[%add3A_829], %get3A_827 masked %and3A_150 {add = true} : memref<8192xf32, #tpu.memory_space<vmem>>[vector<16xi32>], vector<16xf32>, vector<16xi1>
        %get3A_830 = arith.index_cast %rem3A_43 : i32 to index
        %get3A_831 = arith.index_cast %add3A_815 : i32 to index
        %get3A_832 = arith.constant 32 : index
        %get3A_833 = tpu.vector_load %arg8[%get3A_830, %get3A_831, %get3A_832] {strides = array<i32>} : memref<2x128x64xf32, #tpu.memory_space<vmem>>, vector<16xf32>,
        %add3A_834 = vector.broadcast %mul3A_817 : i32 to vector<16xi32>
        %add3A_835 = arith.addi %min3A_172, %add3A_834 : vector<16xi32>
        tpu.vector_store_idx %arg9[%add3A_835], %get3A_833 masked %and3A_166 {add = true} : memref<8192xf32, #tpu.memory_space<vmem>>[vector<16xi32>], vector<16xf32>, vector<16xi1>
        %get3A_836 = arith.index_cast %rem3A_43 : i32 to index
        %get3A_837 = arith.index_cast %add3A_815 : i32 to index
        %get3A_838 = arith.constant 48 : index
        %get3A_839 = tpu.vector_load %arg8[%get3A_836, %get3A_837, %get3A_838] {strides = array<i32>} : memref<2x128x64xf32, #tpu.memory_space<vmem>>, vector<16xf32>,
        %add3A_840 = vector.broadcast %mul3A_817 : i32 to vector<16xi32>
        %add3A_841 = arith.addi %min3A_188, %add3A_840 : vector<16xi32>
        tpu.vector_store_idx %arg9[%add3A_841], %get3A_839 masked %and3A_182 {add = true} : memref<8192xf32, #tpu.memory_space<vmem>>[vector<16xi32>], vector<16xf32>, vector<16xi1>
      }
      %while3A_197 = arith.constant 1 : i32
      scf.for %while3A_814 = %while3A_195 to %while3A_191 step %while3A_197  : i32 {
        %add3A_815 = arith.addi %add3A_119, %while3A_814 : i32
        %mul3A_816 = arith.constant 512 : i32
        %mul3A_817 = arith.muli %while3A_814, %mul3A_816 : i32
        %get3A_818 = arith.index_cast %rem3A_43 : i32 to index
        %get3A_819 = arith.index_cast %add3A_815 : i32 to index
        %get3A_820 = arith.constant 0 : index
        %get3A_821 = tpu.vector_load %arg8[%get3A_818, %get3A_819, %get3A_820] {strides = array<i32>} : memref<2x128x64xf32, #tpu.memory_space<vmem>>, vector<16xf32>,
        %add3A_822 = vector.broadcast %mul3A_817 : i32 to vector<16xi32>
        %add3A_823 = arith.addi %min3A_140, %add3A_822 : vector<16xi32>
        tpu.vector_store_idx %arg9[%add3A_823], %get3A_821 masked %and3A {add = true} : memref<8192xf32, #tpu.memory_space<vmem>>[vector<16xi32>], vector<16xf32>, vector<16xi1>
        %get3A_824 = arith.index_cast %rem3A_43 : i32 to index
        %get3A_825 = arith.index_cast %add3A_815 : i32 to index
        %get3A_826 = arith.constant 16 : index
        %get3A_827 = tpu.vector_load %arg8[%get3A_824, %get3A_825, %get3A_826] {strides = array<i32>} : memref<2x128x64xf32, #tpu.memory_space<vmem>>, vector<16xf32>,
        %add3A_828 = vector.broadcast %mul3A_817 : i32 to vector<16xi32>
        %add3A_829 = arith.addi %min3A_156, %add3A_828 : vector<16xi32>
        tpu.vector_store_idx %arg9[%add3A_829], %get3A_827 masked %and3A_150 {add = true} : memref<8192xf32, #tpu.memory_space<vmem>>[vector<16xi32>], vector<16xf32>, vector<16xi1>
        %get3A_830 = arith.index_cast %rem3A_43 : i32 to index
        %get3A_831 = arith.index_cast %add3A_815 : i32 to index
        %get3A_832 = arith.constant 32 : index
        %get3A_833 = tpu.vector_load %arg8[%get3A_830, %get3A_831, %get3A_832] {strides = array<i32>} : memref<2x128x64xf32, #tpu.memory_space<vmem>>, vector<16xf32>,
        %add3A_834 = vector.broadcast %mul3A_817 : i32 to vector<16xi32>
        %add3A_835 = arith.addi %min3A_172, %add3A_834 : vector<16xi32>
        tpu.vector_store_idx %arg9[%add3A_835], %get3A_833 masked %and3A_166 {add = true} : memref<8192xf32, #tpu.memory_space<vmem>>[vector<16xi32>], vector<16xf32>, vector<16xi1>
        %get3A_836 = arith.index_cast %rem3A_43 : i32 to index
        %get3A_837 = arith.index_cast %add3A_815 : i32 to index
        %get3A_838 = arith.constant 48 : index
        %get3A_839 = tpu.vector_load %arg8[%get3A_836, %get3A_837, %get3A_838] {strides = array<i32>} : memref<2x128x64xf32, #tpu.memory_space<vmem>>, vector<16xf32>,
        %add3A_840 = vector.broadcast %mul3A_817 : i32 to vector<16xi32>
        %add3A_841 = arith.addi %min3A_188, %add3A_840 : vector<16xi32>
        tpu.vector_store_idx %arg9[%add3A_841], %get3A_839 masked %and3A_182 {add = true} : memref<8192xf32, #tpu.memory_space<vmem>>[vector<16xi32>], vector<16xf32>, vector<16xi1>
      }
      %slice3A_198 = vector.extract_strided_slice %max3A_74 {offsets = [1], sizes = [1], strides = [1]} : vector<16xi32> to vector<1xi32>
      %squeeze3A_199 = vector.extract %slice3A_198[0] : i32 from vector<1xi32>
      %slice3A_200 = vector.extract_strided_slice %min3A_81 {offsets = [1], sizes = [1], strides = [1]} : vector<16xi32> to vector<1xi32>
      %squeeze3A_201 = vector.extract %slice3A_200[0] : i32 from vector<1xi32>
      %slice3A_202 = vector.extract_strided_slice %sub3A_98 {offsets = [1], sizes = [1], strides = [1]} : vector<16xi32> to vector<1xi32>
      %squeeze3A_203 = vector.extract %slice3A_202[0] : i32 from vector<1xi32>
      %add3A_204 = arith.constant 16 : i32
      %add3A_205 = arith.addi %squeeze3A_203, %add3A_204 : i32
      %slice3A_206 = vector.extract_strided_slice %gather3A_68 {offsets = [1], sizes = [1], strides = [1]} : vector<16xi32> to vector<1xi32>
      %squeeze3A_207 = vector.extract %slice3A_206[0] : i32 from vector<1xi32>
      %min3A_208 = arith.minsi %squeeze3A_199, %squeeze3A_201 : i32
      %sub3A_209 = arith.constant 32 : i32
      %sub3A_210 = arith.subi %squeeze3A_207, %sub3A_209 : i32
      %add3A_211 = vector.broadcast %sub3A_210 : i32 to vector<16xi32>
      %add3A_212 = arith.addi %add3A_211, %iota3A : vector<16xi32>
      %add3A_213 = arith.constant 0 : i32
      %add3A_214 = vector.broadcast %add3A_213 : i32 to vector<16xi32>
      %add3A_215 = arith.addi %add3A_212, %add3A_214 : vector<16xi32>
      %ge3A_216 = arith.constant 0 : i32
      %ge3A_217 = vector.broadcast %ge3A_216 : i32 to vector<16xi32>
      %ge3A_218 = arith.cmpi sge, %add3A_215, %ge3A_217 : vector<16xi32>
      %lt3A_219 = arith.constant 512 : i32
      %lt3A_220 = vector.broadcast %lt3A_219 : i32 to vector<16xi32>
      %lt3A_221 = arith.cmpi slt, %add3A_215, %lt3A_220 : vector<16xi32>
      %and3A_222 = arith.andi %ge3A_218, %lt3A_221 : vector<16xi1>
      %jit3A_223 = arith.constant 0 : i32
      %jit3A_224 = arith.constant 511 : i32
      %max3A_225 = vector.broadcast %jit3A_223 : i32 to vector<16xi32>
      %max3A_226 = arith.maxsi %max3A_225, %add3A_215 : vector<16xi32>
      %min3A_227 = vector.broadcast %jit3A_224 : i32 to vector<16xi32>
      %min3A_228 = arith.minsi %min3A_227, %max3A_226 : vector<16xi32>
      %add3A_229 = arith.constant 16 : i32
      %add3A_230 = vector.broadcast %add3A_229 : i32 to vector<16xi32>
      %add3A_231 = arith.addi %add3A_212, %add3A_230 : vector<16xi32>
      %ge3A_232 = arith.constant 0 : i32
      %ge3A_233 = vector.broadcast %ge3A_232 : i32 to vector<16xi32>
      %ge3A_234 = arith.cmpi sge, %add3A_231, %ge3A_233 : vector<16xi32>
      %lt3A_235 = arith.constant 512 : i32
      %lt3A_236 = vector.broadcast %lt3A_235 : i32 to vector<16xi32>
      %lt3A_237 = arith.cmpi slt, %add3A_231, %lt3A_236 : vector<16xi32>
      %and3A_238 = arith.andi %ge3A_234, %lt3A_237 : vector<16xi1>
      %jit3A_239 = arith.constant 0 : i32
      %jit3A_240 = arith.constant 511 : i32
      %max3A_241 = vector.broadcast %jit3A_239 : i32 to vector<16xi32>
      %max3A_242 = arith.maxsi %max3A_241, %add3A_231 : vector<16xi32>
      %min3A_243 = vector.broadcast %jit3A_240 : i32 to vector<16xi32>
      %min3A_244 = arith.minsi %min3A_243, %max3A_242 : vector<16xi32>
      %add3A_245 = arith.constant 32 : i32
      %add3A_246 = vector.broadcast %add3A_245 : i32 to vector<16xi32>
      %add3A_247 = arith.addi %add3A_212, %add3A_246 : vector<16xi32>
      %ge3A_248 = arith.constant 0 : i32
      %ge3A_249 = vector.broadcast %ge3A_248 : i32 to vector<16xi32>
      %ge3A_250 = arith.cmpi sge, %add3A_247, %ge3A_249 : vector<16xi32>
      %lt3A_251 = arith.constant 512 : i32
      %lt3A_252 = vector.broadcast %lt3A_251 : i32 to vector<16xi32>
      %lt3A_253 = arith.cmpi slt, %add3A_247, %lt3A_252 : vector<16xi32>
      %and3A_254 = arith.andi %ge3A_250, %lt3A_253 : vector<16xi1>
      %jit3A_255 = arith.constant 0 : i32
      %jit3A_256 = arith.constant 511 : i32
      %max3A_257 = vector.broadcast %jit3A_255 : i32 to vector<16xi32>
      %max3A_258 = arith.maxsi %max3A_257, %add3A_247 : vector<16xi32>
      %min3A_259 = vector.broadcast %jit3A_256 : i32 to vector<16xi32>
      %min3A_260 = arith.minsi %min3A_259, %max3A_258 : vector<16xi32>
      %add3A_261 = arith.constant 48 : i32
      %add3A_262 = vector.broadcast %add3A_261 : i32 to vector<16xi32>
      %add3A_263 = arith.addi %add3A_212, %add3A_262 : vector<16xi32>
      %ge3A_264 = arith.constant 0 : i32
      %ge3A_265 = vector.broadcast %ge3A_264 : i32 to vector<16xi32>
      %ge3A_266 = arith.cmpi sge, %add3A_263, %ge3A_265 : vector<16xi32>
      %lt3A_267 = arith.constant 512 : i32
      %lt3A_268 = vector.broadcast %lt3A_267 : i32 to vector<16xi32>
      %lt3A_269 = arith.cmpi slt, %add3A_263, %lt3A_268 : vector<16xi32>
      %and3A_270 = arith.andi %ge3A_266, %lt3A_269 : vector<16xi1>
      %jit3A_271 = arith.constant 0 : i32
      %jit3A_272 = arith.constant 511 : i32
      %max3A_273 = vector.broadcast %jit3A_271 : i32 to vector<16xi32>
      %max3A_274 = arith.maxsi %max3A_273, %add3A_263 : vector<16xi32>
      %min3A_275 = vector.broadcast %jit3A_272 : i32 to vector<16xi32>
      %min3A_276 = arith.minsi %min3A_275, %max3A_274 : vector<16xi32>
      %while3A_277 = arith.constant 0 : i32
      %while3A_278 = arith.subi %squeeze3A_201, %min3A_208 : i32
      %while3A_279 = arith.addi %min3A_208, %while3A_278 : i32
      %while3A_280 = arith.constant 1 : i32
      %while3A_281 = arith.divsi %while3A_278, %while3A_280 : i32
      %while3A_282 = arith.muli %while3A_281, %while3A_280 : i32
      %while3A_283 = arith.addi %min3A_208, %while3A_282 : i32
      %while3A_284 = arith.constant 1 : i32
      scf.for %while3A_814 = %min3A_208 to %while3A_283 step %while3A_284  : i32 {
        %add3A_815 = arith.addi %add3A_205, %while3A_814 : i32
        %mul3A_816 = arith.constant 512 : i32
        %mul3A_817 = arith.muli %while3A_814, %mul3A_816 : i32
        %get3A_818 = arith.index_cast %rem3A_43 : i32 to index
        %get3A_819 = arith.index_cast %add3A_815 : i32 to index
        %get3A_820 = arith.constant 0 : index
        %get3A_821 = tpu.vector_load %arg8[%get3A_818, %get3A_819, %get3A_820] {strides = array<i32>} : memref<2x128x64xf32, #tpu.memory_space<vmem>>, vector<16xf32>,
        %add3A_822 = vector.broadcast %mul3A_817 : i32 to vector<16xi32>
        %add3A_823 = arith.addi %min3A_228, %add3A_822 : vector<16xi32>
        tpu.vector_store_idx %arg9[%add3A_823], %get3A_821 masked %and3A_222 {add = true} : memref<8192xf32, #tpu.memory_space<vmem>>[vector<16xi32>], vector<16xf32>, vector<16xi1>
        %get3A_824 = arith.index_cast %rem3A_43 : i32 to index
        %get3A_825 = arith.index_cast %add3A_815 : i32 to index
        %get3A_826 = arith.constant 16 : index
        %get3A_827 = tpu.vector_load %arg8[%get3A_824, %get3A_825, %get3A_826] {strides = array<i32>} : memref<2x128x64xf32, #tpu.memory_space<vmem>>, vector<16xf32>,
        %add3A_828 = vector.broadcast %mul3A_817 : i32 to vector<16xi32>
        %add3A_829 = arith.addi %min3A_244, %add3A_828 : vector<16xi32>
        tpu.vector_store_idx %arg9[%add3A_829], %get3A_827 masked %and3A_238 {add = true} : memref<8192xf32, #tpu.memory_space<vmem>>[vector<16xi32>], vector<16xf32>, vector<16xi1>
        %get3A_830 = arith.index_cast %rem3A_43 : i32 to index
        %get3A_831 = arith.index_cast %add3A_815 : i32 to index
        %get3A_832 = arith.constant 32 : index
        %get3A_833 = tpu.vector_load %arg8[%get3A_830, %get3A_831, %get3A_832] {strides = array<i32>} : memref<2x128x64xf32, #tpu.memory_space<vmem>>, vector<16xf32>,
        %add3A_834 = vector.broadcast %mul3A_817 : i32 to vector<16xi32>
        %add3A_835 = arith.addi %min3A_260, %add3A_834 : vector<16xi32>
        tpu.vector_store_idx %arg9[%add3A_835], %get3A_833 masked %and3A_254 {add = true} : memref<8192xf32, #tpu.memory_space<vmem>>[vector<16xi32>], vector<16xf32>, vector<16xi1>
        %get3A_836 = arith.index_cast %rem3A_43 : i32 to index
        %get3A_837 = arith.index_cast %add3A_815 : i32 to index
        %get3A_838 = arith.constant 48 : index
        %get3A_839 = tpu.vector_load %arg8[%get3A_836, %get3A_837, %get3A_838] {strides = array<i32>} : memref<2x128x64xf32, #tpu.memory_space<vmem>>, vector<16xf32>,
        %add3A_840 = vector.broadcast %mul3A_817 : i32 to vector<16xi32>
        %add3A_841 = arith.addi %min3A_276, %add3A_840 : vector<16xi32>
        tpu.vector_store_idx %arg9[%add3A_841], %get3A_839 masked %and3A_270 {add = true} : memref<8192xf32, #tpu.memory_space<vmem>>[vector<16xi32>], vector<16xf32>, vector<16xi1>
      }
      %while3A_285 = arith.constant 1 : i32
      scf.for %while3A_814 = %while3A_283 to %while3A_279 step %while3A_285  : i32 {
        %add3A_815 = arith.addi %add3A_205, %while3A_814 : i32
        %mul3A_816 = arith.constant 512 : i32
        %mul3A_817 = arith.muli %while3A_814, %mul3A_816 : i32
        %get3A_818 = arith.index_cast %rem3A_43 : i32 to index
        %get3A_819 = arith.index_cast %add3A_815 : i32 to index
        %get3A_820 = arith.constant 0 : index
        %get3A_821 = tpu.vector_load %arg8[%get3A_818, %get3A_819, %get3A_820] {strides = array<i32>} : memref<2x128x64xf32, #tpu.memory_space<vmem>>, vector<16xf32>,
        %add3A_822 = vector.broadcast %mul3A_817 : i32 to vector<16xi32>
        %add3A_823 = arith.addi %min3A_228, %add3A_822 : vector<16xi32>
        tpu.vector_store_idx %arg9[%add3A_823], %get3A_821 masked %and3A_222 {add = true} : memref<8192xf32, #tpu.memory_space<vmem>>[vector<16xi32>], vector<16xf32>, vector<16xi1>
        %get3A_824 = arith.index_cast %rem3A_43 : i32 to index
        %get3A_825 = arith.index_cast %add3A_815 : i32 to index
        %get3A_826 = arith.constant 16 : index
        %get3A_827 = tpu.vector_load %arg8[%get3A_824, %get3A_825, %get3A_826] {strides = array<i32>} : memref<2x128x64xf32, #tpu.memory_space<vmem>>, vector<16xf32>,
        %add3A_828 = vector.broadcast %mul3A_817 : i32 to vector<16xi32>
        %add3A_829 = arith.addi %min3A_244, %add3A_828 : vector<16xi32>
        tpu.vector_store_idx %arg9[%add3A_829], %get3A_827 masked %and3A_238 {add = true} : memref<8192xf32, #tpu.memory_space<vmem>>[vector<16xi32>], vector<16xf32>, vector<16xi1>
        %get3A_830 = arith.index_cast %rem3A_43 : i32 to index
        %get3A_831 = arith.index_cast %add3A_815 : i32 to index
        %get3A_832 = arith.constant 32 : index
        %get3A_833 = tpu.vector_load %arg8[%get3A_830, %get3A_831, %get3A_832] {strides = array<i32>} : memref<2x128x64xf32, #tpu.memory_space<vmem>>, vector<16xf32>,
        %add3A_834 = vector.broadcast %mul3A_817 : i32 to vector<16xi32>
        %add3A_835 = arith.addi %min3A_260, %add3A_834 : vector<16xi32>
        tpu.vector_store_idx %arg9[%add3A_835], %get3A_833 masked %and3A_254 {add = true} : memref<8192xf32, #tpu.memory_space<vmem>>[vector<16xi32>], vector<16xf32>, vector<16xi1>
        %get3A_836 = arith.index_cast %rem3A_43 : i32 to index
        %get3A_837 = arith.index_cast %add3A_815 : i32 to index
        %get3A_838 = arith.constant 48 : index
        %get3A_839 = tpu.vector_load %arg8[%get3A_836, %get3A_837, %get3A_838] {strides = array<i32>} : memref<2x128x64xf32, #tpu.memory_space<vmem>>, vector<16xf32>,
        %add3A_840 = vector.broadcast %mul3A_817 : i32 to vector<16xi32>
        %add3A_841 = arith.addi %min3A_276, %add3A_840 : vector<16xi32>
        tpu.vector_store_idx %arg9[%add3A_841], %get3A_839 masked %and3A_270 {add = true} : memref<8192xf32, #tpu.memory_space<vmem>>[vector<16xi32>], vector<16xf32>, vector<16xi1>
      }
      %slice3A_286 = vector.extract_strided_slice %max3A_74 {offsets = [2], sizes = [1], strides = [1]} : vector<16xi32> to vector<1xi32>
      %squeeze3A_287 = vector.extract %slice3A_286[0] : i32 from vector<1xi32>
      %slice3A_288 = vector.extract_strided_slice %min3A_81 {offsets = [2], sizes = [1], strides = [1]} : vector<16xi32> to vector<1xi32>
      %squeeze3A_289 = vector.extract %slice3A_288[0] : i32 from vector<1xi32>
      %slice3A_290 = vector.extract_strided_slice %sub3A_98 {offsets = [2], sizes = [1], strides = [1]} : vector<16xi32> to vector<1xi32>
      %squeeze3A_291 = vector.extract %slice3A_290[0] : i32 from vector<1xi32>
      %add3A_292 = arith.constant 32 : i32
      %add3A_293 = arith.addi %squeeze3A_291, %add3A_292 : i32
      %slice3A_294 = vector.extract_strided_slice %gather3A_68 {offsets = [2], sizes = [1], strides = [1]} : vector<16xi32> to vector<1xi32>
      %squeeze3A_295 = vector.extract %slice3A_294[0] : i32 from vector<1xi32>
      %min3A_296 = arith.minsi %squeeze3A_287, %squeeze3A_289 : i32
      %sub3A_297 = arith.constant 32 : i32
      %sub3A_298 = arith.subi %squeeze3A_295, %sub3A_297 : i32
      %add3A_299 = vector.broadcast %sub3A_298 : i32 to vector<16xi32>
      %add3A_300 = arith.addi %add3A_299, %iota3A : vector<16xi32>
      %add3A_301 = arith.constant 0 : i32
      %add3A_302 = vector.broadcast %add3A_301 : i32 to vector<16xi32>
      %add3A_303 = arith.addi %add3A_300, %add3A_302 : vector<16xi32>
      %ge3A_304 = arith.constant 0 : i32
      %ge3A_305 = vector.broadcast %ge3A_304 : i32 to vector<16xi32>
      %ge3A_306 = arith.cmpi sge, %add3A_303, %ge3A_305 : vector<16xi32>
      %lt3A_307 = arith.constant 512 : i32
      %lt3A_308 = vector.broadcast %lt3A_307 : i32 to vector<16xi32>
      %lt3A_309 = arith.cmpi slt, %add3A_303, %lt3A_308 : vector<16xi32>
      %and3A_310 = arith.andi %ge3A_306, %lt3A_309 : vector<16xi1>
      %jit3A_311 = arith.constant 0 : i32
      %jit3A_312 = arith.constant 511 : i32
      %max3A_313 = vector.broadcast %jit3A_311 : i32 to vector<16xi32>
      %max3A_314 = arith.maxsi %max3A_313, %add3A_303 : vector<16xi32>
      %min3A_315 = vector.broadcast %jit3A_312 : i32 to vector<16xi32>
      %min3A_316 = arith.minsi %min3A_315, %max3A_314 : vector<16xi32>
      %add3A_317 = arith.constant 16 : i32
      %add3A_318 = vector.broadcast %add3A_317 : i32 to vector<16xi32>
      %add3A_319 = arith.addi %add3A_300, %add3A_318 : vector<16xi32>
      %ge3A_320 = arith.constant 0 : i32
      %ge3A_321 = vector.broadcast %ge3A_320 : i32 to vector<16xi32>
      %ge3A_322 = arith.cmpi sge, %add3A_319, %ge3A_321 : vector<16xi32>
      %lt3A_323 = arith.constant 512 : i32
      %lt3A_324 = vector.broadcast %lt3A_323 : i32 to vector<16xi32>
      %lt3A_325 = arith.cmpi slt, %add3A_319, %lt3A_324 : vector<16xi32>
      %and3A_326 = arith.andi %ge3A_322, %lt3A_325 : vector<16xi1>
      %jit3A_327 = arith.constant 0 : i32
      %jit3A_328 = arith.constant 511 : i32
      %max3A_329 = vector.broadcast %jit3A_327 : i32 to vector<16xi32>
      %max3A_330 = arith.maxsi %max3A_329, %add3A_319 : vector<16xi32>
      %min3A_331 = vector.broadcast %jit3A_328 : i32 to vector<16xi32>
      %min3A_332 = arith.minsi %min3A_331, %max3A_330 : vector<16xi32>
      %add3A_333 = arith.constant 32 : i32
      %add3A_334 = vector.broadcast %add3A_333 : i32 to vector<16xi32>
      %add3A_335 = arith.addi %add3A_300, %add3A_334 : vector<16xi32>
      %ge3A_336 = arith.constant 0 : i32
      %ge3A_337 = vector.broadcast %ge3A_336 : i32 to vector<16xi32>
      %ge3A_338 = arith.cmpi sge, %add3A_335, %ge3A_337 : vector<16xi32>
      %lt3A_339 = arith.constant 512 : i32
      %lt3A_340 = vector.broadcast %lt3A_339 : i32 to vector<16xi32>
      %lt3A_341 = arith.cmpi slt, %add3A_335, %lt3A_340 : vector<16xi32>
      %and3A_342 = arith.andi %ge3A_338, %lt3A_341 : vector<16xi1>
      %jit3A_343 = arith.constant 0 : i32
      %jit3A_344 = arith.constant 511 : i32
      %max3A_345 = vector.broadcast %jit3A_343 : i32 to vector<16xi32>
      %max3A_346 = arith.maxsi %max3A_345, %add3A_335 : vector<16xi32>
      %min3A_347 = vector.broadcast %jit3A_344 : i32 to vector<16xi32>
      %min3A_348 = arith.minsi %min3A_347, %max3A_346 : vector<16xi32>
      %add3A_349 = arith.constant 48 : i32
      %add3A_350 = vector.broadcast %add3A_349 : i32 to vector<16xi32>
      %add3A_351 = arith.addi %add3A_300, %add3A_350 : vector<16xi32>
      %ge3A_352 = arith.constant 0 : i32
      %ge3A_353 = vector.broadcast %ge3A_352 : i32 to vector<16xi32>
      %ge3A_354 = arith.cmpi sge, %add3A_351, %ge3A_353 : vector<16xi32>
      %lt3A_355 = arith.constant 512 : i32
      %lt3A_356 = vector.broadcast %lt3A_355 : i32 to vector<16xi32>
      %lt3A_357 = arith.cmpi slt, %add3A_351, %lt3A_356 : vector<16xi32>
      %and3A_358 = arith.andi %ge3A_354, %lt3A_357 : vector<16xi1>
      %jit3A_359 = arith.constant 0 : i32
      %jit3A_360 = arith.constant 511 : i32
      %max3A_361 = vector.broadcast %jit3A_359 : i32 to vector<16xi32>
      %max3A_362 = arith.maxsi %max3A_361, %add3A_351 : vector<16xi32>
      %min3A_363 = vector.broadcast %jit3A_360 : i32 to vector<16xi32>
      %min3A_364 = arith.minsi %min3A_363, %max3A_362 : vector<16xi32>
      %while3A_365 = arith.constant 0 : i32
      %while3A_366 = arith.subi %squeeze3A_289, %min3A_296 : i32
      %while3A_367 = arith.addi %min3A_296, %while3A_366 : i32
      %while3A_368 = arith.constant 1 : i32
      %while3A_369 = arith.divsi %while3A_366, %while3A_368 : i32
      %while3A_370 = arith.muli %while3A_369, %while3A_368 : i32
      %while3A_371 = arith.addi %min3A_296, %while3A_370 : i32
      %while3A_372 = arith.constant 1 : i32
      scf.for %while3A_814 = %min3A_296 to %while3A_371 step %while3A_372  : i32 {
        %add3A_815 = arith.addi %add3A_293, %while3A_814 : i32
        %mul3A_816 = arith.constant 512 : i32
        %mul3A_817 = arith.muli %while3A_814, %mul3A_816 : i32
        %get3A_818 = arith.index_cast %rem3A_43 : i32 to index
        %get3A_819 = arith.index_cast %add3A_815 : i32 to index
        %get3A_820 = arith.constant 0 : index
        %get3A_821 = tpu.vector_load %arg8[%get3A_818, %get3A_819, %get3A_820] {strides = array<i32>} : memref<2x128x64xf32, #tpu.memory_space<vmem>>, vector<16xf32>,
        %add3A_822 = vector.broadcast %mul3A_817 : i32 to vector<16xi32>
        %add3A_823 = arith.addi %min3A_316, %add3A_822 : vector<16xi32>
        tpu.vector_store_idx %arg9[%add3A_823], %get3A_821 masked %and3A_310 {add = true} : memref<8192xf32, #tpu.memory_space<vmem>>[vector<16xi32>], vector<16xf32>, vector<16xi1>
        %get3A_824 = arith.index_cast %rem3A_43 : i32 to index
        %get3A_825 = arith.index_cast %add3A_815 : i32 to index
        %get3A_826 = arith.constant 16 : index
        %get3A_827 = tpu.vector_load %arg8[%get3A_824, %get3A_825, %get3A_826] {strides = array<i32>} : memref<2x128x64xf32, #tpu.memory_space<vmem>>, vector<16xf32>,
        %add3A_828 = vector.broadcast %mul3A_817 : i32 to vector<16xi32>
        %add3A_829 = arith.addi %min3A_332, %add3A_828 : vector<16xi32>
        tpu.vector_store_idx %arg9[%add3A_829], %get3A_827 masked %and3A_326 {add = true} : memref<8192xf32, #tpu.memory_space<vmem>>[vector<16xi32>], vector<16xf32>, vector<16xi1>
        %get3A_830 = arith.index_cast %rem3A_43 : i32 to index
        %get3A_831 = arith.index_cast %add3A_815 : i32 to index
        %get3A_832 = arith.constant 32 : index
        %get3A_833 = tpu.vector_load %arg8[%get3A_830, %get3A_831, %get3A_832] {strides = array<i32>} : memref<2x128x64xf32, #tpu.memory_space<vmem>>, vector<16xf32>,
        %add3A_834 = vector.broadcast %mul3A_817 : i32 to vector<16xi32>
        %add3A_835 = arith.addi %min3A_348, %add3A_834 : vector<16xi32>
        tpu.vector_store_idx %arg9[%add3A_835], %get3A_833 masked %and3A_342 {add = true} : memref<8192xf32, #tpu.memory_space<vmem>>[vector<16xi32>], vector<16xf32>, vector<16xi1>
        %get3A_836 = arith.index_cast %rem3A_43 : i32 to index
        %get3A_837 = arith.index_cast %add3A_815 : i32 to index
        %get3A_838 = arith.constant 48 : index
        %get3A_839 = tpu.vector_load %arg8[%get3A_836, %get3A_837, %get3A_838] {strides = array<i32>} : memref<2x128x64xf32, #tpu.memory_space<vmem>>, vector<16xf32>,
        %add3A_840 = vector.broadcast %mul3A_817 : i32 to vector<16xi32>
        %add3A_841 = arith.addi %min3A_364, %add3A_840 : vector<16xi32>
        tpu.vector_store_idx %arg9[%add3A_841], %get3A_839 masked %and3A_358 {add = true} : memref<8192xf32, #tpu.memory_space<vmem>>[vector<16xi32>], vector<16xf32>, vector<16xi1>
      }
      %while3A_373 = arith.constant 1 : i32
      scf.for %while3A_814 = %while3A_371 to %while3A_367 step %while3A_373  : i32 {
        %add3A_815 = arith.addi %add3A_293, %while3A_814 : i32
        %mul3A_816 = arith.constant 512 : i32
        %mul3A_817 = arith.muli %while3A_814, %mul3A_816 : i32
        %get3A_818 = arith.index_cast %rem3A_43 : i32 to index
        %get3A_819 = arith.index_cast %add3A_815 : i32 to index
        %get3A_820 = arith.constant 0 : index
        %get3A_821 = tpu.vector_load %arg8[%get3A_818, %get3A_819, %get3A_820] {strides = array<i32>} : memref<2x128x64xf32, #tpu.memory_space<vmem>>, vector<16xf32>,
        %add3A_822 = vector.broadcast %mul3A_817 : i32 to vector<16xi32>
        %add3A_823 = arith.addi %min3A_316, %add3A_822 : vector<16xi32>
        tpu.vector_store_idx %arg9[%add3A_823], %get3A_821 masked %and3A_310 {add = true} : memref<8192xf32, #tpu.memory_space<vmem>>[vector<16xi32>], vector<16xf32>, vector<16xi1>
        %get3A_824 = arith.index_cast %rem3A_43 : i32 to index
        %get3A_825 = arith.index_cast %add3A_815 : i32 to index
        %get3A_826 = arith.constant 16 : index
        %get3A_827 = tpu.vector_load %arg8[%get3A_824, %get3A_825, %get3A_826] {strides = array<i32>} : memref<2x128x64xf32, #tpu.memory_space<vmem>>, vector<16xf32>,
        %add3A_828 = vector.broadcast %mul3A_817 : i32 to vector<16xi32>
        %add3A_829 = arith.addi %min3A_332, %add3A_828 : vector<16xi32>
        tpu.vector_store_idx %arg9[%add3A_829], %get3A_827 masked %and3A_326 {add = true} : memref<8192xf32, #tpu.memory_space<vmem>>[vector<16xi32>], vector<16xf32>, vector<16xi1>
        %get3A_830 = arith.index_cast %rem3A_43 : i32 to index
        %get3A_831 = arith.index_cast %add3A_815 : i32 to index
        %get3A_832 = arith.constant 32 : index
        %get3A_833 = tpu.vector_load %arg8[%get3A_830, %get3A_831, %get3A_832] {strides = array<i32>} : memref<2x128x64xf32, #tpu.memory_space<vmem>>, vector<16xf32>,
        %add3A_834 = vector.broadcast %mul3A_817 : i32 to vector<16xi32>
        %add3A_835 = arith.addi %min3A_348, %add3A_834 : vector<16xi32>
        tpu.vector_store_idx %arg9[%add3A_835], %get3A_833 masked %and3A_342 {add = true} : memref<8192xf32, #tpu.memory_space<vmem>>[vector<16xi32>], vector<16xf32>, vector<16xi1>
        %get3A_836 = arith.index_cast %rem3A_43 : i32 to index
        %get3A_837 = arith.index_cast %add3A_815 : i32 to index
        %get3A_838 = arith.constant 48 : index
        %get3A_839 = tpu.vector_load %arg8[%get3A_836, %get3A_837, %get3A_838] {strides = array<i32>} : memref<2x128x64xf32, #tpu.memory_space<vmem>>, vector<16xf32>,
        %add3A_840 = vector.broadcast %mul3A_817 : i32 to vector<16xi32>
        %add3A_841 = arith.addi %min3A_364, %add3A_840 : vector<16xi32>
        tpu.vector_store_idx %arg9[%add3A_841], %get3A_839 masked %and3A_358 {add = true} : memref<8192xf32, #tpu.memory_space<vmem>>[vector<16xi32>], vector<16xf32>, vector<16xi1>
      }
      %slice3A_374 = vector.extract_strided_slice %max3A_74 {offsets = [3], sizes = [1], strides = [1]} : vector<16xi32> to vector<1xi32>
      %squeeze3A_375 = vector.extract %slice3A_374[0] : i32 from vector<1xi32>
      %slice3A_376 = vector.extract_strided_slice %min3A_81 {offsets = [3], sizes = [1], strides = [1]} : vector<16xi32> to vector<1xi32>
      %squeeze3A_377 = vector.extract %slice3A_376[0] : i32 from vector<1xi32>
      %slice3A_378 = vector.extract_strided_slice %sub3A_98 {offsets = [3], sizes = [1], strides = [1]} : vector<16xi32> to vector<1xi32>
      %squeeze3A_379 = vector.extract %slice3A_378[0] : i32 from vector<1xi32>
      %add3A_380 = arith.constant 48 : i32
      %add3A_381 = arith.addi %squeeze3A_379, %add3A_380 : i32
      %slice3A_382 = vector.extract_strided_slice %gather3A_68 {offsets = [3], sizes = [1], strides = [1]} : vector<16xi32> to vector<1xi32>
      %squeeze3A_383 = vector.extract %slice3A_382[0] : i32 from vector<1xi32>
      %min3A_384 = arith.minsi %squeeze3A_375, %squeeze3A_377 : i32
      %sub3A_385 = arith.constant 32 : i32
      %sub3A_386 = arith.subi %squeeze3A_383, %sub3A_385 : i32
      %add3A_387 = vector.broadcast %sub3A_386 : i32 to vector<16xi32>
      %add3A_388 = arith.addi %add3A_387, %iota3A : vector<16xi32>
      %add3A_389 = arith.constant 0 : i32
      %add3A_390 = vector.broadcast %add3A_389 : i32 to vector<16xi32>
      %add3A_391 = arith.addi %add3A_388, %add3A_390 : vector<16xi32>
      %ge3A_392 = arith.constant 0 : i32
      %ge3A_393 = vector.broadcast %ge3A_392 : i32 to vector<16xi32>
      %ge3A_394 = arith.cmpi sge, %add3A_391, %ge3A_393 : vector<16xi32>
      %lt3A_395 = arith.constant 512 : i32
      %lt3A_396 = vector.broadcast %lt3A_395 : i32 to vector<16xi32>
      %lt3A_397 = arith.cmpi slt, %add3A_391, %lt3A_396 : vector<16xi32>
      %and3A_398 = arith.andi %ge3A_394, %lt3A_397 : vector<16xi1>
      %jit3A_399 = arith.constant 0 : i32
      %jit3A_400 = arith.constant 511 : i32
      %max3A_401 = vector.broadcast %jit3A_399 : i32 to vector<16xi32>
      %max3A_402 = arith.maxsi %max3A_401, %add3A_391 : vector<16xi32>
      %min3A_403 = vector.broadcast %jit3A_400 : i32 to vector<16xi32>
      %min3A_404 = arith.minsi %min3A_403, %max3A_402 : vector<16xi32>
      %add3A_405 = arith.constant 16 : i32
      %add3A_406 = vector.broadcast %add3A_405 : i32 to vector<16xi32>
      %add3A_407 = arith.addi %add3A_388, %add3A_406 : vector<16xi32>
      %ge3A_408 = arith.constant 0 : i32
      %ge3A_409 = vector.broadcast %ge3A_408 : i32 to vector<16xi32>
      %ge3A_410 = arith.cmpi sge, %add3A_407, %ge3A_409 : vector<16xi32>
      %lt3A_411 = arith.constant 512 : i32
      %lt3A_412 = vector.broadcast %lt3A_411 : i32 to vector<16xi32>
      %lt3A_413 = arith.cmpi slt, %add3A_407, %lt3A_412 : vector<16xi32>
      %and3A_414 = arith.andi %ge3A_410, %lt3A_413 : vector<16xi1>
      %jit3A_415 = arith.constant 0 : i32
      %jit3A_416 = arith.constant 511 : i32
      %max3A_417 = vector.broadcast %jit3A_415 : i32 to vector<16xi32>
      %max3A_418 = arith.maxsi %max3A_417, %add3A_407 : vector<16xi32>
      %min3A_419 = vector.broadcast %jit3A_416 : i32 to vector<16xi32>
      %min3A_420 = arith.minsi %min3A_419, %max3A_418 : vector<16xi32>
      %add3A_421 = arith.constant 32 : i32
      %add3A_422 = vector.broadcast %add3A_421 : i32 to vector<16xi32>
      %add3A_423 = arith.addi %add3A_388, %add3A_422 : vector<16xi32>
      %ge3A_424 = arith.constant 0 : i32
      %ge3A_425 = vector.broadcast %ge3A_424 : i32 to vector<16xi32>
      %ge3A_426 = arith.cmpi sge, %add3A_423, %ge3A_425 : vector<16xi32>
      %lt3A_427 = arith.constant 512 : i32
      %lt3A_428 = vector.broadcast %lt3A_427 : i32 to vector<16xi32>
      %lt3A_429 = arith.cmpi slt, %add3A_423, %lt3A_428 : vector<16xi32>
      %and3A_430 = arith.andi %ge3A_426, %lt3A_429 : vector<16xi1>
      %jit3A_431 = arith.constant 0 : i32
      %jit3A_432 = arith.constant 511 : i32
      %max3A_433 = vector.broadcast %jit3A_431 : i32 to vector<16xi32>
      %max3A_434 = arith.maxsi %max3A_433, %add3A_423 : vector<16xi32>
      %min3A_435 = vector.broadcast %jit3A_432 : i32 to vector<16xi32>
      %min3A_436 = arith.minsi %min3A_435, %max3A_434 : vector<16xi32>
      %add3A_437 = arith.constant 48 : i32
      %add3A_438 = vector.broadcast %add3A_437 : i32 to vector<16xi32>
      %add3A_439 = arith.addi %add3A_388, %add3A_438 : vector<16xi32>
      %ge3A_440 = arith.constant 0 : i32
      %ge3A_441 = vector.broadcast %ge3A_440 : i32 to vector<16xi32>
      %ge3A_442 = arith.cmpi sge, %add3A_439, %ge3A_441 : vector<16xi32>
      %lt3A_443 = arith.constant 512 : i32
      %lt3A_444 = vector.broadcast %lt3A_443 : i32 to vector<16xi32>
      %lt3A_445 = arith.cmpi slt, %add3A_439, %lt3A_444 : vector<16xi32>
      %and3A_446 = arith.andi %ge3A_442, %lt3A_445 : vector<16xi1>
      %jit3A_447 = arith.constant 0 : i32
      %jit3A_448 = arith.constant 511 : i32
      %max3A_449 = vector.broadcast %jit3A_447 : i32 to vector<16xi32>
      %max3A_450 = arith.maxsi %max3A_449, %add3A_439 : vector<16xi32>
      %min3A_451 = vector.broadcast %jit3A_448 : i32 to vector<16xi32>
      %min3A_452 = arith.minsi %min3A_451, %max3A_450 : vector<16xi32>
      %while3A_453 = arith.constant 0 : i32
      %while3A_454 = arith.subi %squeeze3A_377, %min3A_384 : i32
      %while3A_455 = arith.addi %min3A_384, %while3A_454 : i32
      %while3A_456 = arith.constant 1 : i32
      %while3A_457 = arith.divsi %while3A_454, %while3A_456 : i32
      %while3A_458 = arith.muli %while3A_457, %while3A_456 : i32
      %while3A_459 = arith.addi %min3A_384, %while3A_458 : i32
      %while3A_460 = arith.constant 1 : i32
      scf.for %while3A_814 = %min3A_384 to %while3A_459 step %while3A_460  : i32 {
        %add3A_815 = arith.addi %add3A_381, %while3A_814 : i32
        %mul3A_816 = arith.constant 512 : i32
        %mul3A_817 = arith.muli %while3A_814, %mul3A_816 : i32
        %get3A_818 = arith.index_cast %rem3A_43 : i32 to index
        %get3A_819 = arith.index_cast %add3A_815 : i32 to index
        %get3A_820 = arith.constant 0 : index
        %get3A_821 = tpu.vector_load %arg8[%get3A_818, %get3A_819, %get3A_820] {strides = array<i32>} : memref<2x128x64xf32, #tpu.memory_space<vmem>>, vector<16xf32>,
        %add3A_822 = vector.broadcast %mul3A_817 : i32 to vector<16xi32>
        %add3A_823 = arith.addi %min3A_404, %add3A_822 : vector<16xi32>
        tpu.vector_store_idx %arg9[%add3A_823], %get3A_821 masked %and3A_398 {add = true} : memref<8192xf32, #tpu.memory_space<vmem>>[vector<16xi32>], vector<16xf32>, vector<16xi1>
        %get3A_824 = arith.index_cast %rem3A_43 : i32 to index
        %get3A_825 = arith.index_cast %add3A_815 : i32 to index
        %get3A_826 = arith.constant 16 : index
        %get3A_827 = tpu.vector_load %arg8[%get3A_824, %get3A_825, %get3A_826] {strides = array<i32>} : memref<2x128x64xf32, #tpu.memory_space<vmem>>, vector<16xf32>,
        %add3A_828 = vector.broadcast %mul3A_817 : i32 to vector<16xi32>
        %add3A_829 = arith.addi %min3A_420, %add3A_828 : vector<16xi32>
        tpu.vector_store_idx %arg9[%add3A_829], %get3A_827 masked %and3A_414 {add = true} : memref<8192xf32, #tpu.memory_space<vmem>>[vector<16xi32>], vector<16xf32>, vector<16xi1>
        %get3A_830 = arith.index_cast %rem3A_43 : i32 to index
        %get3A_831 = arith.index_cast %add3A_815 : i32 to index
        %get3A_832 = arith.constant 32 : index
        %get3A_833 = tpu.vector_load %arg8[%get3A_830, %get3A_831, %get3A_832] {strides = array<i32>} : memref<2x128x64xf32, #tpu.memory_space<vmem>>, vector<16xf32>,
        %add3A_834 = vector.broadcast %mul3A_817 : i32 to vector<16xi32>
        %add3A_835 = arith.addi %min3A_436, %add3A_834 : vector<16xi32>
        tpu.vector_store_idx %arg9[%add3A_835], %get3A_833 masked %and3A_430 {add = true} : memref<8192xf32, #tpu.memory_space<vmem>>[vector<16xi32>], vector<16xf32>, vector<16xi1>
        %get3A_836 = arith.index_cast %rem3A_43 : i32 to index
        %get3A_837 = arith.index_cast %add3A_815 : i32 to index
        %get3A_838 = arith.constant 48 : index
        %get3A_839 = tpu.vector_load %arg8[%get3A_836, %get3A_837, %get3A_838] {strides = array<i32>} : memref<2x128x64xf32, #tpu.memory_space<vmem>>, vector<16xf32>,
        %add3A_840 = vector.broadcast %mul3A_817 : i32 to vector<16xi32>
        %add3A_841 = arith.addi %min3A_452, %add3A_840 : vector<16xi32>
        tpu.vector_store_idx %arg9[%add3A_841], %get3A_839 masked %and3A_446 {add = true} : memref<8192xf32, #tpu.memory_space<vmem>>[vector<16xi32>], vector<16xf32>, vector<16xi1>
      }
      %while3A_461 = arith.constant 1 : i32
      scf.for %while3A_814 = %while3A_459 to %while3A_455 step %while3A_461  : i32 {
        %add3A_815 = arith.addi %add3A_381, %while3A_814 : i32
        %mul3A_816 = arith.constant 512 : i32
        %mul3A_817 = arith.muli %while3A_814, %mul3A_816 : i32
        %get3A_818 = arith.index_cast %rem3A_43 : i32 to index
        %get3A_819 = arith.index_cast %add3A_815 : i32 to index
        %get3A_820 = arith.constant 0 : index
        %get3A_821 = tpu.vector_load %arg8[%get3A_818, %get3A_819, %get3A_820] {strides = array<i32>} : memref<2x128x64xf32, #tpu.memory_space<vmem>>, vector<16xf32>,
        %add3A_822 = vector.broadcast %mul3A_817 : i32 to vector<16xi32>
        %add3A_823 = arith.addi %min3A_404, %add3A_822 : vector<16xi32>
        tpu.vector_store_idx %arg9[%add3A_823], %get3A_821 masked %and3A_398 {add = true} : memref<8192xf32, #tpu.memory_space<vmem>>[vector<16xi32>], vector<16xf32>, vector<16xi1>
        %get3A_824 = arith.index_cast %rem3A_43 : i32 to index
        %get3A_825 = arith.index_cast %add3A_815 : i32 to index
        %get3A_826 = arith.constant 16 : index
        %get3A_827 = tpu.vector_load %arg8[%get3A_824, %get3A_825, %get3A_826] {strides = array<i32>} : memref<2x128x64xf32, #tpu.memory_space<vmem>>, vector<16xf32>,
        %add3A_828 = vector.broadcast %mul3A_817 : i32 to vector<16xi32>
        %add3A_829 = arith.addi %min3A_420, %add3A_828 : vector<16xi32>
        tpu.vector_store_idx %arg9[%add3A_829], %get3A_827 masked %and3A_414 {add = true} : memref<8192xf32, #tpu.memory_space<vmem>>[vector<16xi32>], vector<16xf32>, vector<16xi1>
        %get3A_830 = arith.index_cast %rem3A_43 : i32 to index
        %get3A_831 = arith.index_cast %add3A_815 : i32 to index
        %get3A_832 = arith.constant 32 : index
        %get3A_833 = tpu.vector_load %arg8[%get3A_830, %get3A_831, %get3A_832] {strides = array<i32>} : memref<2x128x64xf32, #tpu.memory_space<vmem>>, vector<16xf32>,
        %add3A_834 = vector.broadcast %mul3A_817 : i32 to vector<16xi32>
        %add3A_835 = arith.addi %min3A_436, %add3A_834 : vector<16xi32>
        tpu.vector_store_idx %arg9[%add3A_835], %get3A_833 masked %and3A_430 {add = true} : memref<8192xf32, #tpu.memory_space<vmem>>[vector<16xi32>], vector<16xf32>, vector<16xi1>
        %get3A_836 = arith.index_cast %rem3A_43 : i32 to index
        %get3A_837 = arith.index_cast %add3A_815 : i32 to index
        %get3A_838 = arith.constant 48 : index
        %get3A_839 = tpu.vector_load %arg8[%get3A_836, %get3A_837, %get3A_838] {strides = array<i32>} : memref<2x128x64xf32, #tpu.memory_space<vmem>>, vector<16xf32>,
        %add3A_840 = vector.broadcast %mul3A_817 : i32 to vector<16xi32>
        %add3A_841 = arith.addi %min3A_452, %add3A_840 : vector<16xi32>
        tpu.vector_store_idx %arg9[%add3A_841], %get3A_839 masked %and3A_446 {add = true} : memref<8192xf32, #tpu.memory_space<vmem>>[vector<16xi32>], vector<16xf32>, vector<16xi1>
      }
      %slice3A_462 = vector.extract_strided_slice %max3A_74 {offsets = [4], sizes = [1], strides = [1]} : vector<16xi32> to vector<1xi32>
      %squeeze3A_463 = vector.extract %slice3A_462[0] : i32 from vector<1xi32>
      %slice3A_464 = vector.extract_strided_slice %min3A_81 {offsets = [4], sizes = [1], strides = [1]} : vector<16xi32> to vector<1xi32>
      %squeeze3A_465 = vector.extract %slice3A_464[0] : i32 from vector<1xi32>
      %slice3A_466 = vector.extract_strided_slice %sub3A_98 {offsets = [4], sizes = [1], strides = [1]} : vector<16xi32> to vector<1xi32>
      %squeeze3A_467 = vector.extract %slice3A_466[0] : i32 from vector<1xi32>
      %add3A_468 = arith.constant 64 : i32
      %add3A_469 = arith.addi %squeeze3A_467, %add3A_468 : i32
      %slice3A_470 = vector.extract_strided_slice %gather3A_68 {offsets = [4], sizes = [1], strides = [1]} : vector<16xi32> to vector<1xi32>
      %squeeze3A_471 = vector.extract %slice3A_470[0] : i32 from vector<1xi32>
      %min3A_472 = arith.minsi %squeeze3A_463, %squeeze3A_465 : i32
      %sub3A_473 = arith.constant 32 : i32
      %sub3A_474 = arith.subi %squeeze3A_471, %sub3A_473 : i32
      %add3A_475 = vector.broadcast %sub3A_474 : i32 to vector<16xi32>
      %add3A_476 = arith.addi %add3A_475, %iota3A : vector<16xi32>
      %add3A_477 = arith.constant 0 : i32
      %add3A_478 = vector.broadcast %add3A_477 : i32 to vector<16xi32>
      %add3A_479 = arith.addi %add3A_476, %add3A_478 : vector<16xi32>
      %ge3A_480 = arith.constant 0 : i32
      %ge3A_481 = vector.broadcast %ge3A_480 : i32 to vector<16xi32>
      %ge3A_482 = arith.cmpi sge, %add3A_479, %ge3A_481 : vector<16xi32>
      %lt3A_483 = arith.constant 512 : i32
      %lt3A_484 = vector.broadcast %lt3A_483 : i32 to vector<16xi32>
      %lt3A_485 = arith.cmpi slt, %add3A_479, %lt3A_484 : vector<16xi32>
      %and3A_486 = arith.andi %ge3A_482, %lt3A_485 : vector<16xi1>
      %jit3A_487 = arith.constant 0 : i32
      %jit3A_488 = arith.constant 511 : i32
      %max3A_489 = vector.broadcast %jit3A_487 : i32 to vector<16xi32>
      %max3A_490 = arith.maxsi %max3A_489, %add3A_479 : vector<16xi32>
      %min3A_491 = vector.broadcast %jit3A_488 : i32 to vector<16xi32>
      %min3A_492 = arith.minsi %min3A_491, %max3A_490 : vector<16xi32>
      %add3A_493 = arith.constant 16 : i32
      %add3A_494 = vector.broadcast %add3A_493 : i32 to vector<16xi32>
      %add3A_495 = arith.addi %add3A_476, %add3A_494 : vector<16xi32>
      %ge3A_496 = arith.constant 0 : i32
      %ge3A_497 = vector.broadcast %ge3A_496 : i32 to vector<16xi32>
      %ge3A_498 = arith.cmpi sge, %add3A_495, %ge3A_497 : vector<16xi32>
      %lt3A_499 = arith.constant 512 : i32
      %lt3A_500 = vector.broadcast %lt3A_499 : i32 to vector<16xi32>
      %lt3A_501 = arith.cmpi slt, %add3A_495, %lt3A_500 : vector<16xi32>
      %and3A_502 = arith.andi %ge3A_498, %lt3A_501 : vector<16xi1>
      %jit3A_503 = arith.constant 0 : i32
      %jit3A_504 = arith.constant 511 : i32
      %max3A_505 = vector.broadcast %jit3A_503 : i32 to vector<16xi32>
      %max3A_506 = arith.maxsi %max3A_505, %add3A_495 : vector<16xi32>
      %min3A_507 = vector.broadcast %jit3A_504 : i32 to vector<16xi32>
      %min3A_508 = arith.minsi %min3A_507, %max3A_506 : vector<16xi32>
      %add3A_509 = arith.constant 32 : i32
      %add3A_510 = vector.broadcast %add3A_509 : i32 to vector<16xi32>
      %add3A_511 = arith.addi %add3A_476, %add3A_510 : vector<16xi32>
      %ge3A_512 = arith.constant 0 : i32
      %ge3A_513 = vector.broadcast %ge3A_512 : i32 to vector<16xi32>
      %ge3A_514 = arith.cmpi sge, %add3A_511, %ge3A_513 : vector<16xi32>
      %lt3A_515 = arith.constant 512 : i32
      %lt3A_516 = vector.broadcast %lt3A_515 : i32 to vector<16xi32>
      %lt3A_517 = arith.cmpi slt, %add3A_511, %lt3A_516 : vector<16xi32>
      %and3A_518 = arith.andi %ge3A_514, %lt3A_517 : vector<16xi1>
      %jit3A_519 = arith.constant 0 : i32
      %jit3A_520 = arith.constant 511 : i32
      %max3A_521 = vector.broadcast %jit3A_519 : i32 to vector<16xi32>
      %max3A_522 = arith.maxsi %max3A_521, %add3A_511 : vector<16xi32>
      %min3A_523 = vector.broadcast %jit3A_520 : i32 to vector<16xi32>
      %min3A_524 = arith.minsi %min3A_523, %max3A_522 : vector<16xi32>
      %add3A_525 = arith.constant 48 : i32
      %add3A_526 = vector.broadcast %add3A_525 : i32 to vector<16xi32>
      %add3A_527 = arith.addi %add3A_476, %add3A_526 : vector<16xi32>
      %ge3A_528 = arith.constant 0 : i32
      %ge3A_529 = vector.broadcast %ge3A_528 : i32 to vector<16xi32>
      %ge3A_530 = arith.cmpi sge, %add3A_527, %ge3A_529 : vector<16xi32>
      %lt3A_531 = arith.constant 512 : i32
      %lt3A_532 = vector.broadcast %lt3A_531 : i32 to vector<16xi32>
      %lt3A_533 = arith.cmpi slt, %add3A_527, %lt3A_532 : vector<16xi32>
      %and3A_534 = arith.andi %ge3A_530, %lt3A_533 : vector<16xi1>
      %jit3A_535 = arith.constant 0 : i32
      %jit3A_536 = arith.constant 511 : i32
      %max3A_537 = vector.broadcast %jit3A_535 : i32 to vector<16xi32>
      %max3A_538 = arith.maxsi %max3A_537, %add3A_527 : vector<16xi32>
      %min3A_539 = vector.broadcast %jit3A_536 : i32 to vector<16xi32>
      %min3A_540 = arith.minsi %min3A_539, %max3A_538 : vector<16xi32>
      %while3A_541 = arith.constant 0 : i32
      %while3A_542 = arith.subi %squeeze3A_465, %min3A_472 : i32
      %while3A_543 = arith.addi %min3A_472, %while3A_542 : i32
      %while3A_544 = arith.constant 1 : i32
      %while3A_545 = arith.divsi %while3A_542, %while3A_544 : i32
      %while3A_546 = arith.muli %while3A_545, %while3A_544 : i32
      %while3A_547 = arith.addi %min3A_472, %while3A_546 : i32
      %while3A_548 = arith.constant 1 : i32
      scf.for %while3A_814 = %min3A_472 to %while3A_547 step %while3A_548  : i32 {
        %add3A_815 = arith.addi %add3A_469, %while3A_814 : i32
        %mul3A_816 = arith.constant 512 : i32
        %mul3A_817 = arith.muli %while3A_814, %mul3A_816 : i32
        %get3A_818 = arith.index_cast %rem3A_43 : i32 to index
        %get3A_819 = arith.index_cast %add3A_815 : i32 to index
        %get3A_820 = arith.constant 0 : index
        %get3A_821 = tpu.vector_load %arg8[%get3A_818, %get3A_819, %get3A_820] {strides = array<i32>} : memref<2x128x64xf32, #tpu.memory_space<vmem>>, vector<16xf32>,
        %add3A_822 = vector.broadcast %mul3A_817 : i32 to vector<16xi32>
        %add3A_823 = arith.addi %min3A_492, %add3A_822 : vector<16xi32>
        tpu.vector_store_idx %arg9[%add3A_823], %get3A_821 masked %and3A_486 {add = true} : memref<8192xf32, #tpu.memory_space<vmem>>[vector<16xi32>], vector<16xf32>, vector<16xi1>
        %get3A_824 = arith.index_cast %rem3A_43 : i32 to index
        %get3A_825 = arith.index_cast %add3A_815 : i32 to index
        %get3A_826 = arith.constant 16 : index
        %get3A_827 = tpu.vector_load %arg8[%get3A_824, %get3A_825, %get3A_826] {strides = array<i32>} : memref<2x128x64xf32, #tpu.memory_space<vmem>>, vector<16xf32>,
        %add3A_828 = vector.broadcast %mul3A_817 : i32 to vector<16xi32>
        %add3A_829 = arith.addi %min3A_508, %add3A_828 : vector<16xi32>
        tpu.vector_store_idx %arg9[%add3A_829], %get3A_827 masked %and3A_502 {add = true} : memref<8192xf32, #tpu.memory_space<vmem>>[vector<16xi32>], vector<16xf32>, vector<16xi1>
        %get3A_830 = arith.index_cast %rem3A_43 : i32 to index
        %get3A_831 = arith.index_cast %add3A_815 : i32 to index
        %get3A_832 = arith.constant 32 : index
        %get3A_833 = tpu.vector_load %arg8[%get3A_830, %get3A_831, %get3A_832] {strides = array<i32>} : memref<2x128x64xf32, #tpu.memory_space<vmem>>, vector<16xf32>,
        %add3A_834 = vector.broadcast %mul3A_817 : i32 to vector<16xi32>
        %add3A_835 = arith.addi %min3A_524, %add3A_834 : vector<16xi32>
        tpu.vector_store_idx %arg9[%add3A_835], %get3A_833 masked %and3A_518 {add = true} : memref<8192xf32, #tpu.memory_space<vmem>>[vector<16xi32>], vector<16xf32>, vector<16xi1>
        %get3A_836 = arith.index_cast %rem3A_43 : i32 to index
        %get3A_837 = arith.index_cast %add3A_815 : i32 to index
        %get3A_838 = arith.constant 48 : index
        %get3A_839 = tpu.vector_load %arg8[%get3A_836, %get3A_837, %get3A_838] {strides = array<i32>} : memref<2x128x64xf32, #tpu.memory_space<vmem>>, vector<16xf32>,
        %add3A_840 = vector.broadcast %mul3A_817 : i32 to vector<16xi32>
        %add3A_841 = arith.addi %min3A_540, %add3A_840 : vector<16xi32>
        tpu.vector_store_idx %arg9[%add3A_841], %get3A_839 masked %and3A_534 {add = true} : memref<8192xf32, #tpu.memory_space<vmem>>[vector<16xi32>], vector<16xf32>, vector<16xi1>
      }
      %while3A_549 = arith.constant 1 : i32
      scf.for %while3A_814 = %while3A_547 to %while3A_543 step %while3A_549  : i32 {
        %add3A_815 = arith.addi %add3A_469, %while3A_814 : i32
        %mul3A_816 = arith.constant 512 : i32
        %mul3A_817 = arith.muli %while3A_814, %mul3A_816 : i32
        %get3A_818 = arith.index_cast %rem3A_43 : i32 to index
        %get3A_819 = arith.index_cast %add3A_815 : i32 to index
        %get3A_820 = arith.constant 0 : index
        %get3A_821 = tpu.vector_load %arg8[%get3A_818, %get3A_819, %get3A_820] {strides = array<i32>} : memref<2x128x64xf32, #tpu.memory_space<vmem>>, vector<16xf32>,
        %add3A_822 = vector.broadcast %mul3A_817 : i32 to vector<16xi32>
        %add3A_823 = arith.addi %min3A_492, %add3A_822 : vector<16xi32>
        tpu.vector_store_idx %arg9[%add3A_823], %get3A_821 masked %and3A_486 {add = true} : memref<8192xf32, #tpu.memory_space<vmem>>[vector<16xi32>], vector<16xf32>, vector<16xi1>
        %get3A_824 = arith.index_cast %rem3A_43 : i32 to index
        %get3A_825 = arith.index_cast %add3A_815 : i32 to index
        %get3A_826 = arith.constant 16 : index
        %get3A_827 = tpu.vector_load %arg8[%get3A_824, %get3A_825, %get3A_826] {strides = array<i32>} : memref<2x128x64xf32, #tpu.memory_space<vmem>>, vector<16xf32>,
        %add3A_828 = vector.broadcast %mul3A_817 : i32 to vector<16xi32>
        %add3A_829 = arith.addi %min3A_508, %add3A_828 : vector<16xi32>
        tpu.vector_store_idx %arg9[%add3A_829], %get3A_827 masked %and3A_502 {add = true} : memref<8192xf32, #tpu.memory_space<vmem>>[vector<16xi32>], vector<16xf32>, vector<16xi1>
        %get3A_830 = arith.index_cast %rem3A_43 : i32 to index
        %get3A_831 = arith.index_cast %add3A_815 : i32 to index
        %get3A_832 = arith.constant 32 : index
        %get3A_833 = tpu.vector_load %arg8[%get3A_830, %get3A_831, %get3A_832] {strides = array<i32>} : memref<2x128x64xf32, #tpu.memory_space<vmem>>, vector<16xf32>,
        %add3A_834 = vector.broadcast %mul3A_817 : i32 to vector<16xi32>
        %add3A_835 = arith.addi %min3A_524, %add3A_834 : vector<16xi32>
        tpu.vector_store_idx %arg9[%add3A_835], %get3A_833 masked %and3A_518 {add = true} : memref<8192xf32, #tpu.memory_space<vmem>>[vector<16xi32>], vector<16xf32>, vector<16xi1>
        %get3A_836 = arith.index_cast %rem3A_43 : i32 to index
        %get3A_837 = arith.index_cast %add3A_815 : i32 to index
        %get3A_838 = arith.constant 48 : index
        %get3A_839 = tpu.vector_load %arg8[%get3A_836, %get3A_837, %get3A_838] {strides = array<i32>} : memref<2x128x64xf32, #tpu.memory_space<vmem>>, vector<16xf32>,
        %add3A_840 = vector.broadcast %mul3A_817 : i32 to vector<16xi32>
        %add3A_841 = arith.addi %min3A_540, %add3A_840 : vector<16xi32>
        tpu.vector_store_idx %arg9[%add3A_841], %get3A_839 masked %and3A_534 {add = true} : memref<8192xf32, #tpu.memory_space<vmem>>[vector<16xi32>], vector<16xf32>, vector<16xi1>
      }
      %slice3A_550 = vector.extract_strided_slice %max3A_74 {offsets = [5], sizes = [1], strides = [1]} : vector<16xi32> to vector<1xi32>
      %squeeze3A_551 = vector.extract %slice3A_550[0] : i32 from vector<1xi32>
      %slice3A_552 = vector.extract_strided_slice %min3A_81 {offsets = [5], sizes = [1], strides = [1]} : vector<16xi32> to vector<1xi32>
      %squeeze3A_553 = vector.extract %slice3A_552[0] : i32 from vector<1xi32>
      %slice3A_554 = vector.extract_strided_slice %sub3A_98 {offsets = [5], sizes = [1], strides = [1]} : vector<16xi32> to vector<1xi32>
      %squeeze3A_555 = vector.extract %slice3A_554[0] : i32 from vector<1xi32>
      %add3A_556 = arith.constant 80 : i32
      %add3A_557 = arith.addi %squeeze3A_555, %add3A_556 : i32
      %slice3A_558 = vector.extract_strided_slice %gather3A_68 {offsets = [5], sizes = [1], strides = [1]} : vector<16xi32> to vector<1xi32>
      %squeeze3A_559 = vector.extract %slice3A_558[0] : i32 from vector<1xi32>
      %min3A_560 = arith.minsi %squeeze3A_551, %squeeze3A_553 : i32
      %sub3A_561 = arith.constant 32 : i32
      %sub3A_562 = arith.subi %squeeze3A_559, %sub3A_561 : i32
      %add3A_563 = vector.broadcast %sub3A_562 : i32 to vector<16xi32>
      %add3A_564 = arith.addi %add3A_563, %iota3A : vector<16xi32>
      %add3A_565 = arith.constant 0 : i32
      %add3A_566 = vector.broadcast %add3A_565 : i32 to vector<16xi32>
      %add3A_567 = arith.addi %add3A_564, %add3A_566 : vector<16xi32>
      %ge3A_568 = arith.constant 0 : i32
      %ge3A_569 = vector.broadcast %ge3A_568 : i32 to vector<16xi32>
      %ge3A_570 = arith.cmpi sge, %add3A_567, %ge3A_569 : vector<16xi32>
      %lt3A_571 = arith.constant 512 : i32
      %lt3A_572 = vector.broadcast %lt3A_571 : i32 to vector<16xi32>
      %lt3A_573 = arith.cmpi slt, %add3A_567, %lt3A_572 : vector<16xi32>
      %and3A_574 = arith.andi %ge3A_570, %lt3A_573 : vector<16xi1>
      %jit3A_575 = arith.constant 0 : i32
      %jit3A_576 = arith.constant 511 : i32
      %max3A_577 = vector.broadcast %jit3A_575 : i32 to vector<16xi32>
      %max3A_578 = arith.maxsi %max3A_577, %add3A_567 : vector<16xi32>
      %min3A_579 = vector.broadcast %jit3A_576 : i32 to vector<16xi32>
      %min3A_580 = arith.minsi %min3A_579, %max3A_578 : vector<16xi32>
      %add3A_581 = arith.constant 16 : i32
      %add3A_582 = vector.broadcast %add3A_581 : i32 to vector<16xi32>
      %add3A_583 = arith.addi %add3A_564, %add3A_582 : vector<16xi32>
      %ge3A_584 = arith.constant 0 : i32
      %ge3A_585 = vector.broadcast %ge3A_584 : i32 to vector<16xi32>
      %ge3A_586 = arith.cmpi sge, %add3A_583, %ge3A_585 : vector<16xi32>
      %lt3A_587 = arith.constant 512 : i32
      %lt3A_588 = vector.broadcast %lt3A_587 : i32 to vector<16xi32>
      %lt3A_589 = arith.cmpi slt, %add3A_583, %lt3A_588 : vector<16xi32>
      %and3A_590 = arith.andi %ge3A_586, %lt3A_589 : vector<16xi1>
      %jit3A_591 = arith.constant 0 : i32
      %jit3A_592 = arith.constant 511 : i32
      %max3A_593 = vector.broadcast %jit3A_591 : i32 to vector<16xi32>
      %max3A_594 = arith.maxsi %max3A_593, %add3A_583 : vector<16xi32>
      %min3A_595 = vector.broadcast %jit3A_592 : i32 to vector<16xi32>
      %min3A_596 = arith.minsi %min3A_595, %max3A_594 : vector<16xi32>
      %add3A_597 = arith.constant 32 : i32
      %add3A_598 = vector.broadcast %add3A_597 : i32 to vector<16xi32>
      %add3A_599 = arith.addi %add3A_564, %add3A_598 : vector<16xi32>
      %ge3A_600 = arith.constant 0 : i32
      %ge3A_601 = vector.broadcast %ge3A_600 : i32 to vector<16xi32>
      %ge3A_602 = arith.cmpi sge, %add3A_599, %ge3A_601 : vector<16xi32>
      %lt3A_603 = arith.constant 512 : i32
      %lt3A_604 = vector.broadcast %lt3A_603 : i32 to vector<16xi32>
      %lt3A_605 = arith.cmpi slt, %add3A_599, %lt3A_604 : vector<16xi32>
      %and3A_606 = arith.andi %ge3A_602, %lt3A_605 : vector<16xi1>
      %jit3A_607 = arith.constant 0 : i32
      %jit3A_608 = arith.constant 511 : i32
      %max3A_609 = vector.broadcast %jit3A_607 : i32 to vector<16xi32>
      %max3A_610 = arith.maxsi %max3A_609, %add3A_599 : vector<16xi32>
      %min3A_611 = vector.broadcast %jit3A_608 : i32 to vector<16xi32>
      %min3A_612 = arith.minsi %min3A_611, %max3A_610 : vector<16xi32>
      %add3A_613 = arith.constant 48 : i32
      %add3A_614 = vector.broadcast %add3A_613 : i32 to vector<16xi32>
      %add3A_615 = arith.addi %add3A_564, %add3A_614 : vector<16xi32>
      %ge3A_616 = arith.constant 0 : i32
      %ge3A_617 = vector.broadcast %ge3A_616 : i32 to vector<16xi32>
      %ge3A_618 = arith.cmpi sge, %add3A_615, %ge3A_617 : vector<16xi32>
      %lt3A_619 = arith.constant 512 : i32
      %lt3A_620 = vector.broadcast %lt3A_619 : i32 to vector<16xi32>
      %lt3A_621 = arith.cmpi slt, %add3A_615, %lt3A_620 : vector<16xi32>
      %and3A_622 = arith.andi %ge3A_618, %lt3A_621 : vector<16xi1>
      %jit3A_623 = arith.constant 0 : i32
      %jit3A_624 = arith.constant 511 : i32
      %max3A_625 = vector.broadcast %jit3A_623 : i32 to vector<16xi32>
      %max3A_626 = arith.maxsi %max3A_625, %add3A_615 : vector<16xi32>
      %min3A_627 = vector.broadcast %jit3A_624 : i32 to vector<16xi32>
      %min3A_628 = arith.minsi %min3A_627, %max3A_626 : vector<16xi32>
      %while3A_629 = arith.constant 0 : i32
      %while3A_630 = arith.subi %squeeze3A_553, %min3A_560 : i32
      %while3A_631 = arith.addi %min3A_560, %while3A_630 : i32
      %while3A_632 = arith.constant 1 : i32
      %while3A_633 = arith.divsi %while3A_630, %while3A_632 : i32
      %while3A_634 = arith.muli %while3A_633, %while3A_632 : i32
      %while3A_635 = arith.addi %min3A_560, %while3A_634 : i32
      %while3A_636 = arith.constant 1 : i32
      scf.for %while3A_814 = %min3A_560 to %while3A_635 step %while3A_636  : i32 {
        %add3A_815 = arith.addi %add3A_557, %while3A_814 : i32
        %mul3A_816 = arith.constant 512 : i32
        %mul3A_817 = arith.muli %while3A_814, %mul3A_816 : i32
        %get3A_818 = arith.index_cast %rem3A_43 : i32 to index
        %get3A_819 = arith.index_cast %add3A_815 : i32 to index
        %get3A_820 = arith.constant 0 : index
        %get3A_821 = tpu.vector_load %arg8[%get3A_818, %get3A_819, %get3A_820] {strides = array<i32>} : memref<2x128x64xf32, #tpu.memory_space<vmem>>, vector<16xf32>,
        %add3A_822 = vector.broadcast %mul3A_817 : i32 to vector<16xi32>
        %add3A_823 = arith.addi %min3A_580, %add3A_822 : vector<16xi32>
        tpu.vector_store_idx %arg9[%add3A_823], %get3A_821 masked %and3A_574 {add = true} : memref<8192xf32, #tpu.memory_space<vmem>>[vector<16xi32>], vector<16xf32>, vector<16xi1>
        %get3A_824 = arith.index_cast %rem3A_43 : i32 to index
        %get3A_825 = arith.index_cast %add3A_815 : i32 to index
        %get3A_826 = arith.constant 16 : index
        %get3A_827 = tpu.vector_load %arg8[%get3A_824, %get3A_825, %get3A_826] {strides = array<i32>} : memref<2x128x64xf32, #tpu.memory_space<vmem>>, vector<16xf32>,
        %add3A_828 = vector.broadcast %mul3A_817 : i32 to vector<16xi32>
        %add3A_829 = arith.addi %min3A_596, %add3A_828 : vector<16xi32>
        tpu.vector_store_idx %arg9[%add3A_829], %get3A_827 masked %and3A_590 {add = true} : memref<8192xf32, #tpu.memory_space<vmem>>[vector<16xi32>], vector<16xf32>, vector<16xi1>
        %get3A_830 = arith.index_cast %rem3A_43 : i32 to index
        %get3A_831 = arith.index_cast %add3A_815 : i32 to index
        %get3A_832 = arith.constant 32 : index
        %get3A_833 = tpu.vector_load %arg8[%get3A_830, %get3A_831, %get3A_832] {strides = array<i32>} : memref<2x128x64xf32, #tpu.memory_space<vmem>>, vector<16xf32>,
        %add3A_834 = vector.broadcast %mul3A_817 : i32 to vector<16xi32>
        %add3A_835 = arith.addi %min3A_612, %add3A_834 : vector<16xi32>
        tpu.vector_store_idx %arg9[%add3A_835], %get3A_833 masked %and3A_606 {add = true} : memref<8192xf32, #tpu.memory_space<vmem>>[vector<16xi32>], vector<16xf32>, vector<16xi1>
        %get3A_836 = arith.index_cast %rem3A_43 : i32 to index
        %get3A_837 = arith.index_cast %add3A_815 : i32 to index
        %get3A_838 = arith.constant 48 : index
        %get3A_839 = tpu.vector_load %arg8[%get3A_836, %get3A_837, %get3A_838] {strides = array<i32>} : memref<2x128x64xf32, #tpu.memory_space<vmem>>, vector<16xf32>,
        %add3A_840 = vector.broadcast %mul3A_817 : i32 to vector<16xi32>
        %add3A_841 = arith.addi %min3A_628, %add3A_840 : vector<16xi32>
        tpu.vector_store_idx %arg9[%add3A_841], %get3A_839 masked %and3A_622 {add = true} : memref<8192xf32, #tpu.memory_space<vmem>>[vector<16xi32>], vector<16xf32>, vector<16xi1>
      }
      %while3A_637 = arith.constant 1 : i32
      scf.for %while3A_814 = %while3A_635 to %while3A_631 step %while3A_637  : i32 {
        %add3A_815 = arith.addi %add3A_557, %while3A_814 : i32
        %mul3A_816 = arith.constant 512 : i32
        %mul3A_817 = arith.muli %while3A_814, %mul3A_816 : i32
        %get3A_818 = arith.index_cast %rem3A_43 : i32 to index
        %get3A_819 = arith.index_cast %add3A_815 : i32 to index
        %get3A_820 = arith.constant 0 : index
        %get3A_821 = tpu.vector_load %arg8[%get3A_818, %get3A_819, %get3A_820] {strides = array<i32>} : memref<2x128x64xf32, #tpu.memory_space<vmem>>, vector<16xf32>,
        %add3A_822 = vector.broadcast %mul3A_817 : i32 to vector<16xi32>
        %add3A_823 = arith.addi %min3A_580, %add3A_822 : vector<16xi32>
        tpu.vector_store_idx %arg9[%add3A_823], %get3A_821 masked %and3A_574 {add = true} : memref<8192xf32, #tpu.memory_space<vmem>>[vector<16xi32>], vector<16xf32>, vector<16xi1>
        %get3A_824 = arith.index_cast %rem3A_43 : i32 to index
        %get3A_825 = arith.index_cast %add3A_815 : i32 to index
        %get3A_826 = arith.constant 16 : index
        %get3A_827 = tpu.vector_load %arg8[%get3A_824, %get3A_825, %get3A_826] {strides = array<i32>} : memref<2x128x64xf32, #tpu.memory_space<vmem>>, vector<16xf32>,
        %add3A_828 = vector.broadcast %mul3A_817 : i32 to vector<16xi32>
        %add3A_829 = arith.addi %min3A_596, %add3A_828 : vector<16xi32>
        tpu.vector_store_idx %arg9[%add3A_829], %get3A_827 masked %and3A_590 {add = true} : memref<8192xf32, #tpu.memory_space<vmem>>[vector<16xi32>], vector<16xf32>, vector<16xi1>
        %get3A_830 = arith.index_cast %rem3A_43 : i32 to index
        %get3A_831 = arith.index_cast %add3A_815 : i32 to index
        %get3A_832 = arith.constant 32 : index
        %get3A_833 = tpu.vector_load %arg8[%get3A_830, %get3A_831, %get3A_832] {strides = array<i32>} : memref<2x128x64xf32, #tpu.memory_space<vmem>>, vector<16xf32>,
        %add3A_834 = vector.broadcast %mul3A_817 : i32 to vector<16xi32>
        %add3A_835 = arith.addi %min3A_612, %add3A_834 : vector<16xi32>
        tpu.vector_store_idx %arg9[%add3A_835], %get3A_833 masked %and3A_606 {add = true} : memref<8192xf32, #tpu.memory_space<vmem>>[vector<16xi32>], vector<16xf32>, vector<16xi1>
        %get3A_836 = arith.index_cast %rem3A_43 : i32 to index
        %get3A_837 = arith.index_cast %add3A_815 : i32 to index
        %get3A_838 = arith.constant 48 : index
        %get3A_839 = tpu.vector_load %arg8[%get3A_836, %get3A_837, %get3A_838] {strides = array<i32>} : memref<2x128x64xf32, #tpu.memory_space<vmem>>, vector<16xf32>,
        %add3A_840 = vector.broadcast %mul3A_817 : i32 to vector<16xi32>
        %add3A_841 = arith.addi %min3A_628, %add3A_840 : vector<16xi32>
        tpu.vector_store_idx %arg9[%add3A_841], %get3A_839 masked %and3A_622 {add = true} : memref<8192xf32, #tpu.memory_space<vmem>>[vector<16xi32>], vector<16xf32>, vector<16xi1>
      }
      %slice3A_638 = vector.extract_strided_slice %max3A_74 {offsets = [6], sizes = [1], strides = [1]} : vector<16xi32> to vector<1xi32>
      %squeeze3A_639 = vector.extract %slice3A_638[0] : i32 from vector<1xi32>
      %slice3A_640 = vector.extract_strided_slice %min3A_81 {offsets = [6], sizes = [1], strides = [1]} : vector<16xi32> to vector<1xi32>
      %squeeze3A_641 = vector.extract %slice3A_640[0] : i32 from vector<1xi32>
      %slice3A_642 = vector.extract_strided_slice %sub3A_98 {offsets = [6], sizes = [1], strides = [1]} : vector<16xi32> to vector<1xi32>
      %squeeze3A_643 = vector.extract %slice3A_642[0] : i32 from vector<1xi32>
      %add3A_644 = arith.constant 96 : i32
      %add3A_645 = arith.addi %squeeze3A_643, %add3A_644 : i32
      %slice3A_646 = vector.extract_strided_slice %gather3A_68 {offsets = [6], sizes = [1], strides = [1]} : vector<16xi32> to vector<1xi32>
      %squeeze3A_647 = vector.extract %slice3A_646[0] : i32 from vector<1xi32>
      %min3A_648 = arith.minsi %squeeze3A_639, %squeeze3A_641 : i32
      %sub3A_649 = arith.constant 32 : i32
      %sub3A_650 = arith.subi %squeeze3A_647, %sub3A_649 : i32
      %add3A_651 = vector.broadcast %sub3A_650 : i32 to vector<16xi32>
      %add3A_652 = arith.addi %add3A_651, %iota3A : vector<16xi32>
      %add3A_653 = arith.constant 0 : i32
      %add3A_654 = vector.broadcast %add3A_653 : i32 to vector<16xi32>
      %add3A_655 = arith.addi %add3A_652, %add3A_654 : vector<16xi32>
      %ge3A_656 = arith.constant 0 : i32
      %ge3A_657 = vector.broadcast %ge3A_656 : i32 to vector<16xi32>
      %ge3A_658 = arith.cmpi sge, %add3A_655, %ge3A_657 : vector<16xi32>
      %lt3A_659 = arith.constant 512 : i32
      %lt3A_660 = vector.broadcast %lt3A_659 : i32 to vector<16xi32>
      %lt3A_661 = arith.cmpi slt, %add3A_655, %lt3A_660 : vector<16xi32>
      %and3A_662 = arith.andi %ge3A_658, %lt3A_661 : vector<16xi1>
      %jit3A_663 = arith.constant 0 : i32
      %jit3A_664 = arith.constant 511 : i32
      %max3A_665 = vector.broadcast %jit3A_663 : i32 to vector<16xi32>
      %max3A_666 = arith.maxsi %max3A_665, %add3A_655 : vector<16xi32>
      %min3A_667 = vector.broadcast %jit3A_664 : i32 to vector<16xi32>
      %min3A_668 = arith.minsi %min3A_667, %max3A_666 : vector<16xi32>
      %add3A_669 = arith.constant 16 : i32
      %add3A_670 = vector.broadcast %add3A_669 : i32 to vector<16xi32>
      %add3A_671 = arith.addi %add3A_652, %add3A_670 : vector<16xi32>
      %ge3A_672 = arith.constant 0 : i32
      %ge3A_673 = vector.broadcast %ge3A_672 : i32 to vector<16xi32>
      %ge3A_674 = arith.cmpi sge, %add3A_671, %ge3A_673 : vector<16xi32>
      %lt3A_675 = arith.constant 512 : i32
      %lt3A_676 = vector.broadcast %lt3A_675 : i32 to vector<16xi32>
      %lt3A_677 = arith.cmpi slt, %add3A_671, %lt3A_676 : vector<16xi32>
      %and3A_678 = arith.andi %ge3A_674, %lt3A_677 : vector<16xi1>
      %jit3A_679 = arith.constant 0 : i32
      %jit3A_680 = arith.constant 511 : i32
      %max3A_681 = vector.broadcast %jit3A_679 : i32 to vector<16xi32>
      %max3A_682 = arith.maxsi %max3A_681, %add3A_671 : vector<16xi32>
      %min3A_683 = vector.broadcast %jit3A_680 : i32 to vector<16xi32>
      %min3A_684 = arith.minsi %min3A_683, %max3A_682 : vector<16xi32>
      %add3A_685 = arith.constant 32 : i32
      %add3A_686 = vector.broadcast %add3A_685 : i32 to vector<16xi32>
      %add3A_687 = arith.addi %add3A_652, %add3A_686 : vector<16xi32>
      %ge3A_688 = arith.constant 0 : i32
      %ge3A_689 = vector.broadcast %ge3A_688 : i32 to vector<16xi32>
      %ge3A_690 = arith.cmpi sge, %add3A_687, %ge3A_689 : vector<16xi32>
      %lt3A_691 = arith.constant 512 : i32
      %lt3A_692 = vector.broadcast %lt3A_691 : i32 to vector<16xi32>
      %lt3A_693 = arith.cmpi slt, %add3A_687, %lt3A_692 : vector<16xi32>
      %and3A_694 = arith.andi %ge3A_690, %lt3A_693 : vector<16xi1>
      %jit3A_695 = arith.constant 0 : i32
      %jit3A_696 = arith.constant 511 : i32
      %max3A_697 = vector.broadcast %jit3A_695 : i32 to vector<16xi32>
      %max3A_698 = arith.maxsi %max3A_697, %add3A_687 : vector<16xi32>
      %min3A_699 = vector.broadcast %jit3A_696 : i32 to vector<16xi32>
      %min3A_700 = arith.minsi %min3A_699, %max3A_698 : vector<16xi32>
      %add3A_701 = arith.constant 48 : i32
      %add3A_702 = vector.broadcast %add3A_701 : i32 to vector<16xi32>
      %add3A_703 = arith.addi %add3A_652, %add3A_702 : vector<16xi32>
      %ge3A_704 = arith.constant 0 : i32
      %ge3A_705 = vector.broadcast %ge3A_704 : i32 to vector<16xi32>
      %ge3A_706 = arith.cmpi sge, %add3A_703, %ge3A_705 : vector<16xi32>
      %lt3A_707 = arith.constant 512 : i32
      %lt3A_708 = vector.broadcast %lt3A_707 : i32 to vector<16xi32>
      %lt3A_709 = arith.cmpi slt, %add3A_703, %lt3A_708 : vector<16xi32>
      %and3A_710 = arith.andi %ge3A_706, %lt3A_709 : vector<16xi1>
      %jit3A_711 = arith.constant 0 : i32
      %jit3A_712 = arith.constant 511 : i32
      %max3A_713 = vector.broadcast %jit3A_711 : i32 to vector<16xi32>
      %max3A_714 = arith.maxsi %max3A_713, %add3A_703 : vector<16xi32>
      %min3A_715 = vector.broadcast %jit3A_712 : i32 to vector<16xi32>
      %min3A_716 = arith.minsi %min3A_715, %max3A_714 : vector<16xi32>
      %while3A_717 = arith.constant 0 : i32
      %while3A_718 = arith.subi %squeeze3A_641, %min3A_648 : i32
      %while3A_719 = arith.addi %min3A_648, %while3A_718 : i32
      %while3A_720 = arith.constant 1 : i32
      %while3A_721 = arith.divsi %while3A_718, %while3A_720 : i32
      %while3A_722 = arith.muli %while3A_721, %while3A_720 : i32
      %while3A_723 = arith.addi %min3A_648, %while3A_722 : i32
      %while3A_724 = arith.constant 1 : i32
      scf.for %while3A_814 = %min3A_648 to %while3A_723 step %while3A_724  : i32 {
        %add3A_815 = arith.addi %add3A_645, %while3A_814 : i32
        %mul3A_816 = arith.constant 512 : i32
        %mul3A_817 = arith.muli %while3A_814, %mul3A_816 : i32
        %get3A_818 = arith.index_cast %rem3A_43 : i32 to index
        %get3A_819 = arith.index_cast %add3A_815 : i32 to index
        %get3A_820 = arith.constant 0 : index
        %get3A_821 = tpu.vector_load %arg8[%get3A_818, %get3A_819, %get3A_820] {strides = array<i32>} : memref<2x128x64xf32, #tpu.memory_space<vmem>>, vector<16xf32>,
        %add3A_822 = vector.broadcast %mul3A_817 : i32 to vector<16xi32>
        %add3A_823 = arith.addi %min3A_668, %add3A_822 : vector<16xi32>
        tpu.vector_store_idx %arg9[%add3A_823], %get3A_821 masked %and3A_662 {add = true} : memref<8192xf32, #tpu.memory_space<vmem>>[vector<16xi32>], vector<16xf32>, vector<16xi1>
        %get3A_824 = arith.index_cast %rem3A_43 : i32 to index
        %get3A_825 = arith.index_cast %add3A_815 : i32 to index
        %get3A_826 = arith.constant 16 : index
        %get3A_827 = tpu.vector_load %arg8[%get3A_824, %get3A_825, %get3A_826] {strides = array<i32>} : memref<2x128x64xf32, #tpu.memory_space<vmem>>, vector<16xf32>,
        %add3A_828 = vector.broadcast %mul3A_817 : i32 to vector<16xi32>
        %add3A_829 = arith.addi %min3A_684, %add3A_828 : vector<16xi32>
        tpu.vector_store_idx %arg9[%add3A_829], %get3A_827 masked %and3A_678 {add = true} : memref<8192xf32, #tpu.memory_space<vmem>>[vector<16xi32>], vector<16xf32>, vector<16xi1>
        %get3A_830 = arith.index_cast %rem3A_43 : i32 to index
        %get3A_831 = arith.index_cast %add3A_815 : i32 to index
        %get3A_832 = arith.constant 32 : index
        %get3A_833 = tpu.vector_load %arg8[%get3A_830, %get3A_831, %get3A_832] {strides = array<i32>} : memref<2x128x64xf32, #tpu.memory_space<vmem>>, vector<16xf32>,
        %add3A_834 = vector.broadcast %mul3A_817 : i32 to vector<16xi32>
        %add3A_835 = arith.addi %min3A_700, %add3A_834 : vector<16xi32>
        tpu.vector_store_idx %arg9[%add3A_835], %get3A_833 masked %and3A_694 {add = true} : memref<8192xf32, #tpu.memory_space<vmem>>[vector<16xi32>], vector<16xf32>, vector<16xi1>
        %get3A_836 = arith.index_cast %rem3A_43 : i32 to index
        %get3A_837 = arith.index_cast %add3A_815 : i32 to index
        %get3A_838 = arith.constant 48 : index
        %get3A_839 = tpu.vector_load %arg8[%get3A_836, %get3A_837, %get3A_838] {strides = array<i32>} : memref<2x128x64xf32, #tpu.memory_space<vmem>>, vector<16xf32>,
        %add3A_840 = vector.broadcast %mul3A_817 : i32 to vector<16xi32>
        %add3A_841 = arith.addi %min3A_716, %add3A_840 : vector<16xi32>
        tpu.vector_store_idx %arg9[%add3A_841], %get3A_839 masked %and3A_710 {add = true} : memref<8192xf32, #tpu.memory_space<vmem>>[vector<16xi32>], vector<16xf32>, vector<16xi1>
      }
      %while3A_725 = arith.constant 1 : i32
      scf.for %while3A_814 = %while3A_723 to %while3A_719 step %while3A_725  : i32 {
        %add3A_815 = arith.addi %add3A_645, %while3A_814 : i32
        %mul3A_816 = arith.constant 512 : i32
        %mul3A_817 = arith.muli %while3A_814, %mul3A_816 : i32
        %get3A_818 = arith.index_cast %rem3A_43 : i32 to index
        %get3A_819 = arith.index_cast %add3A_815 : i32 to index
        %get3A_820 = arith.constant 0 : index
        %get3A_821 = tpu.vector_load %arg8[%get3A_818, %get3A_819, %get3A_820] {strides = array<i32>} : memref<2x128x64xf32, #tpu.memory_space<vmem>>, vector<16xf32>,
        %add3A_822 = vector.broadcast %mul3A_817 : i32 to vector<16xi32>
        %add3A_823 = arith.addi %min3A_668, %add3A_822 : vector<16xi32>
        tpu.vector_store_idx %arg9[%add3A_823], %get3A_821 masked %and3A_662 {add = true} : memref<8192xf32, #tpu.memory_space<vmem>>[vector<16xi32>], vector<16xf32>, vector<16xi1>
        %get3A_824 = arith.index_cast %rem3A_43 : i32 to index
        %get3A_825 = arith.index_cast %add3A_815 : i32 to index
        %get3A_826 = arith.constant 16 : index
        %get3A_827 = tpu.vector_load %arg8[%get3A_824, %get3A_825, %get3A_826] {strides = array<i32>} : memref<2x128x64xf32, #tpu.memory_space<vmem>>, vector<16xf32>,
        %add3A_828 = vector.broadcast %mul3A_817 : i32 to vector<16xi32>
        %add3A_829 = arith.addi %min3A_684, %add3A_828 : vector<16xi32>
        tpu.vector_store_idx %arg9[%add3A_829], %get3A_827 masked %and3A_678 {add = true} : memref<8192xf32, #tpu.memory_space<vmem>>[vector<16xi32>], vector<16xf32>, vector<16xi1>
        %get3A_830 = arith.index_cast %rem3A_43 : i32 to index
        %get3A_831 = arith.index_cast %add3A_815 : i32 to index
        %get3A_832 = arith.constant 32 : index
        %get3A_833 = tpu.vector_load %arg8[%get3A_830, %get3A_831, %get3A_832] {strides = array<i32>} : memref<2x128x64xf32, #tpu.memory_space<vmem>>, vector<16xf32>,
        %add3A_834 = vector.broadcast %mul3A_817 : i32 to vector<16xi32>
        %add3A_835 = arith.addi %min3A_700, %add3A_834 : vector<16xi32>
        tpu.vector_store_idx %arg9[%add3A_835], %get3A_833 masked %and3A_694 {add = true} : memref<8192xf32, #tpu.memory_space<vmem>>[vector<16xi32>], vector<16xf32>, vector<16xi1>
        %get3A_836 = arith.index_cast %rem3A_43 : i32 to index
        %get3A_837 = arith.index_cast %add3A_815 : i32 to index
        %get3A_838 = arith.constant 48 : index
        %get3A_839 = tpu.vector_load %arg8[%get3A_836, %get3A_837, %get3A_838] {strides = array<i32>} : memref<2x128x64xf32, #tpu.memory_space<vmem>>, vector<16xf32>,
        %add3A_840 = vector.broadcast %mul3A_817 : i32 to vector<16xi32>
        %add3A_841 = arith.addi %min3A_716, %add3A_840 : vector<16xi32>
        tpu.vector_store_idx %arg9[%add3A_841], %get3A_839 masked %and3A_710 {add = true} : memref<8192xf32, #tpu.memory_space<vmem>>[vector<16xi32>], vector<16xf32>, vector<16xi1>
      }
      %slice3A_726 = vector.extract_strided_slice %max3A_74 {offsets = [7], sizes = [1], strides = [1]} : vector<16xi32> to vector<1xi32>
      %squeeze3A_727 = vector.extract %slice3A_726[0] : i32 from vector<1xi32>
      %slice3A_728 = vector.extract_strided_slice %min3A_81 {offsets = [7], sizes = [1], strides = [1]} : vector<16xi32> to vector<1xi32>
      %squeeze3A_729 = vector.extract %slice3A_728[0] : i32 from vector<1xi32>
      %slice3A_730 = vector.extract_strided_slice %sub3A_98 {offsets = [7], sizes = [1], strides = [1]} : vector<16xi32> to vector<1xi32>
      %squeeze3A_731 = vector.extract %slice3A_730[0] : i32 from vector<1xi32>
      %add3A_732 = arith.constant 112 : i32
      %add3A_733 = arith.addi %squeeze3A_731, %add3A_732 : i32
      %slice3A_734 = vector.extract_strided_slice %gather3A_68 {offsets = [7], sizes = [1], strides = [1]} : vector<16xi32> to vector<1xi32>
      %squeeze3A_735 = vector.extract %slice3A_734[0] : i32 from vector<1xi32>
      %min3A_736 = arith.minsi %squeeze3A_727, %squeeze3A_729 : i32
      %sub3A_737 = arith.constant 32 : i32
      %sub3A_738 = arith.subi %squeeze3A_735, %sub3A_737 : i32
      %add3A_739 = vector.broadcast %sub3A_738 : i32 to vector<16xi32>
      %add3A_740 = arith.addi %add3A_739, %iota3A : vector<16xi32>
      %add3A_741 = arith.constant 0 : i32
      %add3A_742 = vector.broadcast %add3A_741 : i32 to vector<16xi32>
      %add3A_743 = arith.addi %add3A_740, %add3A_742 : vector<16xi32>
      %ge3A_744 = arith.constant 0 : i32
      %ge3A_745 = vector.broadcast %ge3A_744 : i32 to vector<16xi32>
      %ge3A_746 = arith.cmpi sge, %add3A_743, %ge3A_745 : vector<16xi32>
      %lt3A_747 = arith.constant 512 : i32
      %lt3A_748 = vector.broadcast %lt3A_747 : i32 to vector<16xi32>
      %lt3A_749 = arith.cmpi slt, %add3A_743, %lt3A_748 : vector<16xi32>
      %and3A_750 = arith.andi %ge3A_746, %lt3A_749 : vector<16xi1>
      %jit3A_751 = arith.constant 0 : i32
      %jit3A_752 = arith.constant 511 : i32
      %max3A_753 = vector.broadcast %jit3A_751 : i32 to vector<16xi32>
      %max3A_754 = arith.maxsi %max3A_753, %add3A_743 : vector<16xi32>
      %min3A_755 = vector.broadcast %jit3A_752 : i32 to vector<16xi32>
      %min3A_756 = arith.minsi %min3A_755, %max3A_754 : vector<16xi32>
      %add3A_757 = arith.constant 16 : i32
      %add3A_758 = vector.broadcast %add3A_757 : i32 to vector<16xi32>
      %add3A_759 = arith.addi %add3A_740, %add3A_758 : vector<16xi32>
      %ge3A_760 = arith.constant 0 : i32
      %ge3A_761 = vector.broadcast %ge3A_760 : i32 to vector<16xi32>
      %ge3A_762 = arith.cmpi sge, %add3A_759, %ge3A_761 : vector<16xi32>
      %lt3A_763 = arith.constant 512 : i32
      %lt3A_764 = vector.broadcast %lt3A_763 : i32 to vector<16xi32>
      %lt3A_765 = arith.cmpi slt, %add3A_759, %lt3A_764 : vector<16xi32>
      %and3A_766 = arith.andi %ge3A_762, %lt3A_765 : vector<16xi1>
      %jit3A_767 = arith.constant 0 : i32
      %jit3A_768 = arith.constant 511 : i32
      %max3A_769 = vector.broadcast %jit3A_767 : i32 to vector<16xi32>
      %max3A_770 = arith.maxsi %max3A_769, %add3A_759 : vector<16xi32>
      %min3A_771 = vector.broadcast %jit3A_768 : i32 to vector<16xi32>
      %min3A_772 = arith.minsi %min3A_771, %max3A_770 : vector<16xi32>
      %add3A_773 = arith.constant 32 : i32
      %add3A_774 = vector.broadcast %add3A_773 : i32 to vector<16xi32>
      %add3A_775 = arith.addi %add3A_740, %add3A_774 : vector<16xi32>
      %ge3A_776 = arith.constant 0 : i32
      %ge3A_777 = vector.broadcast %ge3A_776 : i32 to vector<16xi32>
      %ge3A_778 = arith.cmpi sge, %add3A_775, %ge3A_777 : vector<16xi32>
      %lt3A_779 = arith.constant 512 : i32
      %lt3A_780 = vector.broadcast %lt3A_779 : i32 to vector<16xi32>
      %lt3A_781 = arith.cmpi slt, %add3A_775, %lt3A_780 : vector<16xi32>
      %and3A_782 = arith.andi %ge3A_778, %lt3A_781 : vector<16xi1>
      %jit3A_783 = arith.constant 0 : i32
      %jit3A_784 = arith.constant 511 : i32
      %max3A_785 = vector.broadcast %jit3A_783 : i32 to vector<16xi32>
      %max3A_786 = arith.maxsi %max3A_785, %add3A_775 : vector<16xi32>
      %min3A_787 = vector.broadcast %jit3A_784 : i32 to vector<16xi32>
      %min3A_788 = arith.minsi %min3A_787, %max3A_786 : vector<16xi32>
      %add3A_789 = arith.constant 48 : i32
      %add3A_790 = vector.broadcast %add3A_789 : i32 to vector<16xi32>
      %add3A_791 = arith.addi %add3A_740, %add3A_790 : vector<16xi32>
      %ge3A_792 = arith.constant 0 : i32
      %ge3A_793 = vector.broadcast %ge3A_792 : i32 to vector<16xi32>
      %ge3A_794 = arith.cmpi sge, %add3A_791, %ge3A_793 : vector<16xi32>
      %lt3A_795 = arith.constant 512 : i32
      %lt3A_796 = vector.broadcast %lt3A_795 : i32 to vector<16xi32>
      %lt3A_797 = arith.cmpi slt, %add3A_791, %lt3A_796 : vector<16xi32>
      %and3A_798 = arith.andi %ge3A_794, %lt3A_797 : vector<16xi1>
      %jit3A_799 = arith.constant 0 : i32
      %jit3A_800 = arith.constant 511 : i32
      %max3A_801 = vector.broadcast %jit3A_799 : i32 to vector<16xi32>
      %max3A_802 = arith.maxsi %max3A_801, %add3A_791 : vector<16xi32>
      %min3A_803 = vector.broadcast %jit3A_800 : i32 to vector<16xi32>
      %min3A_804 = arith.minsi %min3A_803, %max3A_802 : vector<16xi32>
      %while3A_805 = arith.constant 0 : i32
      %while3A_806 = arith.subi %squeeze3A_729, %min3A_736 : i32
      %while3A_807 = arith.addi %min3A_736, %while3A_806 : i32
      %while3A_808 = arith.constant 1 : i32
      %while3A_809 = arith.divsi %while3A_806, %while3A_808 : i32
      %while3A_810 = arith.muli %while3A_809, %while3A_808 : i32
      %while3A_811 = arith.addi %min3A_736, %while3A_810 : i32
      %while3A_812 = arith.constant 1 : i32
      scf.for %while3A_814 = %min3A_736 to %while3A_811 step %while3A_812  : i32 {
        %add3A_815 = arith.addi %add3A_733, %while3A_814 : i32
        %mul3A_816 = arith.constant 512 : i32
        %mul3A_817 = arith.muli %while3A_814, %mul3A_816 : i32
        %get3A_818 = arith.index_cast %rem3A_43 : i32 to index
        %get3A_819 = arith.index_cast %add3A_815 : i32 to index
        %get3A_820 = arith.constant 0 : index
        %get3A_821 = tpu.vector_load %arg8[%get3A_818, %get3A_819, %get3A_820] {strides = array<i32>} : memref<2x128x64xf32, #tpu.memory_space<vmem>>, vector<16xf32>,
        %add3A_822 = vector.broadcast %mul3A_817 : i32 to vector<16xi32>
        %add3A_823 = arith.addi %min3A_756, %add3A_822 : vector<16xi32>
        tpu.vector_store_idx %arg9[%add3A_823], %get3A_821 masked %and3A_750 {add = true} : memref<8192xf32, #tpu.memory_space<vmem>>[vector<16xi32>], vector<16xf32>, vector<16xi1>
        %get3A_824 = arith.index_cast %rem3A_43 : i32 to index
        %get3A_825 = arith.index_cast %add3A_815 : i32 to index
        %get3A_826 = arith.constant 16 : index
        %get3A_827 = tpu.vector_load %arg8[%get3A_824, %get3A_825, %get3A_826] {strides = array<i32>} : memref<2x128x64xf32, #tpu.memory_space<vmem>>, vector<16xf32>,
        %add3A_828 = vector.broadcast %mul3A_817 : i32 to vector<16xi32>
        %add3A_829 = arith.addi %min3A_772, %add3A_828 : vector<16xi32>
        tpu.vector_store_idx %arg9[%add3A_829], %get3A_827 masked %and3A_766 {add = true} : memref<8192xf32, #tpu.memory_space<vmem>>[vector<16xi32>], vector<16xf32>, vector<16xi1>
        %get3A_830 = arith.index_cast %rem3A_43 : i32 to index
        %get3A_831 = arith.index_cast %add3A_815 : i32 to index
        %get3A_832 = arith.constant 32 : index
        %get3A_833 = tpu.vector_load %arg8[%get3A_830, %get3A_831, %get3A_832] {strides = array<i32>} : memref<2x128x64xf32, #tpu.memory_space<vmem>>, vector<16xf32>,
        %add3A_834 = vector.broadcast %mul3A_817 : i32 to vector<16xi32>
        %add3A_835 = arith.addi %min3A_788, %add3A_834 : vector<16xi32>
        tpu.vector_store_idx %arg9[%add3A_835], %get3A_833 masked %and3A_782 {add = true} : memref<8192xf32, #tpu.memory_space<vmem>>[vector<16xi32>], vector<16xf32>, vector<16xi1>
        %get3A_836 = arith.index_cast %rem3A_43 : i32 to index
        %get3A_837 = arith.index_cast %add3A_815 : i32 to index
        %get3A_838 = arith.constant 48 : index
        %get3A_839 = tpu.vector_load %arg8[%get3A_836, %get3A_837, %get3A_838] {strides = array<i32>} : memref<2x128x64xf32, #tpu.memory_space<vmem>>, vector<16xf32>,
        %add3A_840 = vector.broadcast %mul3A_817 : i32 to vector<16xi32>
        %add3A_841 = arith.addi %min3A_804, %add3A_840 : vector<16xi32>
        tpu.vector_store_idx %arg9[%add3A_841], %get3A_839 masked %and3A_798 {add = true} : memref<8192xf32, #tpu.memory_space<vmem>>[vector<16xi32>], vector<16xf32>, vector<16xi1>
      }
      %while3A_813 = arith.constant 1 : i32
      scf.for %while3A_814 = %while3A_811 to %while3A_807 step %while3A_813  : i32 {
        %add3A_815 = arith.addi %add3A_733, %while3A_814 : i32
        %mul3A_816 = arith.constant 512 : i32
        %mul3A_817 = arith.muli %while3A_814, %mul3A_816 : i32
        %get3A_818 = arith.index_cast %rem3A_43 : i32 to index
        %get3A_819 = arith.index_cast %add3A_815 : i32 to index
        %get3A_820 = arith.constant 0 : index
        %get3A_821 = tpu.vector_load %arg8[%get3A_818, %get3A_819, %get3A_820] {strides = array<i32>} : memref<2x128x64xf32, #tpu.memory_space<vmem>>, vector<16xf32>,
        %add3A_822 = vector.broadcast %mul3A_817 : i32 to vector<16xi32>
        %add3A_823 = arith.addi %min3A_756, %add3A_822 : vector<16xi32>
        tpu.vector_store_idx %arg9[%add3A_823], %get3A_821 masked %and3A_750 {add = true} : memref<8192xf32, #tpu.memory_space<vmem>>[vector<16xi32>], vector<16xf32>, vector<16xi1>
        %get3A_824 = arith.index_cast %rem3A_43 : i32 to index
        %get3A_825 = arith.index_cast %add3A_815 : i32 to index
        %get3A_826 = arith.constant 16 : index
        %get3A_827 = tpu.vector_load %arg8[%get3A_824, %get3A_825, %get3A_826] {strides = array<i32>} : memref<2x128x64xf32, #tpu.memory_space<vmem>>, vector<16xf32>,
        %add3A_828 = vector.broadcast %mul3A_817 : i32 to vector<16xi32>
        %add3A_829 = arith.addi %min3A_772, %add3A_828 : vector<16xi32>
        tpu.vector_store_idx %arg9[%add3A_829], %get3A_827 masked %and3A_766 {add = true} : memref<8192xf32, #tpu.memory_space<vmem>>[vector<16xi32>], vector<16xf32>, vector<16xi1>
        %get3A_830 = arith.index_cast %rem3A_43 : i32 to index
        %get3A_831 = arith.index_cast %add3A_815 : i32 to index
        %get3A_832 = arith.constant 32 : index
        %get3A_833 = tpu.vector_load %arg8[%get3A_830, %get3A_831, %get3A_832] {strides = array<i32>} : memref<2x128x64xf32, #tpu.memory_space<vmem>>, vector<16xf32>,
        %add3A_834 = vector.broadcast %mul3A_817 : i32 to vector<16xi32>
        %add3A_835 = arith.addi %min3A_788, %add3A_834 : vector<16xi32>
        tpu.vector_store_idx %arg9[%add3A_835], %get3A_833 masked %and3A_782 {add = true} : memref<8192xf32, #tpu.memory_space<vmem>>[vector<16xi32>], vector<16xf32>, vector<16xi1>
        %get3A_836 = arith.index_cast %rem3A_43 : i32 to index
        %get3A_837 = arith.index_cast %add3A_815 : i32 to index
        %get3A_838 = arith.constant 48 : index
        %get3A_839 = tpu.vector_load %arg8[%get3A_836, %get3A_837, %get3A_838] {strides = array<i32>} : memref<2x128x64xf32, #tpu.memory_space<vmem>>, vector<16xf32>,
        %add3A_840 = vector.broadcast %mul3A_817 : i32 to vector<16xi32>
        %add3A_841 = arith.addi %min3A_804, %add3A_840 : vector<16xi32>
        tpu.vector_store_idx %arg9[%add3A_841], %get3A_839 masked %and3A_798 {add = true} : memref<8192xf32, #tpu.memory_space<vmem>>[vector<16xi32>], vector<16xf32>, vector<16xi1>
      }
    }
    %while3A_39 = arith.constant 1 : i32
    scf.for %while3A_42 = %while3A_37 to %while3A_33 step %while3A_39  : i32 {
      %rem3A = arith.constant 2 : i32
      %rem3A_43 = arith.remsi %while3A_42, %rem3A : i32
      %add3A_44 = arith.constant 1 : i32
      %add3A_45 = arith.addi %while3A_42, %add3A_44 : i32
      %lt3A = arith.cmpi slt, %add3A_45, %div3A_28 : i32
      %convert_element_type3A_46 = arith.extui %lt3A : i1 to i32
      %cond3A_47 = arith.constant 0 : i32
      %cond3A_48 = arith.cmpi ne, %convert_element_type3A_46, %cond3A_47 : i32
      scf.if %cond3A_48 {
        %add3A_814 = arith.constant 1 : i32
        %add3A_815 = arith.addi %while3A_42, %add3A_814 : i32
        %sub3A_816 = arith.constant 1 : i32
        %sub3A_817 = arith.subi %sub3A_816, %rem3A_43 : i32
        %mul3A_818 = arith.constant 8 : i32
        %mul3A_819 = arith.muli %add3A_815, %mul3A_818 : i32
        %get3A_820 = arith.index_cast %mul3A_819 : i32 to index
        %get3A_821 = tpu.vector_load %arg6[%get3A_820] {strides = array<i32>} : memref<8224xi32, #tpu.memory_space<vmem>>, vector<16xi32>,
        %mul3A_822 = arith.constant 3 : i32
        %mul3A_823 = vector.broadcast %mul3A_822 : i32 to vector<16xi32>
        %mul3A_824 = arith.muli %get3A_821, %mul3A_823 : vector<16xi32>
        %gather3A_825 = tpu.vector_load_idx %arg5[%mul3A_824] : memref<24592xi32, #tpu.memory_space<vmem>>[vector<16xi32>], vector<16xi32>,
        %mul3A_826 = arith.constant 3 : i32
        %mul3A_827 = vector.broadcast %mul3A_826 : i32 to vector<16xi32>
        %mul3A_828 = arith.muli %get3A_821, %mul3A_827 : vector<16xi32>
        %add3A_829 = arith.constant 1 : i32
        %add3A_830 = vector.broadcast %add3A_829 : i32 to vector<16xi32>
        %add3A_831 = arith.addi %mul3A_828, %add3A_830 : vector<16xi32>
        %gather3A_832 = tpu.vector_load_idx %arg5[%add3A_831] : memref<24592xi32, #tpu.memory_space<vmem>>[vector<16xi32>], vector<16xi32>,
        %mul3A_833 = arith.constant 3 : i32
        %mul3A_834 = vector.broadcast %mul3A_833 : i32 to vector<16xi32>
        %mul3A_835 = arith.muli %get3A_821, %mul3A_834 : vector<16xi32>
        %add3A_836 = arith.constant 2 : i32
        %add3A_837 = vector.broadcast %add3A_836 : i32 to vector<16xi32>
        %add3A_838 = arith.addi %mul3A_835, %add3A_837 : vector<16xi32>
        %gather3A_839 = tpu.vector_load_idx %arg5[%add3A_838] : memref<24592xi32, #tpu.memory_space<vmem>>[vector<16xi32>], vector<16xi32>,
        %sub3A_840 = arith.constant 32 : i32
        %sub3A_841 = vector.broadcast %sub3A_840 : i32 to vector<16xi32>
        %sub3A_842 = arith.subi %gather3A_832, %sub3A_841 : vector<16xi32>
        %sub3A_843 = vector.broadcast %mul3A_2 : i32 to vector<16xi32>
        %sub3A_844 = arith.subi %sub3A_842, %sub3A_843 : vector<16xi32>
        %max3A_845 = arith.constant 0 : i32
        %max3A_846 = vector.broadcast %max3A_845 : i32 to vector<16xi32>
        %max3A_847 = arith.maxsi %max3A_846, %sub3A_844 : vector<16xi32>
        %add3A_848 = arith.constant 32 : i32
        %add3A_849 = vector.broadcast %add3A_848 : i32 to vector<16xi32>
        %add3A_850 = arith.addi %gather3A_832, %add3A_849 : vector<16xi32>
        %sub3A_851 = vector.broadcast %mul3A_2 : i32 to vector<16xi32>
        %sub3A_852 = arith.subi %add3A_850, %sub3A_851 : vector<16xi32>
        %min3A_853 = arith.constant 16 : i32
        %min3A_854 = vector.broadcast %min3A_853 : i32 to vector<16xi32>
        %min3A_855 = arith.minsi %min3A_854, %sub3A_852 : vector<16xi32>
        %add3A_856 = vector.broadcast %mul3A_2 : i32 to vector<16xi32>
        %add3A_857 = arith.addi %add3A_856, %max3A_847 : vector<16xi32>
        %add3A_858 = arith.constant 32 : i32
        %add3A_859 = vector.broadcast %add3A_858 : i32 to vector<16xi32>
        %add3A_860 = arith.addi %add3A_857, %add3A_859 : vector<16xi32>
        %sub3A_861 = arith.subi %add3A_860, %gather3A_832 : vector<16xi32>
        %jit3A_862 = arith.constant 0 : i32
        %jit3A_863 = arith.constant 48 : i32
        %max3A_864 = vector.broadcast %jit3A_862 : i32 to vector<16xi32>
        %max3A_865 = arith.maxsi %max3A_864, %sub3A_861 : vector<16xi32>
        %min3A_866 = vector.broadcast %jit3A_863 : i32 to vector<16xi32>
        %min3A_867 = arith.minsi %min3A_866, %max3A_865 : vector<16xi32>
        %add3A_868 = arith.constant 32 : i32
        %add3A_869 = arith.addi %mul3A_2, %add3A_868 : i32
        %sub3A_870 = vector.broadcast %add3A_869 : i32 to vector<16xi32>
        %sub3A_871 = arith.subi %sub3A_870, %gather3A_832 : vector<16xi32>
        %sub3A_872 = arith.subi %sub3A_871, %min3A_867 : vector<16xi32>
        %mul3A_873 = arith.constant 64 : i32
        %mul3A_874 = vector.broadcast %mul3A_873 : i32 to vector<16xi32>
        %mul3A_875 = arith.muli %gather3A_825, %mul3A_874 : vector<16xi32>
        %add3A_876 = arith.addi %mul3A_875, %min3A_867 : vector<16xi32>
        %slice3A_877 = vector.extract_strided_slice %add3A_876 {offsets = [0], sizes = [1], strides = [1]} : vector<16xi32> to vector<1xi32>
        %squeeze3A_878 = vector.extract %slice3A_877[0] : i32 from vector<1xi32>
        %add3A_879 = vector.broadcast %squeeze3A_878 : i32 to vector<16xi32>
        %add3A_880 = arith.addi %add3A_879, %iota3A : vector<16xi32>
        %swap3A_881 = arith.index_cast %sub3A_817 : i32 to index
        %swap3A_882 = arith.constant 0 : index
        %swap3A_883 = tpu.vector_load %arg7[%swap3A_881, %swap3A_882] {strides = array<i32>} : memref<2x128xi32, #tpu.memory_space<vmem>>, vector<16xi32>,
        tpu.vector_store %arg7[%swap3A_881, %swap3A_882], %add3A_880 {strides = array<i32>} : memref<2x128xi32, #tpu.memory_space<vmem>>, vector<16xi32>,
        %slice3A_884 = vector.extract_strided_slice %add3A_876 {offsets = [1], sizes = [1], strides = [1]} : vector<16xi32> to vector<1xi32>
        %squeeze3A_885 = vector.extract %slice3A_884[0] : i32 from vector<1xi32>
        %add3A_886 = vector.broadcast %squeeze3A_885 : i32 to vector<16xi32>
        %add3A_887 = arith.addi %add3A_886, %iota3A : vector<16xi32>
        %swap3A_888 = arith.index_cast %sub3A_817 : i32 to index
        %swap3A_889 = arith.constant 16 : index
        %swap3A_890 = tpu.vector_load %arg7[%swap3A_888, %swap3A_889] {strides = array<i32>} : memref<2x128xi32, #tpu.memory_space<vmem>>, vector<16xi32>,
        tpu.vector_store %arg7[%swap3A_888, %swap3A_889], %add3A_887 {strides = array<i32>} : memref<2x128xi32, #tpu.memory_space<vmem>>, vector<16xi32>,
        %slice3A_891 = vector.extract_strided_slice %add3A_876 {offsets = [2], sizes = [1], strides = [1]} : vector<16xi32> to vector<1xi32>
        %squeeze3A_892 = vector.extract %slice3A_891[0] : i32 from vector<1xi32>
        %add3A_893 = vector.broadcast %squeeze3A_892 : i32 to vector<16xi32>
        %add3A_894 = arith.addi %add3A_893, %iota3A : vector<16xi32>
        %swap3A_895 = arith.index_cast %sub3A_817 : i32 to index
        %swap3A_896 = arith.constant 32 : index
        %swap3A_897 = tpu.vector_load %arg7[%swap3A_895, %swap3A_896] {strides = array<i32>} : memref<2x128xi32, #tpu.memory_space<vmem>>, vector<16xi32>,
        tpu.vector_store %arg7[%swap3A_895, %swap3A_896], %add3A_894 {strides = array<i32>} : memref<2x128xi32, #tpu.memory_space<vmem>>, vector<16xi32>,
        %slice3A_898 = vector.extract_strided_slice %add3A_876 {offsets = [3], sizes = [1], strides = [1]} : vector<16xi32> to vector<1xi32>
        %squeeze3A_899 = vector.extract %slice3A_898[0] : i32 from vector<1xi32>
        %add3A_900 = vector.broadcast %squeeze3A_899 : i32 to vector<16xi32>
        %add3A_901 = arith.addi %add3A_900, %iota3A : vector<16xi32>
        %swap3A_902 = arith.index_cast %sub3A_817 : i32 to index
        %swap3A_903 = arith.constant 48 : index
        %swap3A_904 = tpu.vector_load %arg7[%swap3A_902, %swap3A_903] {strides = array<i32>} : memref<2x128xi32, #tpu.memory_space<vmem>>, vector<16xi32>,
        tpu.vector_store %arg7[%swap3A_902, %swap3A_903], %add3A_901 {strides = array<i32>} : memref<2x128xi32, #tpu.memory_space<vmem>>, vector<16xi32>,
        %slice3A_905 = vector.extract_strided_slice %add3A_876 {offsets = [4], sizes = [1], strides = [1]} : vector<16xi32> to vector<1xi32>
        %squeeze3A_906 = vector.extract %slice3A_905[0] : i32 from vector<1xi32>
        %add3A_907 = vector.broadcast %squeeze3A_906 : i32 to vector<16xi32>
        %add3A_908 = arith.addi %add3A_907, %iota3A : vector<16xi32>
        %swap3A_909 = arith.index_cast %sub3A_817 : i32 to index
        %swap3A_910 = arith.constant 64 : index
        %swap3A_911 = tpu.vector_load %arg7[%swap3A_909, %swap3A_910] {strides = array<i32>} : memref<2x128xi32, #tpu.memory_space<vmem>>, vector<16xi32>,
        tpu.vector_store %arg7[%swap3A_909, %swap3A_910], %add3A_908 {strides = array<i32>} : memref<2x128xi32, #tpu.memory_space<vmem>>, vector<16xi32>,
        %slice3A_912 = vector.extract_strided_slice %add3A_876 {offsets = [5], sizes = [1], strides = [1]} : vector<16xi32> to vector<1xi32>
        %squeeze3A_913 = vector.extract %slice3A_912[0] : i32 from vector<1xi32>
        %add3A_914 = vector.broadcast %squeeze3A_913 : i32 to vector<16xi32>
        %add3A_915 = arith.addi %add3A_914, %iota3A : vector<16xi32>
        %swap3A_916 = arith.index_cast %sub3A_817 : i32 to index
        %swap3A_917 = arith.constant 80 : index
        %swap3A_918 = tpu.vector_load %arg7[%swap3A_916, %swap3A_917] {strides = array<i32>} : memref<2x128xi32, #tpu.memory_space<vmem>>, vector<16xi32>,
        tpu.vector_store %arg7[%swap3A_916, %swap3A_917], %add3A_915 {strides = array<i32>} : memref<2x128xi32, #tpu.memory_space<vmem>>, vector<16xi32>,
        %slice3A_919 = vector.extract_strided_slice %add3A_876 {offsets = [6], sizes = [1], strides = [1]} : vector<16xi32> to vector<1xi32>
        %squeeze3A_920 = vector.extract %slice3A_919[0] : i32 from vector<1xi32>
        %add3A_921 = vector.broadcast %squeeze3A_920 : i32 to vector<16xi32>
        %add3A_922 = arith.addi %add3A_921, %iota3A : vector<16xi32>
        %swap3A_923 = arith.index_cast %sub3A_817 : i32 to index
        %swap3A_924 = arith.constant 96 : index
        %swap3A_925 = tpu.vector_load %arg7[%swap3A_923, %swap3A_924] {strides = array<i32>} : memref<2x128xi32, #tpu.memory_space<vmem>>, vector<16xi32>,
        tpu.vector_store %arg7[%swap3A_923, %swap3A_924], %add3A_922 {strides = array<i32>} : memref<2x128xi32, #tpu.memory_space<vmem>>, vector<16xi32>,
        %slice3A_926 = vector.extract_strided_slice %add3A_876 {offsets = [7], sizes = [1], strides = [1]} : vector<16xi32> to vector<1xi32>
        %squeeze3A_927 = vector.extract %slice3A_926[0] : i32 from vector<1xi32>
        %add3A_928 = vector.broadcast %squeeze3A_927 : i32 to vector<16xi32>
        %add3A_929 = arith.addi %add3A_928, %iota3A : vector<16xi32>
        %swap3A_930 = arith.index_cast %sub3A_817 : i32 to index
        %swap3A_931 = arith.constant 112 : index
        %swap3A_932 = tpu.vector_load %arg7[%swap3A_930, %swap3A_931] {strides = array<i32>} : memref<2x128xi32, #tpu.memory_space<vmem>>, vector<16xi32>,
        tpu.vector_store %arg7[%swap3A_930, %swap3A_931], %add3A_929 {strides = array<i32>} : memref<2x128xi32, #tpu.memory_space<vmem>>, vector<16xi32>,
        %dma_start3A = arith.constant 0 : i32
        %dma_start3A_933 = arith.constant 0 : i32
        %dma_start3A_934 = tpu.memref_slice %arg8[%sub3A_817, %dma_start3A, %dma_start3A_933] : memref<2x128x64xf32, #tpu.memory_space<vmem>> -> memref<1x128x64xf32, #tpu.memory_space<vmem>>
        %dma_start3A_935 = tpu.memref_squeeze %dma_start3A_934 : memref<1x128x64xf32, #tpu.memory_space<vmem>> -> memref<128x64xf32, #tpu.memory_space<vmem>>
        %dma_start3A_936 = arith.constant 0 : i32
        %dma_start3A_937 = tpu.memref_slice %arg7[%sub3A_817, %dma_start3A_936] : memref<2x128xi32, #tpu.memory_space<vmem>> -> memref<1x128xi32, #tpu.memory_space<vmem>>
        %dma_start3A_938 = tpu.memref_squeeze %dma_start3A_937 : memref<1x128xi32, #tpu.memory_space<vmem>> -> memref<128xi32, #tpu.memory_space<vmem>>
        %dma_start3A_939 = arith.constant 0 : i32
        %dma_start3A_940 = arith.constant 0 : i32
        %dma_start3A_941 = tpu.memref_slice %arg3[%dma_start3A_939, %dma_start3A_940] : memref<32768x64xf32, #tpu.memory_space<hbm>> -> memref<32768x64xf32, #tpu.memory_space<hbm>>
        %dma_start3A_942 = tpu.memref_slice %arg10[%sub3A_817] : memref<2x!tpu.dma_semaphore, #tpu.memory_space<semaphore_mem>> -> memref<1x!tpu.dma_semaphore, #tpu.memory_space<semaphore_mem>>
        %dma_start3A_943 = tpu.memref_squeeze %dma_start3A_942 : memref<1x!tpu.dma_semaphore, #tpu.memory_space<semaphore_mem>> -> memref<!tpu.dma_semaphore, #tpu.memory_space<semaphore_mem>>
        tpu.enqueue_indirect_dma source(%dma_start3A_941 : memref<32768x64xf32, #tpu.memory_space<hbm>>) target(%dma_start3A_935 : memref<128x64xf32, #tpu.memory_space<vmem>>) offsets(%dma_start3A_938 : memref<128xi32, #tpu.memory_space<vmem>>) semaphore(%dma_start3A_943 : memref<!tpu.dma_semaphore, #tpu.memory_space<semaphore_mem>>)
      } else {
      }
      %mul3A_49 = arith.constant 8 : i32
      %mul3A_50 = arith.muli %while3A_42, %mul3A_49 : i32
      %get3A = arith.index_cast %mul3A_50 : i32 to index
      %get3A_51 = tpu.vector_load %arg6[%get3A] {strides = array<i32>} : memref<8224xi32, #tpu.memory_space<vmem>>, vector<16xi32>,
      %mul3A_52 = arith.constant 3 : i32
      %mul3A_53 = vector.broadcast %mul3A_52 : i32 to vector<16xi32>
      %mul3A_54 = arith.muli %get3A_51, %mul3A_53 : vector<16xi32>
      %gather3A = tpu.vector_load_idx %arg5[%mul3A_54] : memref<24592xi32, #tpu.memory_space<vmem>>[vector<16xi32>], vector<16xi32>,
      %mul3A_55 = arith.constant 3 : i32
      %mul3A_56 = vector.broadcast %mul3A_55 : i32 to vector<16xi32>
      %mul3A_57 = arith.muli %get3A_51, %mul3A_56 : vector<16xi32>
      %add3A_58 = arith.constant 1 : i32
      %add3A_59 = vector.broadcast %add3A_58 : i32 to vector<16xi32>
      %add3A_60 = arith.addi %mul3A_57, %add3A_59 : vector<16xi32>
      %gather3A_61 = tpu.vector_load_idx %arg5[%add3A_60] : memref<24592xi32, #tpu.memory_space<vmem>>[vector<16xi32>], vector<16xi32>,
      %mul3A_62 = arith.constant 3 : i32
      %mul3A_63 = vector.broadcast %mul3A_62 : i32 to vector<16xi32>
      %mul3A_64 = arith.muli %get3A_51, %mul3A_63 : vector<16xi32>
      %add3A_65 = arith.constant 2 : i32
      %add3A_66 = vector.broadcast %add3A_65 : i32 to vector<16xi32>
      %add3A_67 = arith.addi %mul3A_64, %add3A_66 : vector<16xi32>
      %gather3A_68 = tpu.vector_load_idx %arg5[%add3A_67] : memref<24592xi32, #tpu.memory_space<vmem>>[vector<16xi32>], vector<16xi32>,
      %sub3A = arith.constant 32 : i32
      %sub3A_69 = vector.broadcast %sub3A : i32 to vector<16xi32>
      %sub3A_70 = arith.subi %gather3A_61, %sub3A_69 : vector<16xi32>
      %sub3A_71 = vector.broadcast %mul3A_2 : i32 to vector<16xi32>
      %sub3A_72 = arith.subi %sub3A_70, %sub3A_71 : vector<16xi32>
      %max3A = arith.constant 0 : i32
      %max3A_73 = vector.broadcast %max3A : i32 to vector<16xi32>
      %max3A_74 = arith.maxsi %max3A_73, %sub3A_72 : vector<16xi32>
      %add3A_75 = arith.constant 32 : i32
      %add3A_76 = vector.broadcast %add3A_75 : i32 to vector<16xi32>
      %add3A_77 = arith.addi %gather3A_61, %add3A_76 : vector<16xi32>
      %sub3A_78 = vector.broadcast %mul3A_2 : i32 to vector<16xi32>
      %sub3A_79 = arith.subi %add3A_77, %sub3A_78 : vector<16xi32>
      %min3A = arith.constant 16 : i32
      %min3A_80 = vector.broadcast %min3A : i32 to vector<16xi32>
      %min3A_81 = arith.minsi %min3A_80, %sub3A_79 : vector<16xi32>
      %add3A_82 = vector.broadcast %mul3A_2 : i32 to vector<16xi32>
      %add3A_83 = arith.addi %add3A_82, %max3A_74 : vector<16xi32>
      %add3A_84 = arith.constant 32 : i32
      %add3A_85 = vector.broadcast %add3A_84 : i32 to vector<16xi32>
      %add3A_86 = arith.addi %add3A_83, %add3A_85 : vector<16xi32>
      %sub3A_87 = arith.subi %add3A_86, %gather3A_61 : vector<16xi32>
      %jit3A_88 = arith.constant 0 : i32
      %jit3A_89 = arith.constant 48 : i32
      %max3A_90 = vector.broadcast %jit3A_88 : i32 to vector<16xi32>
      %max3A_91 = arith.maxsi %max3A_90, %sub3A_87 : vector<16xi32>
      %min3A_92 = vector.broadcast %jit3A_89 : i32 to vector<16xi32>
      %min3A_93 = arith.minsi %min3A_92, %max3A_91 : vector<16xi32>
      %add3A_94 = arith.constant 32 : i32
      %add3A_95 = arith.addi %mul3A_2, %add3A_94 : i32
      %sub3A_96 = vector.broadcast %add3A_95 : i32 to vector<16xi32>
      %sub3A_97 = arith.subi %sub3A_96, %gather3A_61 : vector<16xi32>
      %sub3A_98 = arith.subi %sub3A_97, %min3A_93 : vector<16xi32>
      %mul3A_99 = arith.constant 64 : i32
      %mul3A_100 = vector.broadcast %mul3A_99 : i32 to vector<16xi32>
      %mul3A_101 = arith.muli %gather3A, %mul3A_100 : vector<16xi32>
      %add3A_102 = arith.addi %mul3A_101, %min3A_93 : vector<16xi32>
      %dma_wait3A = arith.constant 0 : i32
      %dma_wait3A_103 = arith.constant 0 : i32
      %dma_wait3A_104 = tpu.memref_slice %arg8[%rem3A_43, %dma_wait3A, %dma_wait3A_103] : memref<2x128x64xf32, #tpu.memory_space<vmem>> -> memref<1x128x64xf32, #tpu.memory_space<vmem>>
      %dma_wait3A_105 = tpu.memref_squeeze %dma_wait3A_104 : memref<1x128x64xf32, #tpu.memory_space<vmem>> -> memref<128x64xf32, #tpu.memory_space<vmem>>
      %dma_wait3A_106 = arith.constant 0 : i32
      %dma_wait3A_107 = tpu.memref_slice %arg7[%rem3A_43, %dma_wait3A_106] : memref<2x128xi32, #tpu.memory_space<vmem>> -> memref<1x128xi32, #tpu.memory_space<vmem>>
      %dma_wait3A_108 = tpu.memref_squeeze %dma_wait3A_107 : memref<1x128xi32, #tpu.memory_space<vmem>> -> memref<128xi32, #tpu.memory_space<vmem>>
      %dma_wait3A_109 = arith.constant 0 : i32
      %dma_wait3A_110 = arith.constant 0 : i32
      %dma_wait3A_111 = tpu.memref_slice %arg3[%dma_wait3A_109, %dma_wait3A_110] : memref<32768x64xf32, #tpu.memory_space<hbm>> -> memref<32768x64xf32, #tpu.memory_space<hbm>>
      %dma_wait3A_112 = tpu.memref_slice %arg10[%rem3A_43] : memref<2x!tpu.dma_semaphore, #tpu.memory_space<semaphore_mem>> -> memref<1x!tpu.dma_semaphore, #tpu.memory_space<semaphore_mem>>
      %dma_wait3A_113 = tpu.memref_squeeze %dma_wait3A_112 : memref<1x!tpu.dma_semaphore, #tpu.memory_space<semaphore_mem>> -> memref<!tpu.dma_semaphore, #tpu.memory_space<semaphore_mem>>
      tpu.wait_indirect_dma semaphore(%dma_wait3A_113 : memref<!tpu.dma_semaphore, #tpu.memory_space<semaphore_mem>>) src(%dma_wait3A_111 : memref<32768x64xf32, #tpu.memory_space<hbm>>) dst(%dma_wait3A_105 : memref<128x64xf32, #tpu.memory_space<vmem>>)
      %slice3A = vector.extract_strided_slice %max3A_74 {offsets = [0], sizes = [1], strides = [1]} : vector<16xi32> to vector<1xi32>
      %squeeze3A = vector.extract %slice3A[0] : i32 from vector<1xi32>
      %slice3A_114 = vector.extract_strided_slice %min3A_81 {offsets = [0], sizes = [1], strides = [1]} : vector<16xi32> to vector<1xi32>
      %squeeze3A_115 = vector.extract %slice3A_114[0] : i32 from vector<1xi32>
      %slice3A_116 = vector.extract_strided_slice %sub3A_98 {offsets = [0], sizes = [1], strides = [1]} : vector<16xi32> to vector<1xi32>
      %squeeze3A_117 = vector.extract %slice3A_116[0] : i32 from vector<1xi32>
      %add3A_118 = arith.constant 0 : i32
      %add3A_119 = arith.addi %squeeze3A_117, %add3A_118 : i32
      %slice3A_120 = vector.extract_strided_slice %gather3A_68 {offsets = [0], sizes = [1], strides = [1]} : vector<16xi32> to vector<1xi32>
      %squeeze3A_121 = vector.extract %slice3A_120[0] : i32 from vector<1xi32>
      %min3A_122 = arith.minsi %squeeze3A, %squeeze3A_115 : i32
      %sub3A_123 = arith.constant 32 : i32
      %sub3A_124 = arith.subi %squeeze3A_121, %sub3A_123 : i32
      %add3A_125 = vector.broadcast %sub3A_124 : i32 to vector<16xi32>
      %add3A_126 = arith.addi %add3A_125, %iota3A : vector<16xi32>
      %add3A_127 = arith.constant 0 : i32
      %add3A_128 = vector.broadcast %add3A_127 : i32 to vector<16xi32>
      %add3A_129 = arith.addi %add3A_126, %add3A_128 : vector<16xi32>
      %ge3A = arith.constant 0 : i32
      %ge3A_130 = vector.broadcast %ge3A : i32 to vector<16xi32>
      %ge3A_131 = arith.cmpi sge, %add3A_129, %ge3A_130 : vector<16xi32>
      %lt3A_132 = arith.constant 512 : i32
      %lt3A_133 = vector.broadcast %lt3A_132 : i32 to vector<16xi32>
      %lt3A_134 = arith.cmpi slt, %add3A_129, %lt3A_133 : vector<16xi32>
      %and3A = arith.andi %ge3A_131, %lt3A_134 : vector<16xi1>
      %jit3A_135 = arith.constant 0 : i32
      %jit3A_136 = arith.constant 511 : i32
      %max3A_137 = vector.broadcast %jit3A_135 : i32 to vector<16xi32>
      %max3A_138 = arith.maxsi %max3A_137, %add3A_129 : vector<16xi32>
      %min3A_139 = vector.broadcast %jit3A_136 : i32 to vector<16xi32>
      %min3A_140 = arith.minsi %min3A_139, %max3A_138 : vector<16xi32>
      %add3A_141 = arith.constant 16 : i32
      %add3A_142 = vector.broadcast %add3A_141 : i32 to vector<16xi32>
      %add3A_143 = arith.addi %add3A_126, %add3A_142 : vector<16xi32>
      %ge3A_144 = arith.constant 0 : i32
      %ge3A_145 = vector.broadcast %ge3A_144 : i32 to vector<16xi32>
      %ge3A_146 = arith.cmpi sge, %add3A_143, %ge3A_145 : vector<16xi32>
      %lt3A_147 = arith.constant 512 : i32
      %lt3A_148 = vector.broadcast %lt3A_147 : i32 to vector<16xi32>
      %lt3A_149 = arith.cmpi slt, %add3A_143, %lt3A_148 : vector<16xi32>
      %and3A_150 = arith.andi %ge3A_146, %lt3A_149 : vector<16xi1>
      %jit3A_151 = arith.constant 0 : i32
      %jit3A_152 = arith.constant 511 : i32
      %max3A_153 = vector.broadcast %jit3A_151 : i32 to vector<16xi32>
      %max3A_154 = arith.maxsi %max3A_153, %add3A_143 : vector<16xi32>
      %min3A_155 = vector.broadcast %jit3A_152 : i32 to vector<16xi32>
      %min3A_156 = arith.minsi %min3A_155, %max3A_154 : vector<16xi32>
      %add3A_157 = arith.constant 32 : i32
      %add3A_158 = vector.broadcast %add3A_157 : i32 to vector<16xi32>
      %add3A_159 = arith.addi %add3A_126, %add3A_158 : vector<16xi32>
      %ge3A_160 = arith.constant 0 : i32
      %ge3A_161 = vector.broadcast %ge3A_160 : i32 to vector<16xi32>
      %ge3A_162 = arith.cmpi sge, %add3A_159, %ge3A_161 : vector<16xi32>
      %lt3A_163 = arith.constant 512 : i32
      %lt3A_164 = vector.broadcast %lt3A_163 : i32 to vector<16xi32>
      %lt3A_165 = arith.cmpi slt, %add3A_159, %lt3A_164 : vector<16xi32>
      %and3A_166 = arith.andi %ge3A_162, %lt3A_165 : vector<16xi1>
      %jit3A_167 = arith.constant 0 : i32
      %jit3A_168 = arith.constant 511 : i32
      %max3A_169 = vector.broadcast %jit3A_167 : i32 to vector<16xi32>
      %max3A_170 = arith.maxsi %max3A_169, %add3A_159 : vector<16xi32>
      %min3A_171 = vector.broadcast %jit3A_168 : i32 to vector<16xi32>
      %min3A_172 = arith.minsi %min3A_171, %max3A_170 : vector<16xi32>
      %add3A_173 = arith.constant 48 : i32
      %add3A_174 = vector.broadcast %add3A_173 : i32 to vector<16xi32>
      %add3A_175 = arith.addi %add3A_126, %add3A_174 : vector<16xi32>
      %ge3A_176 = arith.constant 0 : i32
      %ge3A_177 = vector.broadcast %ge3A_176 : i32 to vector<16xi32>
      %ge3A_178 = arith.cmpi sge, %add3A_175, %ge3A_177 : vector<16xi32>
      %lt3A_179 = arith.constant 512 : i32
      %lt3A_180 = vector.broadcast %lt3A_179 : i32 to vector<16xi32>
      %lt3A_181 = arith.cmpi slt, %add3A_175, %lt3A_180 : vector<16xi32>
      %and3A_182 = arith.andi %ge3A_178, %lt3A_181 : vector<16xi1>
      %jit3A_183 = arith.constant 0 : i32
      %jit3A_184 = arith.constant 511 : i32
      %max3A_185 = vector.broadcast %jit3A_183 : i32 to vector<16xi32>
      %max3A_186 = arith.maxsi %max3A_185, %add3A_175 : vector<16xi32>
      %min3A_187 = vector.broadcast %jit3A_184 : i32 to vector<16xi32>
      %min3A_188 = arith.minsi %min3A_187, %max3A_186 : vector<16xi32>
      %while3A_189 = arith.constant 0 : i32
      %while3A_190 = arith.subi %squeeze3A_115, %min3A_122 : i32
      %while3A_191 = arith.addi %min3A_122, %while3A_190 : i32
      %while3A_192 = arith.constant 1 : i32
      %while3A_193 = arith.divsi %while3A_190, %while3A_192 : i32
      %while3A_194 = arith.muli %while3A_193, %while3A_192 : i32
      %while3A_195 = arith.addi %min3A_122, %while3A_194 : i32
      %while3A_196 = arith.constant 1 : i32
      scf.for %while3A_814 = %min3A_122 to %while3A_195 step %while3A_196  : i32 {
        %add3A_815 = arith.addi %add3A_119, %while3A_814 : i32
        %mul3A_816 = arith.constant 512 : i32
        %mul3A_817 = arith.muli %while3A_814, %mul3A_816 : i32
        %get3A_818 = arith.index_cast %rem3A_43 : i32 to index
        %get3A_819 = arith.index_cast %add3A_815 : i32 to index
        %get3A_820 = arith.constant 0 : index
        %get3A_821 = tpu.vector_load %arg8[%get3A_818, %get3A_819, %get3A_820] {strides = array<i32>} : memref<2x128x64xf32, #tpu.memory_space<vmem>>, vector<16xf32>,
        %add3A_822 = vector.broadcast %mul3A_817 : i32 to vector<16xi32>
        %add3A_823 = arith.addi %min3A_140, %add3A_822 : vector<16xi32>
        tpu.vector_store_idx %arg9[%add3A_823], %get3A_821 masked %and3A {add = true} : memref<8192xf32, #tpu.memory_space<vmem>>[vector<16xi32>], vector<16xf32>, vector<16xi1>
        %get3A_824 = arith.index_cast %rem3A_43 : i32 to index
        %get3A_825 = arith.index_cast %add3A_815 : i32 to index
        %get3A_826 = arith.constant 16 : index
        %get3A_827 = tpu.vector_load %arg8[%get3A_824, %get3A_825, %get3A_826] {strides = array<i32>} : memref<2x128x64xf32, #tpu.memory_space<vmem>>, vector<16xf32>,
        %add3A_828 = vector.broadcast %mul3A_817 : i32 to vector<16xi32>
        %add3A_829 = arith.addi %min3A_156, %add3A_828 : vector<16xi32>
        tpu.vector_store_idx %arg9[%add3A_829], %get3A_827 masked %and3A_150 {add = true} : memref<8192xf32, #tpu.memory_space<vmem>>[vector<16xi32>], vector<16xf32>, vector<16xi1>
        %get3A_830 = arith.index_cast %rem3A_43 : i32 to index
        %get3A_831 = arith.index_cast %add3A_815 : i32 to index
        %get3A_832 = arith.constant 32 : index
        %get3A_833 = tpu.vector_load %arg8[%get3A_830, %get3A_831, %get3A_832] {strides = array<i32>} : memref<2x128x64xf32, #tpu.memory_space<vmem>>, vector<16xf32>,
        %add3A_834 = vector.broadcast %mul3A_817 : i32 to vector<16xi32>
        %add3A_835 = arith.addi %min3A_172, %add3A_834 : vector<16xi32>
        tpu.vector_store_idx %arg9[%add3A_835], %get3A_833 masked %and3A_166 {add = true} : memref<8192xf32, #tpu.memory_space<vmem>>[vector<16xi32>], vector<16xf32>, vector<16xi1>
        %get3A_836 = arith.index_cast %rem3A_43 : i32 to index
        %get3A_837 = arith.index_cast %add3A_815 : i32 to index
        %get3A_838 = arith.constant 48 : index
        %get3A_839 = tpu.vector_load %arg8[%get3A_836, %get3A_837, %get3A_838] {strides = array<i32>} : memref<2x128x64xf32, #tpu.memory_space<vmem>>, vector<16xf32>,
        %add3A_840 = vector.broadcast %mul3A_817 : i32 to vector<16xi32>
        %add3A_841 = arith.addi %min3A_188, %add3A_840 : vector<16xi32>
        tpu.vector_store_idx %arg9[%add3A_841], %get3A_839 masked %and3A_182 {add = true} : memref<8192xf32, #tpu.memory_space<vmem>>[vector<16xi32>], vector<16xf32>, vector<16xi1>
      }
      %while3A_197 = arith.constant 1 : i32
      scf.for %while3A_814 = %while3A_195 to %while3A_191 step %while3A_197  : i32 {
        %add3A_815 = arith.addi %add3A_119, %while3A_814 : i32
        %mul3A_816 = arith.constant 512 : i32
        %mul3A_817 = arith.muli %while3A_814, %mul3A_816 : i32
        %get3A_818 = arith.index_cast %rem3A_43 : i32 to index
        %get3A_819 = arith.index_cast %add3A_815 : i32 to index
        %get3A_820 = arith.constant 0 : index
        %get3A_821 = tpu.vector_load %arg8[%get3A_818, %get3A_819, %get3A_820] {strides = array<i32>} : memref<2x128x64xf32, #tpu.memory_space<vmem>>, vector<16xf32>,
        %add3A_822 = vector.broadcast %mul3A_817 : i32 to vector<16xi32>
        %add3A_823 = arith.addi %min3A_140, %add3A_822 : vector<16xi32>
        tpu.vector_store_idx %arg9[%add3A_823], %get3A_821 masked %and3A {add = true} : memref<8192xf32, #tpu.memory_space<vmem>>[vector<16xi32>], vector<16xf32>, vector<16xi1>
        %get3A_824 = arith.index_cast %rem3A_43 : i32 to index
        %get3A_825 = arith.index_cast %add3A_815 : i32 to index
        %get3A_826 = arith.constant 16 : index
        %get3A_827 = tpu.vector_load %arg8[%get3A_824, %get3A_825, %get3A_826] {strides = array<i32>} : memref<2x128x64xf32, #tpu.memory_space<vmem>>, vector<16xf32>,
        %add3A_828 = vector.broadcast %mul3A_817 : i32 to vector<16xi32>
        %add3A_829 = arith.addi %min3A_156, %add3A_828 : vector<16xi32>
        tpu.vector_store_idx %arg9[%add3A_829], %get3A_827 masked %and3A_150 {add = true} : memref<8192xf32, #tpu.memory_space<vmem>>[vector<16xi32>], vector<16xf32>, vector<16xi1>
        %get3A_830 = arith.index_cast %rem3A_43 : i32 to index
        %get3A_831 = arith.index_cast %add3A_815 : i32 to index
        %get3A_832 = arith.constant 32 : index
        %get3A_833 = tpu.vector_load %arg8[%get3A_830, %get3A_831, %get3A_832] {strides = array<i32>} : memref<2x128x64xf32, #tpu.memory_space<vmem>>, vector<16xf32>,
        %add3A_834 = vector.broadcast %mul3A_817 : i32 to vector<16xi32>
        %add3A_835 = arith.addi %min3A_172, %add3A_834 : vector<16xi32>
        tpu.vector_store_idx %arg9[%add3A_835], %get3A_833 masked %and3A_166 {add = true} : memref<8192xf32, #tpu.memory_space<vmem>>[vector<16xi32>], vector<16xf32>, vector<16xi1>
        %get3A_836 = arith.index_cast %rem3A_43 : i32 to index
        %get3A_837 = arith.index_cast %add3A_815 : i32 to index
        %get3A_838 = arith.constant 48 : index
        %get3A_839 = tpu.vector_load %arg8[%get3A_836, %get3A_837, %get3A_838] {strides = array<i32>} : memref<2x128x64xf32, #tpu.memory_space<vmem>>, vector<16xf32>,
        %add3A_840 = vector.broadcast %mul3A_817 : i32 to vector<16xi32>
        %add3A_841 = arith.addi %min3A_188, %add3A_840 : vector<16xi32>
        tpu.vector_store_idx %arg9[%add3A_841], %get3A_839 masked %and3A_182 {add = true} : memref<8192xf32, #tpu.memory_space<vmem>>[vector<16xi32>], vector<16xf32>, vector<16xi1>
      }
      %slice3A_198 = vector.extract_strided_slice %max3A_74 {offsets = [1], sizes = [1], strides = [1]} : vector<16xi32> to vector<1xi32>
      %squeeze3A_199 = vector.extract %slice3A_198[0] : i32 from vector<1xi32>
      %slice3A_200 = vector.extract_strided_slice %min3A_81 {offsets = [1], sizes = [1], strides = [1]} : vector<16xi32> to vector<1xi32>
      %squeeze3A_201 = vector.extract %slice3A_200[0] : i32 from vector<1xi32>
      %slice3A_202 = vector.extract_strided_slice %sub3A_98 {offsets = [1], sizes = [1], strides = [1]} : vector<16xi32> to vector<1xi32>
      %squeeze3A_203 = vector.extract %slice3A_202[0] : i32 from vector<1xi32>
      %add3A_204 = arith.constant 16 : i32
      %add3A_205 = arith.addi %squeeze3A_203, %add3A_204 : i32
      %slice3A_206 = vector.extract_strided_slice %gather3A_68 {offsets = [1], sizes = [1], strides = [1]} : vector<16xi32> to vector<1xi32>
      %squeeze3A_207 = vector.extract %slice3A_206[0] : i32 from vector<1xi32>
      %min3A_208 = arith.minsi %squeeze3A_199, %squeeze3A_201 : i32
      %sub3A_209 = arith.constant 32 : i32
      %sub3A_210 = arith.subi %squeeze3A_207, %sub3A_209 : i32
      %add3A_211 = vector.broadcast %sub3A_210 : i32 to vector<16xi32>
      %add3A_212 = arith.addi %add3A_211, %iota3A : vector<16xi32>
      %add3A_213 = arith.constant 0 : i32
      %add3A_214 = vector.broadcast %add3A_213 : i32 to vector<16xi32>
      %add3A_215 = arith.addi %add3A_212, %add3A_214 : vector<16xi32>
      %ge3A_216 = arith.constant 0 : i32
      %ge3A_217 = vector.broadcast %ge3A_216 : i32 to vector<16xi32>
      %ge3A_218 = arith.cmpi sge, %add3A_215, %ge3A_217 : vector<16xi32>
      %lt3A_219 = arith.constant 512 : i32
      %lt3A_220 = vector.broadcast %lt3A_219 : i32 to vector<16xi32>
      %lt3A_221 = arith.cmpi slt, %add3A_215, %lt3A_220 : vector<16xi32>
      %and3A_222 = arith.andi %ge3A_218, %lt3A_221 : vector<16xi1>
      %jit3A_223 = arith.constant 0 : i32
      %jit3A_224 = arith.constant 511 : i32
      %max3A_225 = vector.broadcast %jit3A_223 : i32 to vector<16xi32>
      %max3A_226 = arith.maxsi %max3A_225, %add3A_215 : vector<16xi32>
      %min3A_227 = vector.broadcast %jit3A_224 : i32 to vector<16xi32>
      %min3A_228 = arith.minsi %min3A_227, %max3A_226 : vector<16xi32>
      %add3A_229 = arith.constant 16 : i32
      %add3A_230 = vector.broadcast %add3A_229 : i32 to vector<16xi32>
      %add3A_231 = arith.addi %add3A_212, %add3A_230 : vector<16xi32>
      %ge3A_232 = arith.constant 0 : i32
      %ge3A_233 = vector.broadcast %ge3A_232 : i32 to vector<16xi32>
      %ge3A_234 = arith.cmpi sge, %add3A_231, %ge3A_233 : vector<16xi32>
      %lt3A_235 = arith.constant 512 : i32
      %lt3A_236 = vector.broadcast %lt3A_235 : i32 to vector<16xi32>
      %lt3A_237 = arith.cmpi slt, %add3A_231, %lt3A_236 : vector<16xi32>
      %and3A_238 = arith.andi %ge3A_234, %lt3A_237 : vector<16xi1>
      %jit3A_239 = arith.constant 0 : i32
      %jit3A_240 = arith.constant 511 : i32
      %max3A_241 = vector.broadcast %jit3A_239 : i32 to vector<16xi32>
      %max3A_242 = arith.maxsi %max3A_241, %add3A_231 : vector<16xi32>
      %min3A_243 = vector.broadcast %jit3A_240 : i32 to vector<16xi32>
      %min3A_244 = arith.minsi %min3A_243, %max3A_242 : vector<16xi32>
      %add3A_245 = arith.constant 32 : i32
      %add3A_246 = vector.broadcast %add3A_245 : i32 to vector<16xi32>
      %add3A_247 = arith.addi %add3A_212, %add3A_246 : vector<16xi32>
      %ge3A_248 = arith.constant 0 : i32
      %ge3A_249 = vector.broadcast %ge3A_248 : i32 to vector<16xi32>
      %ge3A_250 = arith.cmpi sge, %add3A_247, %ge3A_249 : vector<16xi32>
      %lt3A_251 = arith.constant 512 : i32
      %lt3A_252 = vector.broadcast %lt3A_251 : i32 to vector<16xi32>
      %lt3A_253 = arith.cmpi slt, %add3A_247, %lt3A_252 : vector<16xi32>
      %and3A_254 = arith.andi %ge3A_250, %lt3A_253 : vector<16xi1>
      %jit3A_255 = arith.constant 0 : i32
      %jit3A_256 = arith.constant 511 : i32
      %max3A_257 = vector.broadcast %jit3A_255 : i32 to vector<16xi32>
      %max3A_258 = arith.maxsi %max3A_257, %add3A_247 : vector<16xi32>
      %min3A_259 = vector.broadcast %jit3A_256 : i32 to vector<16xi32>
      %min3A_260 = arith.minsi %min3A_259, %max3A_258 : vector<16xi32>
      %add3A_261 = arith.constant 48 : i32
      %add3A_262 = vector.broadcast %add3A_261 : i32 to vector<16xi32>
      %add3A_263 = arith.addi %add3A_212, %add3A_262 : vector<16xi32>
      %ge3A_264 = arith.constant 0 : i32
      %ge3A_265 = vector.broadcast %ge3A_264 : i32 to vector<16xi32>
      %ge3A_266 = arith.cmpi sge, %add3A_263, %ge3A_265 : vector<16xi32>
      %lt3A_267 = arith.constant 512 : i32
      %lt3A_268 = vector.broadcast %lt3A_267 : i32 to vector<16xi32>
      %lt3A_269 = arith.cmpi slt, %add3A_263, %lt3A_268 : vector<16xi32>
      %and3A_270 = arith.andi %ge3A_266, %lt3A_269 : vector<16xi1>
      %jit3A_271 = arith.constant 0 : i32
      %jit3A_272 = arith.constant 511 : i32
      %max3A_273 = vector.broadcast %jit3A_271 : i32 to vector<16xi32>
      %max3A_274 = arith.maxsi %max3A_273, %add3A_263 : vector<16xi32>
      %min3A_275 = vector.broadcast %jit3A_272 : i32 to vector<16xi32>
      %min3A_276 = arith.minsi %min3A_275, %max3A_274 : vector<16xi32>
      %while3A_277 = arith.constant 0 : i32
      %while3A_278 = arith.subi %squeeze3A_201, %min3A_208 : i32
      %while3A_279 = arith.addi %min3A_208, %while3A_278 : i32
      %while3A_280 = arith.constant 1 : i32
      %while3A_281 = arith.divsi %while3A_278, %while3A_280 : i32
      %while3A_282 = arith.muli %while3A_281, %while3A_280 : i32
      %while3A_283 = arith.addi %min3A_208, %while3A_282 : i32
      %while3A_284 = arith.constant 1 : i32
      scf.for %while3A_814 = %min3A_208 to %while3A_283 step %while3A_284  : i32 {
        %add3A_815 = arith.addi %add3A_205, %while3A_814 : i32
        %mul3A_816 = arith.constant 512 : i32
        %mul3A_817 = arith.muli %while3A_814, %mul3A_816 : i32
        %get3A_818 = arith.index_cast %rem3A_43 : i32 to index
        %get3A_819 = arith.index_cast %add3A_815 : i32 to index
        %get3A_820 = arith.constant 0 : index
        %get3A_821 = tpu.vector_load %arg8[%get3A_818, %get3A_819, %get3A_820] {strides = array<i32>} : memref<2x128x64xf32, #tpu.memory_space<vmem>>, vector<16xf32>,
        %add3A_822 = vector.broadcast %mul3A_817 : i32 to vector<16xi32>
        %add3A_823 = arith.addi %min3A_228, %add3A_822 : vector<16xi32>
        tpu.vector_store_idx %arg9[%add3A_823], %get3A_821 masked %and3A_222 {add = true} : memref<8192xf32, #tpu.memory_space<vmem>>[vector<16xi32>], vector<16xf32>, vector<16xi1>
        %get3A_824 = arith.index_cast %rem3A_43 : i32 to index
        %get3A_825 = arith.index_cast %add3A_815 : i32 to index
        %get3A_826 = arith.constant 16 : index
        %get3A_827 = tpu.vector_load %arg8[%get3A_824, %get3A_825, %get3A_826] {strides = array<i32>} : memref<2x128x64xf32, #tpu.memory_space<vmem>>, vector<16xf32>,
        %add3A_828 = vector.broadcast %mul3A_817 : i32 to vector<16xi32>
        %add3A_829 = arith.addi %min3A_244, %add3A_828 : vector<16xi32>
        tpu.vector_store_idx %arg9[%add3A_829], %get3A_827 masked %and3A_238 {add = true} : memref<8192xf32, #tpu.memory_space<vmem>>[vector<16xi32>], vector<16xf32>, vector<16xi1>
        %get3A_830 = arith.index_cast %rem3A_43 : i32 to index
        %get3A_831 = arith.index_cast %add3A_815 : i32 to index
        %get3A_832 = arith.constant 32 : index
        %get3A_833 = tpu.vector_load %arg8[%get3A_830, %get3A_831, %get3A_832] {strides = array<i32>} : memref<2x128x64xf32, #tpu.memory_space<vmem>>, vector<16xf32>,
        %add3A_834 = vector.broadcast %mul3A_817 : i32 to vector<16xi32>
        %add3A_835 = arith.addi %min3A_260, %add3A_834 : vector<16xi32>
        tpu.vector_store_idx %arg9[%add3A_835], %get3A_833 masked %and3A_254 {add = true} : memref<8192xf32, #tpu.memory_space<vmem>>[vector<16xi32>], vector<16xf32>, vector<16xi1>
        %get3A_836 = arith.index_cast %rem3A_43 : i32 to index
        %get3A_837 = arith.index_cast %add3A_815 : i32 to index
        %get3A_838 = arith.constant 48 : index
        %get3A_839 = tpu.vector_load %arg8[%get3A_836, %get3A_837, %get3A_838] {strides = array<i32>} : memref<2x128x64xf32, #tpu.memory_space<vmem>>, vector<16xf32>,
        %add3A_840 = vector.broadcast %mul3A_817 : i32 to vector<16xi32>
        %add3A_841 = arith.addi %min3A_276, %add3A_840 : vector<16xi32>
        tpu.vector_store_idx %arg9[%add3A_841], %get3A_839 masked %and3A_270 {add = true} : memref<8192xf32, #tpu.memory_space<vmem>>[vector<16xi32>], vector<16xf32>, vector<16xi1>
      }
      %while3A_285 = arith.constant 1 : i32
      scf.for %while3A_814 = %while3A_283 to %while3A_279 step %while3A_285  : i32 {
        %add3A_815 = arith.addi %add3A_205, %while3A_814 : i32
        %mul3A_816 = arith.constant 512 : i32
        %mul3A_817 = arith.muli %while3A_814, %mul3A_816 : i32
        %get3A_818 = arith.index_cast %rem3A_43 : i32 to index
        %get3A_819 = arith.index_cast %add3A_815 : i32 to index
        %get3A_820 = arith.constant 0 : index
        %get3A_821 = tpu.vector_load %arg8[%get3A_818, %get3A_819, %get3A_820] {strides = array<i32>} : memref<2x128x64xf32, #tpu.memory_space<vmem>>, vector<16xf32>,
        %add3A_822 = vector.broadcast %mul3A_817 : i32 to vector<16xi32>
        %add3A_823 = arith.addi %min3A_228, %add3A_822 : vector<16xi32>
        tpu.vector_store_idx %arg9[%add3A_823], %get3A_821 masked %and3A_222 {add = true} : memref<8192xf32, #tpu.memory_space<vmem>>[vector<16xi32>], vector<16xf32>, vector<16xi1>
        %get3A_824 = arith.index_cast %rem3A_43 : i32 to index
        %get3A_825 = arith.index_cast %add3A_815 : i32 to index
        %get3A_826 = arith.constant 16 : index
        %get3A_827 = tpu.vector_load %arg8[%get3A_824, %get3A_825, %get3A_826] {strides = array<i32>} : memref<2x128x64xf32, #tpu.memory_space<vmem>>, vector<16xf32>,
        %add3A_828 = vector.broadcast %mul3A_817 : i32 to vector<16xi32>
        %add3A_829 = arith.addi %min3A_244, %add3A_828 : vector<16xi32>
        tpu.vector_store_idx %arg9[%add3A_829], %get3A_827 masked %and3A_238 {add = true} : memref<8192xf32, #tpu.memory_space<vmem>>[vector<16xi32>], vector<16xf32>, vector<16xi1>
        %get3A_830 = arith.index_cast %rem3A_43 : i32 to index
        %get3A_831 = arith.index_cast %add3A_815 : i32 to index
        %get3A_832 = arith.constant 32 : index
        %get3A_833 = tpu.vector_load %arg8[%get3A_830, %get3A_831, %get3A_832] {strides = array<i32>} : memref<2x128x64xf32, #tpu.memory_space<vmem>>, vector<16xf32>,
        %add3A_834 = vector.broadcast %mul3A_817 : i32 to vector<16xi32>
        %add3A_835 = arith.addi %min3A_260, %add3A_834 : vector<16xi32>
        tpu.vector_store_idx %arg9[%add3A_835], %get3A_833 masked %and3A_254 {add = true} : memref<8192xf32, #tpu.memory_space<vmem>>[vector<16xi32>], vector<16xf32>, vector<16xi1>
        %get3A_836 = arith.index_cast %rem3A_43 : i32 to index
        %get3A_837 = arith.index_cast %add3A_815 : i32 to index
        %get3A_838 = arith.constant 48 : index
        %get3A_839 = tpu.vector_load %arg8[%get3A_836, %get3A_837, %get3A_838] {strides = array<i32>} : memref<2x128x64xf32, #tpu.memory_space<vmem>>, vector<16xf32>,
        %add3A_840 = vector.broadcast %mul3A_817 : i32 to vector<16xi32>
        %add3A_841 = arith.addi %min3A_276, %add3A_840 : vector<16xi32>
        tpu.vector_store_idx %arg9[%add3A_841], %get3A_839 masked %and3A_270 {add = true} : memref<8192xf32, #tpu.memory_space<vmem>>[vector<16xi32>], vector<16xf32>, vector<16xi1>
      }
      %slice3A_286 = vector.extract_strided_slice %max3A_74 {offsets = [2], sizes = [1], strides = [1]} : vector<16xi32> to vector<1xi32>
      %squeeze3A_287 = vector.extract %slice3A_286[0] : i32 from vector<1xi32>
      %slice3A_288 = vector.extract_strided_slice %min3A_81 {offsets = [2], sizes = [1], strides = [1]} : vector<16xi32> to vector<1xi32>
      %squeeze3A_289 = vector.extract %slice3A_288[0] : i32 from vector<1xi32>
      %slice3A_290 = vector.extract_strided_slice %sub3A_98 {offsets = [2], sizes = [1], strides = [1]} : vector<16xi32> to vector<1xi32>
      %squeeze3A_291 = vector.extract %slice3A_290[0] : i32 from vector<1xi32>
      %add3A_292 = arith.constant 32 : i32
      %add3A_293 = arith.addi %squeeze3A_291, %add3A_292 : i32
      %slice3A_294 = vector.extract_strided_slice %gather3A_68 {offsets = [2], sizes = [1], strides = [1]} : vector<16xi32> to vector<1xi32>
      %squeeze3A_295 = vector.extract %slice3A_294[0] : i32 from vector<1xi32>
      %min3A_296 = arith.minsi %squeeze3A_287, %squeeze3A_289 : i32
      %sub3A_297 = arith.constant 32 : i32
      %sub3A_298 = arith.subi %squeeze3A_295, %sub3A_297 : i32
      %add3A_299 = vector.broadcast %sub3A_298 : i32 to vector<16xi32>
      %add3A_300 = arith.addi %add3A_299, %iota3A : vector<16xi32>
      %add3A_301 = arith.constant 0 : i32
      %add3A_302 = vector.broadcast %add3A_301 : i32 to vector<16xi32>
      %add3A_303 = arith.addi %add3A_300, %add3A_302 : vector<16xi32>
      %ge3A_304 = arith.constant 0 : i32
      %ge3A_305 = vector.broadcast %ge3A_304 : i32 to vector<16xi32>
      %ge3A_306 = arith.cmpi sge, %add3A_303, %ge3A_305 : vector<16xi32>
      %lt3A_307 = arith.constant 512 : i32
      %lt3A_308 = vector.broadcast %lt3A_307 : i32 to vector<16xi32>
      %lt3A_309 = arith.cmpi slt, %add3A_303, %lt3A_308 : vector<16xi32>
      %and3A_310 = arith.andi %ge3A_306, %lt3A_309 : vector<16xi1>
      %jit3A_311 = arith.constant 0 : i32
      %jit3A_312 = arith.constant 511 : i32
      %max3A_313 = vector.broadcast %jit3A_311 : i32 to vector<16xi32>
      %max3A_314 = arith.maxsi %max3A_313, %add3A_303 : vector<16xi32>
      %min3A_315 = vector.broadcast %jit3A_312 : i32 to vector<16xi32>
      %min3A_316 = arith.minsi %min3A_315, %max3A_314 : vector<16xi32>
      %add3A_317 = arith.constant 16 : i32
      %add3A_318 = vector.broadcast %add3A_317 : i32 to vector<16xi32>
      %add3A_319 = arith.addi %add3A_300, %add3A_318 : vector<16xi32>
      %ge3A_320 = arith.constant 0 : i32
      %ge3A_321 = vector.broadcast %ge3A_320 : i32 to vector<16xi32>
      %ge3A_322 = arith.cmpi sge, %add3A_319, %ge3A_321 : vector<16xi32>
      %lt3A_323 = arith.constant 512 : i32
      %lt3A_324 = vector.broadcast %lt3A_323 : i32 to vector<16xi32>
      %lt3A_325 = arith.cmpi slt, %add3A_319, %lt3A_324 : vector<16xi32>
      %and3A_326 = arith.andi %ge3A_322, %lt3A_325 : vector<16xi1>
      %jit3A_327 = arith.constant 0 : i32
      %jit3A_328 = arith.constant 511 : i32
      %max3A_329 = vector.broadcast %jit3A_327 : i32 to vector<16xi32>
      %max3A_330 = arith.maxsi %max3A_329, %add3A_319 : vector<16xi32>
      %min3A_331 = vector.broadcast %jit3A_328 : i32 to vector<16xi32>
      %min3A_332 = arith.minsi %min3A_331, %max3A_330 : vector<16xi32>
      %add3A_333 = arith.constant 32 : i32
      %add3A_334 = vector.broadcast %add3A_333 : i32 to vector<16xi32>
      %add3A_335 = arith.addi %add3A_300, %add3A_334 : vector<16xi32>
      %ge3A_336 = arith.constant 0 : i32
      %ge3A_337 = vector.broadcast %ge3A_336 : i32 to vector<16xi32>
      %ge3A_338 = arith.cmpi sge, %add3A_335, %ge3A_337 : vector<16xi32>
      %lt3A_339 = arith.constant 512 : i32
      %lt3A_340 = vector.broadcast %lt3A_339 : i32 to vector<16xi32>
      %lt3A_341 = arith.cmpi slt, %add3A_335, %lt3A_340 : vector<16xi32>
      %and3A_342 = arith.andi %ge3A_338, %lt3A_341 : vector<16xi1>
      %jit3A_343 = arith.constant 0 : i32
      %jit3A_344 = arith.constant 511 : i32
      %max3A_345 = vector.broadcast %jit3A_343 : i32 to vector<16xi32>
      %max3A_346 = arith.maxsi %max3A_345, %add3A_335 : vector<16xi32>
      %min3A_347 = vector.broadcast %jit3A_344 : i32 to vector<16xi32>
      %min3A_348 = arith.minsi %min3A_347, %max3A_346 : vector<16xi32>
      %add3A_349 = arith.constant 48 : i32
      %add3A_350 = vector.broadcast %add3A_349 : i32 to vector<16xi32>
      %add3A_351 = arith.addi %add3A_300, %add3A_350 : vector<16xi32>
      %ge3A_352 = arith.constant 0 : i32
      %ge3A_353 = vector.broadcast %ge3A_352 : i32 to vector<16xi32>
      %ge3A_354 = arith.cmpi sge, %add3A_351, %ge3A_353 : vector<16xi32>
      %lt3A_355 = arith.constant 512 : i32
      %lt3A_356 = vector.broadcast %lt3A_355 : i32 to vector<16xi32>
      %lt3A_357 = arith.cmpi slt, %add3A_351, %lt3A_356 : vector<16xi32>
      %and3A_358 = arith.andi %ge3A_354, %lt3A_357 : vector<16xi1>
      %jit3A_359 = arith.constant 0 : i32
      %jit3A_360 = arith.constant 511 : i32
      %max3A_361 = vector.broadcast %jit3A_359 : i32 to vector<16xi32>
      %max3A_362 = arith.maxsi %max3A_361, %add3A_351 : vector<16xi32>
      %min3A_363 = vector.broadcast %jit3A_360 : i32 to vector<16xi32>
      %min3A_364 = arith.minsi %min3A_363, %max3A_362 : vector<16xi32>
      %while3A_365 = arith.constant 0 : i32
      %while3A_366 = arith.subi %squeeze3A_289, %min3A_296 : i32
      %while3A_367 = arith.addi %min3A_296, %while3A_366 : i32
      %while3A_368 = arith.constant 1 : i32
      %while3A_369 = arith.divsi %while3A_366, %while3A_368 : i32
      %while3A_370 = arith.muli %while3A_369, %while3A_368 : i32
      %while3A_371 = arith.addi %min3A_296, %while3A_370 : i32
      %while3A_372 = arith.constant 1 : i32
      scf.for %while3A_814 = %min3A_296 to %while3A_371 step %while3A_372  : i32 {
        %add3A_815 = arith.addi %add3A_293, %while3A_814 : i32
        %mul3A_816 = arith.constant 512 : i32
        %mul3A_817 = arith.muli %while3A_814, %mul3A_816 : i32
        %get3A_818 = arith.index_cast %rem3A_43 : i32 to index
        %get3A_819 = arith.index_cast %add3A_815 : i32 to index
        %get3A_820 = arith.constant 0 : index
        %get3A_821 = tpu.vector_load %arg8[%get3A_818, %get3A_819, %get3A_820] {strides = array<i32>} : memref<2x128x64xf32, #tpu.memory_space<vmem>>, vector<16xf32>,
        %add3A_822 = vector.broadcast %mul3A_817 : i32 to vector<16xi32>
        %add3A_823 = arith.addi %min3A_316, %add3A_822 : vector<16xi32>
        tpu.vector_store_idx %arg9[%add3A_823], %get3A_821 masked %and3A_310 {add = true} : memref<8192xf32, #tpu.memory_space<vmem>>[vector<16xi32>], vector<16xf32>, vector<16xi1>
        %get3A_824 = arith.index_cast %rem3A_43 : i32 to index
        %get3A_825 = arith.index_cast %add3A_815 : i32 to index
        %get3A_826 = arith.constant 16 : index
        %get3A_827 = tpu.vector_load %arg8[%get3A_824, %get3A_825, %get3A_826] {strides = array<i32>} : memref<2x128x64xf32, #tpu.memory_space<vmem>>, vector<16xf32>,
        %add3A_828 = vector.broadcast %mul3A_817 : i32 to vector<16xi32>
        %add3A_829 = arith.addi %min3A_332, %add3A_828 : vector<16xi32>
        tpu.vector_store_idx %arg9[%add3A_829], %get3A_827 masked %and3A_326 {add = true} : memref<8192xf32, #tpu.memory_space<vmem>>[vector<16xi32>], vector<16xf32>, vector<16xi1>
        %get3A_830 = arith.index_cast %rem3A_43 : i32 to index
        %get3A_831 = arith.index_cast %add3A_815 : i32 to index
        %get3A_832 = arith.constant 32 : index
        %get3A_833 = tpu.vector_load %arg8[%get3A_830, %get3A_831, %get3A_832] {strides = array<i32>} : memref<2x128x64xf32, #tpu.memory_space<vmem>>, vector<16xf32>,
        %add3A_834 = vector.broadcast %mul3A_817 : i32 to vector<16xi32>
        %add3A_835 = arith.addi %min3A_348, %add3A_834 : vector<16xi32>
        tpu.vector_store_idx %arg9[%add3A_835], %get3A_833 masked %and3A_342 {add = true} : memref<8192xf32, #tpu.memory_space<vmem>>[vector<16xi32>], vector<16xf32>, vector<16xi1>
        %get3A_836 = arith.index_cast %rem3A_43 : i32 to index
        %get3A_837 = arith.index_cast %add3A_815 : i32 to index
        %get3A_838 = arith.constant 48 : index
        %get3A_839 = tpu.vector_load %arg8[%get3A_836, %get3A_837, %get3A_838] {strides = array<i32>} : memref<2x128x64xf32, #tpu.memory_space<vmem>>, vector<16xf32>,
        %add3A_840 = vector.broadcast %mul3A_817 : i32 to vector<16xi32>
        %add3A_841 = arith.addi %min3A_364, %add3A_840 : vector<16xi32>
        tpu.vector_store_idx %arg9[%add3A_841], %get3A_839 masked %and3A_358 {add = true} : memref<8192xf32, #tpu.memory_space<vmem>>[vector<16xi32>], vector<16xf32>, vector<16xi1>
      }
      %while3A_373 = arith.constant 1 : i32
      scf.for %while3A_814 = %while3A_371 to %while3A_367 step %while3A_373  : i32 {
        %add3A_815 = arith.addi %add3A_293, %while3A_814 : i32
        %mul3A_816 = arith.constant 512 : i32
        %mul3A_817 = arith.muli %while3A_814, %mul3A_816 : i32
        %get3A_818 = arith.index_cast %rem3A_43 : i32 to index
        %get3A_819 = arith.index_cast %add3A_815 : i32 to index
        %get3A_820 = arith.constant 0 : index
        %get3A_821 = tpu.vector_load %arg8[%get3A_818, %get3A_819, %get3A_820] {strides = array<i32>} : memref<2x128x64xf32, #tpu.memory_space<vmem>>, vector<16xf32>,
        %add3A_822 = vector.broadcast %mul3A_817 : i32 to vector<16xi32>
        %add3A_823 = arith.addi %min3A_316, %add3A_822 : vector<16xi32>
        tpu.vector_store_idx %arg9[%add3A_823], %get3A_821 masked %and3A_310 {add = true} : memref<8192xf32, #tpu.memory_space<vmem>>[vector<16xi32>], vector<16xf32>, vector<16xi1>
        %get3A_824 = arith.index_cast %rem3A_43 : i32 to index
        %get3A_825 = arith.index_cast %add3A_815 : i32 to index
        %get3A_826 = arith.constant 16 : index
        %get3A_827 = tpu.vector_load %arg8[%get3A_824, %get3A_825, %get3A_826] {strides = array<i32>} : memref<2x128x64xf32, #tpu.memory_space<vmem>>, vector<16xf32>,
        %add3A_828 = vector.broadcast %mul3A_817 : i32 to vector<16xi32>
        %add3A_829 = arith.addi %min3A_332, %add3A_828 : vector<16xi32>
        tpu.vector_store_idx %arg9[%add3A_829], %get3A_827 masked %and3A_326 {add = true} : memref<8192xf32, #tpu.memory_space<vmem>>[vector<16xi32>], vector<16xf32>, vector<16xi1>
        %get3A_830 = arith.index_cast %rem3A_43 : i32 to index
        %get3A_831 = arith.index_cast %add3A_815 : i32 to index
        %get3A_832 = arith.constant 32 : index
        %get3A_833 = tpu.vector_load %arg8[%get3A_830, %get3A_831, %get3A_832] {strides = array<i32>} : memref<2x128x64xf32, #tpu.memory_space<vmem>>, vector<16xf32>,
        %add3A_834 = vector.broadcast %mul3A_817 : i32 to vector<16xi32>
        %add3A_835 = arith.addi %min3A_348, %add3A_834 : vector<16xi32>
        tpu.vector_store_idx %arg9[%add3A_835], %get3A_833 masked %and3A_342 {add = true} : memref<8192xf32, #tpu.memory_space<vmem>>[vector<16xi32>], vector<16xf32>, vector<16xi1>
        %get3A_836 = arith.index_cast %rem3A_43 : i32 to index
        %get3A_837 = arith.index_cast %add3A_815 : i32 to index
        %get3A_838 = arith.constant 48 : index
        %get3A_839 = tpu.vector_load %arg8[%get3A_836, %get3A_837, %get3A_838] {strides = array<i32>} : memref<2x128x64xf32, #tpu.memory_space<vmem>>, vector<16xf32>,
        %add3A_840 = vector.broadcast %mul3A_817 : i32 to vector<16xi32>
        %add3A_841 = arith.addi %min3A_364, %add3A_840 : vector<16xi32>
        tpu.vector_store_idx %arg9[%add3A_841], %get3A_839 masked %and3A_358 {add = true} : memref<8192xf32, #tpu.memory_space<vmem>>[vector<16xi32>], vector<16xf32>, vector<16xi1>
      }
      %slice3A_374 = vector.extract_strided_slice %max3A_74 {offsets = [3], sizes = [1], strides = [1]} : vector<16xi32> to vector<1xi32>
      %squeeze3A_375 = vector.extract %slice3A_374[0] : i32 from vector<1xi32>
      %slice3A_376 = vector.extract_strided_slice %min3A_81 {offsets = [3], sizes = [1], strides = [1]} : vector<16xi32> to vector<1xi32>
      %squeeze3A_377 = vector.extract %slice3A_376[0] : i32 from vector<1xi32>
      %slice3A_378 = vector.extract_strided_slice %sub3A_98 {offsets = [3], sizes = [1], strides = [1]} : vector<16xi32> to vector<1xi32>
      %squeeze3A_379 = vector.extract %slice3A_378[0] : i32 from vector<1xi32>
      %add3A_380 = arith.constant 48 : i32
      %add3A_381 = arith.addi %squeeze3A_379, %add3A_380 : i32
      %slice3A_382 = vector.extract_strided_slice %gather3A_68 {offsets = [3], sizes = [1], strides = [1]} : vector<16xi32> to vector<1xi32>
      %squeeze3A_383 = vector.extract %slice3A_382[0] : i32 from vector<1xi32>
      %min3A_384 = arith.minsi %squeeze3A_375, %squeeze3A_377 : i32
      %sub3A_385 = arith.constant 32 : i32
      %sub3A_386 = arith.subi %squeeze3A_383, %sub3A_385 : i32
      %add3A_387 = vector.broadcast %sub3A_386 : i32 to vector<16xi32>
      %add3A_388 = arith.addi %add3A_387, %iota3A : vector<16xi32>
      %add3A_389 = arith.constant 0 : i32
      %add3A_390 = vector.broadcast %add3A_389 : i32 to vector<16xi32>
      %add3A_391 = arith.addi %add3A_388, %add3A_390 : vector<16xi32>
      %ge3A_392 = arith.constant 0 : i32
      %ge3A_393 = vector.broadcast %ge3A_392 : i32 to vector<16xi32>
      %ge3A_394 = arith.cmpi sge, %add3A_391, %ge3A_393 : vector<16xi32>
      %lt3A_395 = arith.constant 512 : i32
      %lt3A_396 = vector.broadcast %lt3A_395 : i32 to vector<16xi32>
      %lt3A_397 = arith.cmpi slt, %add3A_391, %lt3A_396 : vector<16xi32>
      %and3A_398 = arith.andi %ge3A_394, %lt3A_397 : vector<16xi1>
      %jit3A_399 = arith.constant 0 : i32
      %jit3A_400 = arith.constant 511 : i32
      %max3A_401 = vector.broadcast %jit3A_399 : i32 to vector<16xi32>
      %max3A_402 = arith.maxsi %max3A_401, %add3A_391 : vector<16xi32>
      %min3A_403 = vector.broadcast %jit3A_400 : i32 to vector<16xi32>
      %min3A_404 = arith.minsi %min3A_403, %max3A_402 : vector<16xi32>
      %add3A_405 = arith.constant 16 : i32
      %add3A_406 = vector.broadcast %add3A_405 : i32 to vector<16xi32>
      %add3A_407 = arith.addi %add3A_388, %add3A_406 : vector<16xi32>
      %ge3A_408 = arith.constant 0 : i32
      %ge3A_409 = vector.broadcast %ge3A_408 : i32 to vector<16xi32>
      %ge3A_410 = arith.cmpi sge, %add3A_407, %ge3A_409 : vector<16xi32>
      %lt3A_411 = arith.constant 512 : i32
      %lt3A_412 = vector.broadcast %lt3A_411 : i32 to vector<16xi32>
      %lt3A_413 = arith.cmpi slt, %add3A_407, %lt3A_412 : vector<16xi32>
      %and3A_414 = arith.andi %ge3A_410, %lt3A_413 : vector<16xi1>
      %jit3A_415 = arith.constant 0 : i32
      %jit3A_416 = arith.constant 511 : i32
      %max3A_417 = vector.broadcast %jit3A_415 : i32 to vector<16xi32>
      %max3A_418 = arith.maxsi %max3A_417, %add3A_407 : vector<16xi32>
      %min3A_419 = vector.broadcast %jit3A_416 : i32 to vector<16xi32>
      %min3A_420 = arith.minsi %min3A_419, %max3A_418 : vector<16xi32>
      %add3A_421 = arith.constant 32 : i32
      %add3A_422 = vector.broadcast %add3A_421 : i32 to vector<16xi32>
      %add3A_423 = arith.addi %add3A_388, %add3A_422 : vector<16xi32>
      %ge3A_424 = arith.constant 0 : i32
      %ge3A_425 = vector.broadcast %ge3A_424 : i32 to vector<16xi32>
      %ge3A_426 = arith.cmpi sge, %add3A_423, %ge3A_425 : vector<16xi32>
      %lt3A_427 = arith.constant 512 : i32
      %lt3A_428 = vector.broadcast %lt3A_427 : i32 to vector<16xi32>
      %lt3A_429 = arith.cmpi slt, %add3A_423, %lt3A_428 : vector<16xi32>
      %and3A_430 = arith.andi %ge3A_426, %lt3A_429 : vector<16xi1>
      %jit3A_431 = arith.constant 0 : i32
      %jit3A_432 = arith.constant 511 : i32
      %max3A_433 = vector.broadcast %jit3A_431 : i32 to vector<16xi32>
      %max3A_434 = arith.maxsi %max3A_433, %add3A_423 : vector<16xi32>
      %min3A_435 = vector.broadcast %jit3A_432 : i32 to vector<16xi32>
      %min3A_436 = arith.minsi %min3A_435, %max3A_434 : vector<16xi32>
      %add3A_437 = arith.constant 48 : i32
      %add3A_438 = vector.broadcast %add3A_437 : i32 to vector<16xi32>
      %add3A_439 = arith.addi %add3A_388, %add3A_438 : vector<16xi32>
      %ge3A_440 = arith.constant 0 : i32
      %ge3A_441 = vector.broadcast %ge3A_440 : i32 to vector<16xi32>
      %ge3A_442 = arith.cmpi sge, %add3A_439, %ge3A_441 : vector<16xi32>
      %lt3A_443 = arith.constant 512 : i32
      %lt3A_444 = vector.broadcast %lt3A_443 : i32 to vector<16xi32>
      %lt3A_445 = arith.cmpi slt, %add3A_439, %lt3A_444 : vector<16xi32>
      %and3A_446 = arith.andi %ge3A_442, %lt3A_445 : vector<16xi1>
      %jit3A_447 = arith.constant 0 : i32
      %jit3A_448 = arith.constant 511 : i32
      %max3A_449 = vector.broadcast %jit3A_447 : i32 to vector<16xi32>
      %max3A_450 = arith.maxsi %max3A_449, %add3A_439 : vector<16xi32>
      %min3A_451 = vector.broadcast %jit3A_448 : i32 to vector<16xi32>
      %min3A_452 = arith.minsi %min3A_451, %max3A_450 : vector<16xi32>
      %while3A_453 = arith.constant 0 : i32
      %while3A_454 = arith.subi %squeeze3A_377, %min3A_384 : i32
      %while3A_455 = arith.addi %min3A_384, %while3A_454 : i32
      %while3A_456 = arith.constant 1 : i32
      %while3A_457 = arith.divsi %while3A_454, %while3A_456 : i32
      %while3A_458 = arith.muli %while3A_457, %while3A_456 : i32
      %while3A_459 = arith.addi %min3A_384, %while3A_458 : i32
      %while3A_460 = arith.constant 1 : i32
      scf.for %while3A_814 = %min3A_384 to %while3A_459 step %while3A_460  : i32 {
        %add3A_815 = arith.addi %add3A_381, %while3A_814 : i32
        %mul3A_816 = arith.constant 512 : i32
        %mul3A_817 = arith.muli %while3A_814, %mul3A_816 : i32
        %get3A_818 = arith.index_cast %rem3A_43 : i32 to index
        %get3A_819 = arith.index_cast %add3A_815 : i32 to index
        %get3A_820 = arith.constant 0 : index
        %get3A_821 = tpu.vector_load %arg8[%get3A_818, %get3A_819, %get3A_820] {strides = array<i32>} : memref<2x128x64xf32, #tpu.memory_space<vmem>>, vector<16xf32>,
        %add3A_822 = vector.broadcast %mul3A_817 : i32 to vector<16xi32>
        %add3A_823 = arith.addi %min3A_404, %add3A_822 : vector<16xi32>
        tpu.vector_store_idx %arg9[%add3A_823], %get3A_821 masked %and3A_398 {add = true} : memref<8192xf32, #tpu.memory_space<vmem>>[vector<16xi32>], vector<16xf32>, vector<16xi1>
        %get3A_824 = arith.index_cast %rem3A_43 : i32 to index
        %get3A_825 = arith.index_cast %add3A_815 : i32 to index
        %get3A_826 = arith.constant 16 : index
        %get3A_827 = tpu.vector_load %arg8[%get3A_824, %get3A_825, %get3A_826] {strides = array<i32>} : memref<2x128x64xf32, #tpu.memory_space<vmem>>, vector<16xf32>,
        %add3A_828 = vector.broadcast %mul3A_817 : i32 to vector<16xi32>
        %add3A_829 = arith.addi %min3A_420, %add3A_828 : vector<16xi32>
        tpu.vector_store_idx %arg9[%add3A_829], %get3A_827 masked %and3A_414 {add = true} : memref<8192xf32, #tpu.memory_space<vmem>>[vector<16xi32>], vector<16xf32>, vector<16xi1>
        %get3A_830 = arith.index_cast %rem3A_43 : i32 to index
        %get3A_831 = arith.index_cast %add3A_815 : i32 to index
        %get3A_832 = arith.constant 32 : index
        %get3A_833 = tpu.vector_load %arg8[%get3A_830, %get3A_831, %get3A_832] {strides = array<i32>} : memref<2x128x64xf32, #tpu.memory_space<vmem>>, vector<16xf32>,
        %add3A_834 = vector.broadcast %mul3A_817 : i32 to vector<16xi32>
        %add3A_835 = arith.addi %min3A_436, %add3A_834 : vector<16xi32>
        tpu.vector_store_idx %arg9[%add3A_835], %get3A_833 masked %and3A_430 {add = true} : memref<8192xf32, #tpu.memory_space<vmem>>[vector<16xi32>], vector<16xf32>, vector<16xi1>
        %get3A_836 = arith.index_cast %rem3A_43 : i32 to index
        %get3A_837 = arith.index_cast %add3A_815 : i32 to index
        %get3A_838 = arith.constant 48 : index
        %get3A_839 = tpu.vector_load %arg8[%get3A_836, %get3A_837, %get3A_838] {strides = array<i32>} : memref<2x128x64xf32, #tpu.memory_space<vmem>>, vector<16xf32>,
        %add3A_840 = vector.broadcast %mul3A_817 : i32 to vector<16xi32>
        %add3A_841 = arith.addi %min3A_452, %add3A_840 : vector<16xi32>
        tpu.vector_store_idx %arg9[%add3A_841], %get3A_839 masked %and3A_446 {add = true} : memref<8192xf32, #tpu.memory_space<vmem>>[vector<16xi32>], vector<16xf32>, vector<16xi1>
      }
      %while3A_461 = arith.constant 1 : i32
      scf.for %while3A_814 = %while3A_459 to %while3A_455 step %while3A_461  : i32 {
        %add3A_815 = arith.addi %add3A_381, %while3A_814 : i32
        %mul3A_816 = arith.constant 512 : i32
        %mul3A_817 = arith.muli %while3A_814, %mul3A_816 : i32
        %get3A_818 = arith.index_cast %rem3A_43 : i32 to index
        %get3A_819 = arith.index_cast %add3A_815 : i32 to index
        %get3A_820 = arith.constant 0 : index
        %get3A_821 = tpu.vector_load %arg8[%get3A_818, %get3A_819, %get3A_820] {strides = array<i32>} : memref<2x128x64xf32, #tpu.memory_space<vmem>>, vector<16xf32>,
        %add3A_822 = vector.broadcast %mul3A_817 : i32 to vector<16xi32>
        %add3A_823 = arith.addi %min3A_404, %add3A_822 : vector<16xi32>
        tpu.vector_store_idx %arg9[%add3A_823], %get3A_821 masked %and3A_398 {add = true} : memref<8192xf32, #tpu.memory_space<vmem>>[vector<16xi32>], vector<16xf32>, vector<16xi1>
        %get3A_824 = arith.index_cast %rem3A_43 : i32 to index
        %get3A_825 = arith.index_cast %add3A_815 : i32 to index
        %get3A_826 = arith.constant 16 : index
        %get3A_827 = tpu.vector_load %arg8[%get3A_824, %get3A_825, %get3A_826] {strides = array<i32>} : memref<2x128x64xf32, #tpu.memory_space<vmem>>, vector<16xf32>,
        %add3A_828 = vector.broadcast %mul3A_817 : i32 to vector<16xi32>
        %add3A_829 = arith.addi %min3A_420, %add3A_828 : vector<16xi32>
        tpu.vector_store_idx %arg9[%add3A_829], %get3A_827 masked %and3A_414 {add = true} : memref<8192xf32, #tpu.memory_space<vmem>>[vector<16xi32>], vector<16xf32>, vector<16xi1>
        %get3A_830 = arith.index_cast %rem3A_43 : i32 to index
        %get3A_831 = arith.index_cast %add3A_815 : i32 to index
        %get3A_832 = arith.constant 32 : index
        %get3A_833 = tpu.vector_load %arg8[%get3A_830, %get3A_831, %get3A_832] {strides = array<i32>} : memref<2x128x64xf32, #tpu.memory_space<vmem>>, vector<16xf32>,
        %add3A_834 = vector.broadcast %mul3A_817 : i32 to vector<16xi32>
        %add3A_835 = arith.addi %min3A_436, %add3A_834 : vector<16xi32>
        tpu.vector_store_idx %arg9[%add3A_835], %get3A_833 masked %and3A_430 {add = true} : memref<8192xf32, #tpu.memory_space<vmem>>[vector<16xi32>], vector<16xf32>, vector<16xi1>
        %get3A_836 = arith.index_cast %rem3A_43 : i32 to index
        %get3A_837 = arith.index_cast %add3A_815 : i32 to index
        %get3A_838 = arith.constant 48 : index
        %get3A_839 = tpu.vector_load %arg8[%get3A_836, %get3A_837, %get3A_838] {strides = array<i32>} : memref<2x128x64xf32, #tpu.memory_space<vmem>>, vector<16xf32>,
        %add3A_840 = vector.broadcast %mul3A_817 : i32 to vector<16xi32>
        %add3A_841 = arith.addi %min3A_452, %add3A_840 : vector<16xi32>
        tpu.vector_store_idx %arg9[%add3A_841], %get3A_839 masked %and3A_446 {add = true} : memref<8192xf32, #tpu.memory_space<vmem>>[vector<16xi32>], vector<16xf32>, vector<16xi1>
      }
      %slice3A_462 = vector.extract_strided_slice %max3A_74 {offsets = [4], sizes = [1], strides = [1]} : vector<16xi32> to vector<1xi32>
      %squeeze3A_463 = vector.extract %slice3A_462[0] : i32 from vector<1xi32>
      %slice3A_464 = vector.extract_strided_slice %min3A_81 {offsets = [4], sizes = [1], strides = [1]} : vector<16xi32> to vector<1xi32>
      %squeeze3A_465 = vector.extract %slice3A_464[0] : i32 from vector<1xi32>
      %slice3A_466 = vector.extract_strided_slice %sub3A_98 {offsets = [4], sizes = [1], strides = [1]} : vector<16xi32> to vector<1xi32>
      %squeeze3A_467 = vector.extract %slice3A_466[0] : i32 from vector<1xi32>
      %add3A_468 = arith.constant 64 : i32
      %add3A_469 = arith.addi %squeeze3A_467, %add3A_468 : i32
      %slice3A_470 = vector.extract_strided_slice %gather3A_68 {offsets = [4], sizes = [1], strides = [1]} : vector<16xi32> to vector<1xi32>
      %squeeze3A_471 = vector.extract %slice3A_470[0] : i32 from vector<1xi32>
      %min3A_472 = arith.minsi %squeeze3A_463, %squeeze3A_465 : i32
      %sub3A_473 = arith.constant 32 : i32
      %sub3A_474 = arith.subi %squeeze3A_471, %sub3A_473 : i32
      %add3A_475 = vector.broadcast %sub3A_474 : i32 to vector<16xi32>
      %add3A_476 = arith.addi %add3A_475, %iota3A : vector<16xi32>
      %add3A_477 = arith.constant 0 : i32
      %add3A_478 = vector.broadcast %add3A_477 : i32 to vector<16xi32>
      %add3A_479 = arith.addi %add3A_476, %add3A_478 : vector<16xi32>
      %ge3A_480 = arith.constant 0 : i32
      %ge3A_481 = vector.broadcast %ge3A_480 : i32 to vector<16xi32>
      %ge3A_482 = arith.cmpi sge, %add3A_479, %ge3A_481 : vector<16xi32>
      %lt3A_483 = arith.constant 512 : i32
      %lt3A_484 = vector.broadcast %lt3A_483 : i32 to vector<16xi32>
      %lt3A_485 = arith.cmpi slt, %add3A_479, %lt3A_484 : vector<16xi32>
      %and3A_486 = arith.andi %ge3A_482, %lt3A_485 : vector<16xi1>
      %jit3A_487 = arith.constant 0 : i32
      %jit3A_488 = arith.constant 511 : i32
      %max3A_489 = vector.broadcast %jit3A_487 : i32 to vector<16xi32>
      %max3A_490 = arith.maxsi %max3A_489, %add3A_479 : vector<16xi32>
      %min3A_491 = vector.broadcast %jit3A_488 : i32 to vector<16xi32>
      %min3A_492 = arith.minsi %min3A_491, %max3A_490 : vector<16xi32>
      %add3A_493 = arith.constant 16 : i32
      %add3A_494 = vector.broadcast %add3A_493 : i32 to vector<16xi32>
      %add3A_495 = arith.addi %add3A_476, %add3A_494 : vector<16xi32>
      %ge3A_496 = arith.constant 0 : i32
      %ge3A_497 = vector.broadcast %ge3A_496 : i32 to vector<16xi32>
      %ge3A_498 = arith.cmpi sge, %add3A_495, %ge3A_497 : vector<16xi32>
      %lt3A_499 = arith.constant 512 : i32
      %lt3A_500 = vector.broadcast %lt3A_499 : i32 to vector<16xi32>
      %lt3A_501 = arith.cmpi slt, %add3A_495, %lt3A_500 : vector<16xi32>
      %and3A_502 = arith.andi %ge3A_498, %lt3A_501 : vector<16xi1>
      %jit3A_503 = arith.constant 0 : i32
      %jit3A_504 = arith.constant 511 : i32
      %max3A_505 = vector.broadcast %jit3A_503 : i32 to vector<16xi32>
      %max3A_506 = arith.maxsi %max3A_505, %add3A_495 : vector<16xi32>
      %min3A_507 = vector.broadcast %jit3A_504 : i32 to vector<16xi32>
      %min3A_508 = arith.minsi %min3A_507, %max3A_506 : vector<16xi32>
      %add3A_509 = arith.constant 32 : i32
      %add3A_510 = vector.broadcast %add3A_509 : i32 to vector<16xi32>
      %add3A_511 = arith.addi %add3A_476, %add3A_510 : vector<16xi32>
      %ge3A_512 = arith.constant 0 : i32
      %ge3A_513 = vector.broadcast %ge3A_512 : i32 to vector<16xi32>
      %ge3A_514 = arith.cmpi sge, %add3A_511, %ge3A_513 : vector<16xi32>
      %lt3A_515 = arith.constant 512 : i32
      %lt3A_516 = vector.broadcast %lt3A_515 : i32 to vector<16xi32>
      %lt3A_517 = arith.cmpi slt, %add3A_511, %lt3A_516 : vector<16xi32>
      %and3A_518 = arith.andi %ge3A_514, %lt3A_517 : vector<16xi1>
      %jit3A_519 = arith.constant 0 : i32
      %jit3A_520 = arith.constant 511 : i32
      %max3A_521 = vector.broadcast %jit3A_519 : i32 to vector<16xi32>
      %max3A_522 = arith.maxsi %max3A_521, %add3A_511 : vector<16xi32>
      %min3A_523 = vector.broadcast %jit3A_520 : i32 to vector<16xi32>
      %min3A_524 = arith.minsi %min3A_523, %max3A_522 : vector<16xi32>
      %add3A_525 = arith.constant 48 : i32
      %add3A_526 = vector.broadcast %add3A_525 : i32 to vector<16xi32>
      %add3A_527 = arith.addi %add3A_476, %add3A_526 : vector<16xi32>
      %ge3A_528 = arith.constant 0 : i32
      %ge3A_529 = vector.broadcast %ge3A_528 : i32 to vector<16xi32>
      %ge3A_530 = arith.cmpi sge, %add3A_527, %ge3A_529 : vector<16xi32>
      %lt3A_531 = arith.constant 512 : i32
      %lt3A_532 = vector.broadcast %lt3A_531 : i32 to vector<16xi32>
      %lt3A_533 = arith.cmpi slt, %add3A_527, %lt3A_532 : vector<16xi32>
      %and3A_534 = arith.andi %ge3A_530, %lt3A_533 : vector<16xi1>
      %jit3A_535 = arith.constant 0 : i32
      %jit3A_536 = arith.constant 511 : i32
      %max3A_537 = vector.broadcast %jit3A_535 : i32 to vector<16xi32>
      %max3A_538 = arith.maxsi %max3A_537, %add3A_527 : vector<16xi32>
      %min3A_539 = vector.broadcast %jit3A_536 : i32 to vector<16xi32>
      %min3A_540 = arith.minsi %min3A_539, %max3A_538 : vector<16xi32>
      %while3A_541 = arith.constant 0 : i32
      %while3A_542 = arith.subi %squeeze3A_465, %min3A_472 : i32
      %while3A_543 = arith.addi %min3A_472, %while3A_542 : i32
      %while3A_544 = arith.constant 1 : i32
      %while3A_545 = arith.divsi %while3A_542, %while3A_544 : i32
      %while3A_546 = arith.muli %while3A_545, %while3A_544 : i32
      %while3A_547 = arith.addi %min3A_472, %while3A_546 : i32
      %while3A_548 = arith.constant 1 : i32
      scf.for %while3A_814 = %min3A_472 to %while3A_547 step %while3A_548  : i32 {
        %add3A_815 = arith.addi %add3A_469, %while3A_814 : i32
        %mul3A_816 = arith.constant 512 : i32
        %mul3A_817 = arith.muli %while3A_814, %mul3A_816 : i32
        %get3A_818 = arith.index_cast %rem3A_43 : i32 to index
        %get3A_819 = arith.index_cast %add3A_815 : i32 to index
        %get3A_820 = arith.constant 0 : index
        %get3A_821 = tpu.vector_load %arg8[%get3A_818, %get3A_819, %get3A_820] {strides = array<i32>} : memref<2x128x64xf32, #tpu.memory_space<vmem>>, vector<16xf32>,
        %add3A_822 = vector.broadcast %mul3A_817 : i32 to vector<16xi32>
        %add3A_823 = arith.addi %min3A_492, %add3A_822 : vector<16xi32>
        tpu.vector_store_idx %arg9[%add3A_823], %get3A_821 masked %and3A_486 {add = true} : memref<8192xf32, #tpu.memory_space<vmem>>[vector<16xi32>], vector<16xf32>, vector<16xi1>
        %get3A_824 = arith.index_cast %rem3A_43 : i32 to index
        %get3A_825 = arith.index_cast %add3A_815 : i32 to index
        %get3A_826 = arith.constant 16 : index
        %get3A_827 = tpu.vector_load %arg8[%get3A_824, %get3A_825, %get3A_826] {strides = array<i32>} : memref<2x128x64xf32, #tpu.memory_space<vmem>>, vector<16xf32>,
        %add3A_828 = vector.broadcast %mul3A_817 : i32 to vector<16xi32>
        %add3A_829 = arith.addi %min3A_508, %add3A_828 : vector<16xi32>
        tpu.vector_store_idx %arg9[%add3A_829], %get3A_827 masked %and3A_502 {add = true} : memref<8192xf32, #tpu.memory_space<vmem>>[vector<16xi32>], vector<16xf32>, vector<16xi1>
        %get3A_830 = arith.index_cast %rem3A_43 : i32 to index
        %get3A_831 = arith.index_cast %add3A_815 : i32 to index
        %get3A_832 = arith.constant 32 : index
        %get3A_833 = tpu.vector_load %arg8[%get3A_830, %get3A_831, %get3A_832] {strides = array<i32>} : memref<2x128x64xf32, #tpu.memory_space<vmem>>, vector<16xf32>,
        %add3A_834 = vector.broadcast %mul3A_817 : i32 to vector<16xi32>
        %add3A_835 = arith.addi %min3A_524, %add3A_834 : vector<16xi32>
        tpu.vector_store_idx %arg9[%add3A_835], %get3A_833 masked %and3A_518 {add = true} : memref<8192xf32, #tpu.memory_space<vmem>>[vector<16xi32>], vector<16xf32>, vector<16xi1>
        %get3A_836 = arith.index_cast %rem3A_43 : i32 to index
        %get3A_837 = arith.index_cast %add3A_815 : i32 to index
        %get3A_838 = arith.constant 48 : index
        %get3A_839 = tpu.vector_load %arg8[%get3A_836, %get3A_837, %get3A_838] {strides = array<i32>} : memref<2x128x64xf32, #tpu.memory_space<vmem>>, vector<16xf32>,
        %add3A_840 = vector.broadcast %mul3A_817 : i32 to vector<16xi32>
        %add3A_841 = arith.addi %min3A_540, %add3A_840 : vector<16xi32>
        tpu.vector_store_idx %arg9[%add3A_841], %get3A_839 masked %and3A_534 {add = true} : memref<8192xf32, #tpu.memory_space<vmem>>[vector<16xi32>], vector<16xf32>, vector<16xi1>
      }
      %while3A_549 = arith.constant 1 : i32
      scf.for %while3A_814 = %while3A_547 to %while3A_543 step %while3A_549  : i32 {
        %add3A_815 = arith.addi %add3A_469, %while3A_814 : i32
        %mul3A_816 = arith.constant 512 : i32
        %mul3A_817 = arith.muli %while3A_814, %mul3A_816 : i32
        %get3A_818 = arith.index_cast %rem3A_43 : i32 to index
        %get3A_819 = arith.index_cast %add3A_815 : i32 to index
        %get3A_820 = arith.constant 0 : index
        %get3A_821 = tpu.vector_load %arg8[%get3A_818, %get3A_819, %get3A_820] {strides = array<i32>} : memref<2x128x64xf32, #tpu.memory_space<vmem>>, vector<16xf32>,
        %add3A_822 = vector.broadcast %mul3A_817 : i32 to vector<16xi32>
        %add3A_823 = arith.addi %min3A_492, %add3A_822 : vector<16xi32>
        tpu.vector_store_idx %arg9[%add3A_823], %get3A_821 masked %and3A_486 {add = true} : memref<8192xf32, #tpu.memory_space<vmem>>[vector<16xi32>], vector<16xf32>, vector<16xi1>
        %get3A_824 = arith.index_cast %rem3A_43 : i32 to index
        %get3A_825 = arith.index_cast %add3A_815 : i32 to index
        %get3A_826 = arith.constant 16 : index
        %get3A_827 = tpu.vector_load %arg8[%get3A_824, %get3A_825, %get3A_826] {strides = array<i32>} : memref<2x128x64xf32, #tpu.memory_space<vmem>>, vector<16xf32>,
        %add3A_828 = vector.broadcast %mul3A_817 : i32 to vector<16xi32>
        %add3A_829 = arith.addi %min3A_508, %add3A_828 : vector<16xi32>
        tpu.vector_store_idx %arg9[%add3A_829], %get3A_827 masked %and3A_502 {add = true} : memref<8192xf32, #tpu.memory_space<vmem>>[vector<16xi32>], vector<16xf32>, vector<16xi1>
        %get3A_830 = arith.index_cast %rem3A_43 : i32 to index
        %get3A_831 = arith.index_cast %add3A_815 : i32 to index
        %get3A_832 = arith.constant 32 : index
        %get3A_833 = tpu.vector_load %arg8[%get3A_830, %get3A_831, %get3A_832] {strides = array<i32>} : memref<2x128x64xf32, #tpu.memory_space<vmem>>, vector<16xf32>,
        %add3A_834 = vector.broadcast %mul3A_817 : i32 to vector<16xi32>
        %add3A_835 = arith.addi %min3A_524, %add3A_834 : vector<16xi32>
        tpu.vector_store_idx %arg9[%add3A_835], %get3A_833 masked %and3A_518 {add = true} : memref<8192xf32, #tpu.memory_space<vmem>>[vector<16xi32>], vector<16xf32>, vector<16xi1>
        %get3A_836 = arith.index_cast %rem3A_43 : i32 to index
        %get3A_837 = arith.index_cast %add3A_815 : i32 to index
        %get3A_838 = arith.constant 48 : index
        %get3A_839 = tpu.vector_load %arg8[%get3A_836, %get3A_837, %get3A_838] {strides = array<i32>} : memref<2x128x64xf32, #tpu.memory_space<vmem>>, vector<16xf32>,
        %add3A_840 = vector.broadcast %mul3A_817 : i32 to vector<16xi32>
        %add3A_841 = arith.addi %min3A_540, %add3A_840 : vector<16xi32>
        tpu.vector_store_idx %arg9[%add3A_841], %get3A_839 masked %and3A_534 {add = true} : memref<8192xf32, #tpu.memory_space<vmem>>[vector<16xi32>], vector<16xf32>, vector<16xi1>
      }
      %slice3A_550 = vector.extract_strided_slice %max3A_74 {offsets = [5], sizes = [1], strides = [1]} : vector<16xi32> to vector<1xi32>
      %squeeze3A_551 = vector.extract %slice3A_550[0] : i32 from vector<1xi32>
      %slice3A_552 = vector.extract_strided_slice %min3A_81 {offsets = [5], sizes = [1], strides = [1]} : vector<16xi32> to vector<1xi32>
      %squeeze3A_553 = vector.extract %slice3A_552[0] : i32 from vector<1xi32>
      %slice3A_554 = vector.extract_strided_slice %sub3A_98 {offsets = [5], sizes = [1], strides = [1]} : vector<16xi32> to vector<1xi32>
      %squeeze3A_555 = vector.extract %slice3A_554[0] : i32 from vector<1xi32>
      %add3A_556 = arith.constant 80 : i32
      %add3A_557 = arith.addi %squeeze3A_555, %add3A_556 : i32
      %slice3A_558 = vector.extract_strided_slice %gather3A_68 {offsets = [5], sizes = [1], strides = [1]} : vector<16xi32> to vector<1xi32>
      %squeeze3A_559 = vector.extract %slice3A_558[0] : i32 from vector<1xi32>
      %min3A_560 = arith.minsi %squeeze3A_551, %squeeze3A_553 : i32
      %sub3A_561 = arith.constant 32 : i32
      %sub3A_562 = arith.subi %squeeze3A_559, %sub3A_561 : i32
      %add3A_563 = vector.broadcast %sub3A_562 : i32 to vector<16xi32>
      %add3A_564 = arith.addi %add3A_563, %iota3A : vector<16xi32>
      %add3A_565 = arith.constant 0 : i32
      %add3A_566 = vector.broadcast %add3A_565 : i32 to vector<16xi32>
      %add3A_567 = arith.addi %add3A_564, %add3A_566 : vector<16xi32>
      %ge3A_568 = arith.constant 0 : i32
      %ge3A_569 = vector.broadcast %ge3A_568 : i32 to vector<16xi32>
      %ge3A_570 = arith.cmpi sge, %add3A_567, %ge3A_569 : vector<16xi32>
      %lt3A_571 = arith.constant 512 : i32
      %lt3A_572 = vector.broadcast %lt3A_571 : i32 to vector<16xi32>
      %lt3A_573 = arith.cmpi slt, %add3A_567, %lt3A_572 : vector<16xi32>
      %and3A_574 = arith.andi %ge3A_570, %lt3A_573 : vector<16xi1>
      %jit3A_575 = arith.constant 0 : i32
      %jit3A_576 = arith.constant 511 : i32
      %max3A_577 = vector.broadcast %jit3A_575 : i32 to vector<16xi32>
      %max3A_578 = arith.maxsi %max3A_577, %add3A_567 : vector<16xi32>
      %min3A_579 = vector.broadcast %jit3A_576 : i32 to vector<16xi32>
      %min3A_580 = arith.minsi %min3A_579, %max3A_578 : vector<16xi32>
      %add3A_581 = arith.constant 16 : i32
      %add3A_582 = vector.broadcast %add3A_581 : i32 to vector<16xi32>
      %add3A_583 = arith.addi %add3A_564, %add3A_582 : vector<16xi32>
      %ge3A_584 = arith.constant 0 : i32
      %ge3A_585 = vector.broadcast %ge3A_584 : i32 to vector<16xi32>
      %ge3A_586 = arith.cmpi sge, %add3A_583, %ge3A_585 : vector<16xi32>
      %lt3A_587 = arith.constant 512 : i32
      %lt3A_588 = vector.broadcast %lt3A_587 : i32 to vector<16xi32>
      %lt3A_589 = arith.cmpi slt, %add3A_583, %lt3A_588 : vector<16xi32>
      %and3A_590 = arith.andi %ge3A_586, %lt3A_589 : vector<16xi1>
      %jit3A_591 = arith.constant 0 : i32
      %jit3A_592 = arith.constant 511 : i32
      %max3A_593 = vector.broadcast %jit3A_591 : i32 to vector<16xi32>
      %max3A_594 = arith.maxsi %max3A_593, %add3A_583 : vector<16xi32>
      %min3A_595 = vector.broadcast %jit3A_592 : i32 to vector<16xi32>
      %min3A_596 = arith.minsi %min3A_595, %max3A_594 : vector<16xi32>
      %add3A_597 = arith.constant 32 : i32
      %add3A_598 = vector.broadcast %add3A_597 : i32 to vector<16xi32>
      %add3A_599 = arith.addi %add3A_564, %add3A_598 : vector<16xi32>
      %ge3A_600 = arith.constant 0 : i32
      %ge3A_601 = vector.broadcast %ge3A_600 : i32 to vector<16xi32>
      %ge3A_602 = arith.cmpi sge, %add3A_599, %ge3A_601 : vector<16xi32>
      %lt3A_603 = arith.constant 512 : i32
      %lt3A_604 = vector.broadcast %lt3A_603 : i32 to vector<16xi32>
      %lt3A_605 = arith.cmpi slt, %add3A_599, %lt3A_604 : vector<16xi32>
      %and3A_606 = arith.andi %ge3A_602, %lt3A_605 : vector<16xi1>
      %jit3A_607 = arith.constant 0 : i32
      %jit3A_608 = arith.constant 511 : i32
      %max3A_609 = vector.broadcast %jit3A_607 : i32 to vector<16xi32>
      %max3A_610 = arith.maxsi %max3A_609, %add3A_599 : vector<16xi32>
      %min3A_611 = vector.broadcast %jit3A_608 : i32 to vector<16xi32>
      %min3A_612 = arith.minsi %min3A_611, %max3A_610 : vector<16xi32>
      %add3A_613 = arith.constant 48 : i32
      %add3A_614 = vector.broadcast %add3A_613 : i32 to vector<16xi32>
      %add3A_615 = arith.addi %add3A_564, %add3A_614 : vector<16xi32>
      %ge3A_616 = arith.constant 0 : i32
      %ge3A_617 = vector.broadcast %ge3A_616 : i32 to vector<16xi32>
      %ge3A_618 = arith.cmpi sge, %add3A_615, %ge3A_617 : vector<16xi32>
      %lt3A_619 = arith.constant 512 : i32
      %lt3A_620 = vector.broadcast %lt3A_619 : i32 to vector<16xi32>
      %lt3A_621 = arith.cmpi slt, %add3A_615, %lt3A_620 : vector<16xi32>
      %and3A_622 = arith.andi %ge3A_618, %lt3A_621 : vector<16xi1>
      %jit3A_623 = arith.constant 0 : i32
      %jit3A_624 = arith.constant 511 : i32
      %max3A_625 = vector.broadcast %jit3A_623 : i32 to vector<16xi32>
      %max3A_626 = arith.maxsi %max3A_625, %add3A_615 : vector<16xi32>
      %min3A_627 = vector.broadcast %jit3A_624 : i32 to vector<16xi32>
      %min3A_628 = arith.minsi %min3A_627, %max3A_626 : vector<16xi32>
      %while3A_629 = arith.constant 0 : i32
      %while3A_630 = arith.subi %squeeze3A_553, %min3A_560 : i32
      %while3A_631 = arith.addi %min3A_560, %while3A_630 : i32
      %while3A_632 = arith.constant 1 : i32
      %while3A_633 = arith.divsi %while3A_630, %while3A_632 : i32
      %while3A_634 = arith.muli %while3A_633, %while3A_632 : i32
      %while3A_635 = arith.addi %min3A_560, %while3A_634 : i32
      %while3A_636 = arith.constant 1 : i32
      scf.for %while3A_814 = %min3A_560 to %while3A_635 step %while3A_636  : i32 {
        %add3A_815 = arith.addi %add3A_557, %while3A_814 : i32
        %mul3A_816 = arith.constant 512 : i32
        %mul3A_817 = arith.muli %while3A_814, %mul3A_816 : i32
        %get3A_818 = arith.index_cast %rem3A_43 : i32 to index
        %get3A_819 = arith.index_cast %add3A_815 : i32 to index
        %get3A_820 = arith.constant 0 : index
        %get3A_821 = tpu.vector_load %arg8[%get3A_818, %get3A_819, %get3A_820] {strides = array<i32>} : memref<2x128x64xf32, #tpu.memory_space<vmem>>, vector<16xf32>,
        %add3A_822 = vector.broadcast %mul3A_817 : i32 to vector<16xi32>
        %add3A_823 = arith.addi %min3A_580, %add3A_822 : vector<16xi32>
        tpu.vector_store_idx %arg9[%add3A_823], %get3A_821 masked %and3A_574 {add = true} : memref<8192xf32, #tpu.memory_space<vmem>>[vector<16xi32>], vector<16xf32>, vector<16xi1>
        %get3A_824 = arith.index_cast %rem3A_43 : i32 to index
        %get3A_825 = arith.index_cast %add3A_815 : i32 to index
        %get3A_826 = arith.constant 16 : index
        %get3A_827 = tpu.vector_load %arg8[%get3A_824, %get3A_825, %get3A_826] {strides = array<i32>} : memref<2x128x64xf32, #tpu.memory_space<vmem>>, vector<16xf32>,
        %add3A_828 = vector.broadcast %mul3A_817 : i32 to vector<16xi32>
        %add3A_829 = arith.addi %min3A_596, %add3A_828 : vector<16xi32>
        tpu.vector_store_idx %arg9[%add3A_829], %get3A_827 masked %and3A_590 {add = true} : memref<8192xf32, #tpu.memory_space<vmem>>[vector<16xi32>], vector<16xf32>, vector<16xi1>
        %get3A_830 = arith.index_cast %rem3A_43 : i32 to index
        %get3A_831 = arith.index_cast %add3A_815 : i32 to index
        %get3A_832 = arith.constant 32 : index
        %get3A_833 = tpu.vector_load %arg8[%get3A_830, %get3A_831, %get3A_832] {strides = array<i32>} : memref<2x128x64xf32, #tpu.memory_space<vmem>>, vector<16xf32>,
        %add3A_834 = vector.broadcast %mul3A_817 : i32 to vector<16xi32>
        %add3A_835 = arith.addi %min3A_612, %add3A_834 : vector<16xi32>
        tpu.vector_store_idx %arg9[%add3A_835], %get3A_833 masked %and3A_606 {add = true} : memref<8192xf32, #tpu.memory_space<vmem>>[vector<16xi32>], vector<16xf32>, vector<16xi1>
        %get3A_836 = arith.index_cast %rem3A_43 : i32 to index
        %get3A_837 = arith.index_cast %add3A_815 : i32 to index
        %get3A_838 = arith.constant 48 : index
        %get3A_839 = tpu.vector_load %arg8[%get3A_836, %get3A_837, %get3A_838] {strides = array<i32>} : memref<2x128x64xf32, #tpu.memory_space<vmem>>, vector<16xf32>,
        %add3A_840 = vector.broadcast %mul3A_817 : i32 to vector<16xi32>
        %add3A_841 = arith.addi %min3A_628, %add3A_840 : vector<16xi32>
        tpu.vector_store_idx %arg9[%add3A_841], %get3A_839 masked %and3A_622 {add = true} : memref<8192xf32, #tpu.memory_space<vmem>>[vector<16xi32>], vector<16xf32>, vector<16xi1>
      }
      %while3A_637 = arith.constant 1 : i32
      scf.for %while3A_814 = %while3A_635 to %while3A_631 step %while3A_637  : i32 {
        %add3A_815 = arith.addi %add3A_557, %while3A_814 : i32
        %mul3A_816 = arith.constant 512 : i32
        %mul3A_817 = arith.muli %while3A_814, %mul3A_816 : i32
        %get3A_818 = arith.index_cast %rem3A_43 : i32 to index
        %get3A_819 = arith.index_cast %add3A_815 : i32 to index
        %get3A_820 = arith.constant 0 : index
        %get3A_821 = tpu.vector_load %arg8[%get3A_818, %get3A_819, %get3A_820] {strides = array<i32>} : memref<2x128x64xf32, #tpu.memory_space<vmem>>, vector<16xf32>,
        %add3A_822 = vector.broadcast %mul3A_817 : i32 to vector<16xi32>
        %add3A_823 = arith.addi %min3A_580, %add3A_822 : vector<16xi32>
        tpu.vector_store_idx %arg9[%add3A_823], %get3A_821 masked %and3A_574 {add = true} : memref<8192xf32, #tpu.memory_space<vmem>>[vector<16xi32>], vector<16xf32>, vector<16xi1>
        %get3A_824 = arith.index_cast %rem3A_43 : i32 to index
        %get3A_825 = arith.index_cast %add3A_815 : i32 to index
        %get3A_826 = arith.constant 16 : index
        %get3A_827 = tpu.vector_load %arg8[%get3A_824, %get3A_825, %get3A_826] {strides = array<i32>} : memref<2x128x64xf32, #tpu.memory_space<vmem>>, vector<16xf32>,
        %add3A_828 = vector.broadcast %mul3A_817 : i32 to vector<16xi32>
        %add3A_829 = arith.addi %min3A_596, %add3A_828 : vector<16xi32>
        tpu.vector_store_idx %arg9[%add3A_829], %get3A_827 masked %and3A_590 {add = true} : memref<8192xf32, #tpu.memory_space<vmem>>[vector<16xi32>], vector<16xf32>, vector<16xi1>
        %get3A_830 = arith.index_cast %rem3A_43 : i32 to index
        %get3A_831 = arith.index_cast %add3A_815 : i32 to index
        %get3A_832 = arith.constant 32 : index
        %get3A_833 = tpu.vector_load %arg8[%get3A_830, %get3A_831, %get3A_832] {strides = array<i32>} : memref<2x128x64xf32, #tpu.memory_space<vmem>>, vector<16xf32>,
        %add3A_834 = vector.broadcast %mul3A_817 : i32 to vector<16xi32>
        %add3A_835 = arith.addi %min3A_612, %add3A_834 : vector<16xi32>
        tpu.vector_store_idx %arg9[%add3A_835], %get3A_833 masked %and3A_606 {add = true} : memref<8192xf32, #tpu.memory_space<vmem>>[vector<16xi32>], vector<16xf32>, vector<16xi1>
        %get3A_836 = arith.index_cast %rem3A_43 : i32 to index
        %get3A_837 = arith.index_cast %add3A_815 : i32 to index
        %get3A_838 = arith.constant 48 : index
        %get3A_839 = tpu.vector_load %arg8[%get3A_836, %get3A_837, %get3A_838] {strides = array<i32>} : memref<2x128x64xf32, #tpu.memory_space<vmem>>, vector<16xf32>,
        %add3A_840 = vector.broadcast %mul3A_817 : i32 to vector<16xi32>
        %add3A_841 = arith.addi %min3A_628, %add3A_840 : vector<16xi32>
        tpu.vector_store_idx %arg9[%add3A_841], %get3A_839 masked %and3A_622 {add = true} : memref<8192xf32, #tpu.memory_space<vmem>>[vector<16xi32>], vector<16xf32>, vector<16xi1>
      }
      %slice3A_638 = vector.extract_strided_slice %max3A_74 {offsets = [6], sizes = [1], strides = [1]} : vector<16xi32> to vector<1xi32>
      %squeeze3A_639 = vector.extract %slice3A_638[0] : i32 from vector<1xi32>
      %slice3A_640 = vector.extract_strided_slice %min3A_81 {offsets = [6], sizes = [1], strides = [1]} : vector<16xi32> to vector<1xi32>
      %squeeze3A_641 = vector.extract %slice3A_640[0] : i32 from vector<1xi32>
      %slice3A_642 = vector.extract_strided_slice %sub3A_98 {offsets = [6], sizes = [1], strides = [1]} : vector<16xi32> to vector<1xi32>
      %squeeze3A_643 = vector.extract %slice3A_642[0] : i32 from vector<1xi32>
      %add3A_644 = arith.constant 96 : i32
      %add3A_645 = arith.addi %squeeze3A_643, %add3A_644 : i32
      %slice3A_646 = vector.extract_strided_slice %gather3A_68 {offsets = [6], sizes = [1], strides = [1]} : vector<16xi32> to vector<1xi32>
      %squeeze3A_647 = vector.extract %slice3A_646[0] : i32 from vector<1xi32>
      %min3A_648 = arith.minsi %squeeze3A_639, %squeeze3A_641 : i32
      %sub3A_649 = arith.constant 32 : i32
      %sub3A_650 = arith.subi %squeeze3A_647, %sub3A_649 : i32
      %add3A_651 = vector.broadcast %sub3A_650 : i32 to vector<16xi32>
      %add3A_652 = arith.addi %add3A_651, %iota3A : vector<16xi32>
      %add3A_653 = arith.constant 0 : i32
      %add3A_654 = vector.broadcast %add3A_653 : i32 to vector<16xi32>
      %add3A_655 = arith.addi %add3A_652, %add3A_654 : vector<16xi32>
      %ge3A_656 = arith.constant 0 : i32
      %ge3A_657 = vector.broadcast %ge3A_656 : i32 to vector<16xi32>
      %ge3A_658 = arith.cmpi sge, %add3A_655, %ge3A_657 : vector<16xi32>
      %lt3A_659 = arith.constant 512 : i32
      %lt3A_660 = vector.broadcast %lt3A_659 : i32 to vector<16xi32>
      %lt3A_661 = arith.cmpi slt, %add3A_655, %lt3A_660 : vector<16xi32>
      %and3A_662 = arith.andi %ge3A_658, %lt3A_661 : vector<16xi1>
      %jit3A_663 = arith.constant 0 : i32
      %jit3A_664 = arith.constant 511 : i32
      %max3A_665 = vector.broadcast %jit3A_663 : i32 to vector<16xi32>
      %max3A_666 = arith.maxsi %max3A_665, %add3A_655 : vector<16xi32>
      %min3A_667 = vector.broadcast %jit3A_664 : i32 to vector<16xi32>
      %min3A_668 = arith.minsi %min3A_667, %max3A_666 : vector<16xi32>
      %add3A_669 = arith.constant 16 : i32
      %add3A_670 = vector.broadcast %add3A_669 : i32 to vector<16xi32>
      %add3A_671 = arith.addi %add3A_652, %add3A_670 : vector<16xi32>
      %ge3A_672 = arith.constant 0 : i32
      %ge3A_673 = vector.broadcast %ge3A_672 : i32 to vector<16xi32>
      %ge3A_674 = arith.cmpi sge, %add3A_671, %ge3A_673 : vector<16xi32>
      %lt3A_675 = arith.constant 512 : i32
      %lt3A_676 = vector.broadcast %lt3A_675 : i32 to vector<16xi32>
      %lt3A_677 = arith.cmpi slt, %add3A_671, %lt3A_676 : vector<16xi32>
      %and3A_678 = arith.andi %ge3A_674, %lt3A_677 : vector<16xi1>
      %jit3A_679 = arith.constant 0 : i32
      %jit3A_680 = arith.constant 511 : i32
      %max3A_681 = vector.broadcast %jit3A_679 : i32 to vector<16xi32>
      %max3A_682 = arith.maxsi %max3A_681, %add3A_671 : vector<16xi32>
      %min3A_683 = vector.broadcast %jit3A_680 : i32 to vector<16xi32>
      %min3A_684 = arith.minsi %min3A_683, %max3A_682 : vector<16xi32>
      %add3A_685 = arith.constant 32 : i32
      %add3A_686 = vector.broadcast %add3A_685 : i32 to vector<16xi32>
      %add3A_687 = arith.addi %add3A_652, %add3A_686 : vector<16xi32>
      %ge3A_688 = arith.constant 0 : i32
      %ge3A_689 = vector.broadcast %ge3A_688 : i32 to vector<16xi32>
      %ge3A_690 = arith.cmpi sge, %add3A_687, %ge3A_689 : vector<16xi32>
      %lt3A_691 = arith.constant 512 : i32
      %lt3A_692 = vector.broadcast %lt3A_691 : i32 to vector<16xi32>
      %lt3A_693 = arith.cmpi slt, %add3A_687, %lt3A_692 : vector<16xi32>
      %and3A_694 = arith.andi %ge3A_690, %lt3A_693 : vector<16xi1>
      %jit3A_695 = arith.constant 0 : i32
      %jit3A_696 = arith.constant 511 : i32
      %max3A_697 = vector.broadcast %jit3A_695 : i32 to vector<16xi32>
      %max3A_698 = arith.maxsi %max3A_697, %add3A_687 : vector<16xi32>
      %min3A_699 = vector.broadcast %jit3A_696 : i32 to vector<16xi32>
      %min3A_700 = arith.minsi %min3A_699, %max3A_698 : vector<16xi32>
      %add3A_701 = arith.constant 48 : i32
      %add3A_702 = vector.broadcast %add3A_701 : i32 to vector<16xi32>
      %add3A_703 = arith.addi %add3A_652, %add3A_702 : vector<16xi32>
      %ge3A_704 = arith.constant 0 : i32
      %ge3A_705 = vector.broadcast %ge3A_704 : i32 to vector<16xi32>
      %ge3A_706 = arith.cmpi sge, %add3A_703, %ge3A_705 : vector<16xi32>
      %lt3A_707 = arith.constant 512 : i32
      %lt3A_708 = vector.broadcast %lt3A_707 : i32 to vector<16xi32>
      %lt3A_709 = arith.cmpi slt, %add3A_703, %lt3A_708 : vector<16xi32>
      %and3A_710 = arith.andi %ge3A_706, %lt3A_709 : vector<16xi1>
      %jit3A_711 = arith.constant 0 : i32
      %jit3A_712 = arith.constant 511 : i32
      %max3A_713 = vector.broadcast %jit3A_711 : i32 to vector<16xi32>
      %max3A_714 = arith.maxsi %max3A_713, %add3A_703 : vector<16xi32>
      %min3A_715 = vector.broadcast %jit3A_712 : i32 to vector<16xi32>
      %min3A_716 = arith.minsi %min3A_715, %max3A_714 : vector<16xi32>
      %while3A_717 = arith.constant 0 : i32
      %while3A_718 = arith.subi %squeeze3A_641, %min3A_648 : i32
      %while3A_719 = arith.addi %min3A_648, %while3A_718 : i32
      %while3A_720 = arith.constant 1 : i32
      %while3A_721 = arith.divsi %while3A_718, %while3A_720 : i32
      %while3A_722 = arith.muli %while3A_721, %while3A_720 : i32
      %while3A_723 = arith.addi %min3A_648, %while3A_722 : i32
      %while3A_724 = arith.constant 1 : i32
      scf.for %while3A_814 = %min3A_648 to %while3A_723 step %while3A_724  : i32 {
        %add3A_815 = arith.addi %add3A_645, %while3A_814 : i32
        %mul3A_816 = arith.constant 512 : i32
        %mul3A_817 = arith.muli %while3A_814, %mul3A_816 : i32
        %get3A_818 = arith.index_cast %rem3A_43 : i32 to index
        %get3A_819 = arith.index_cast %add3A_815 : i32 to index
        %get3A_820 = arith.constant 0 : index
        %get3A_821 = tpu.vector_load %arg8[%get3A_818, %get3A_819, %get3A_820] {strides = array<i32>} : memref<2x128x64xf32, #tpu.memory_space<vmem>>, vector<16xf32>,
        %add3A_822 = vector.broadcast %mul3A_817 : i32 to vector<16xi32>
        %add3A_823 = arith.addi %min3A_668, %add3A_822 : vector<16xi32>
        tpu.vector_store_idx %arg9[%add3A_823], %get3A_821 masked %and3A_662 {add = true} : memref<8192xf32, #tpu.memory_space<vmem>>[vector<16xi32>], vector<16xf32>, vector<16xi1>
        %get3A_824 = arith.index_cast %rem3A_43 : i32 to index
        %get3A_825 = arith.index_cast %add3A_815 : i32 to index
        %get3A_826 = arith.constant 16 : index
        %get3A_827 = tpu.vector_load %arg8[%get3A_824, %get3A_825, %get3A_826] {strides = array<i32>} : memref<2x128x64xf32, #tpu.memory_space<vmem>>, vector<16xf32>,
        %add3A_828 = vector.broadcast %mul3A_817 : i32 to vector<16xi32>
        %add3A_829 = arith.addi %min3A_684, %add3A_828 : vector<16xi32>
        tpu.vector_store_idx %arg9[%add3A_829], %get3A_827 masked %and3A_678 {add = true} : memref<8192xf32, #tpu.memory_space<vmem>>[vector<16xi32>], vector<16xf32>, vector<16xi1>
        %get3A_830 = arith.index_cast %rem3A_43 : i32 to index
        %get3A_831 = arith.index_cast %add3A_815 : i32 to index
        %get3A_832 = arith.constant 32 : index
        %get3A_833 = tpu.vector_load %arg8[%get3A_830, %get3A_831, %get3A_832] {strides = array<i32>} : memref<2x128x64xf32, #tpu.memory_space<vmem>>, vector<16xf32>,
        %add3A_834 = vector.broadcast %mul3A_817 : i32 to vector<16xi32>
        %add3A_835 = arith.addi %min3A_700, %add3A_834 : vector<16xi32>
        tpu.vector_store_idx %arg9[%add3A_835], %get3A_833 masked %and3A_694 {add = true} : memref<8192xf32, #tpu.memory_space<vmem>>[vector<16xi32>], vector<16xf32>, vector<16xi1>
        %get3A_836 = arith.index_cast %rem3A_43 : i32 to index
        %get3A_837 = arith.index_cast %add3A_815 : i32 to index
        %get3A_838 = arith.constant 48 : index
        %get3A_839 = tpu.vector_load %arg8[%get3A_836, %get3A_837, %get3A_838] {strides = array<i32>} : memref<2x128x64xf32, #tpu.memory_space<vmem>>, vector<16xf32>,
        %add3A_840 = vector.broadcast %mul3A_817 : i32 to vector<16xi32>
        %add3A_841 = arith.addi %min3A_716, %add3A_840 : vector<16xi32>
        tpu.vector_store_idx %arg9[%add3A_841], %get3A_839 masked %and3A_710 {add = true} : memref<8192xf32, #tpu.memory_space<vmem>>[vector<16xi32>], vector<16xf32>, vector<16xi1>
      }
      %while3A_725 = arith.constant 1 : i32
      scf.for %while3A_814 = %while3A_723 to %while3A_719 step %while3A_725  : i32 {
        %add3A_815 = arith.addi %add3A_645, %while3A_814 : i32
        %mul3A_816 = arith.constant 512 : i32
        %mul3A_817 = arith.muli %while3A_814, %mul3A_816 : i32
        %get3A_818 = arith.index_cast %rem3A_43 : i32 to index
        %get3A_819 = arith.index_cast %add3A_815 : i32 to index
        %get3A_820 = arith.constant 0 : index
        %get3A_821 = tpu.vector_load %arg8[%get3A_818, %get3A_819, %get3A_820] {strides = array<i32>} : memref<2x128x64xf32, #tpu.memory_space<vmem>>, vector<16xf32>,
        %add3A_822 = vector.broadcast %mul3A_817 : i32 to vector<16xi32>
        %add3A_823 = arith.addi %min3A_668, %add3A_822 : vector<16xi32>
        tpu.vector_store_idx %arg9[%add3A_823], %get3A_821 masked %and3A_662 {add = true} : memref<8192xf32, #tpu.memory_space<vmem>>[vector<16xi32>], vector<16xf32>, vector<16xi1>
        %get3A_824 = arith.index_cast %rem3A_43 : i32 to index
        %get3A_825 = arith.index_cast %add3A_815 : i32 to index
        %get3A_826 = arith.constant 16 : index
        %get3A_827 = tpu.vector_load %arg8[%get3A_824, %get3A_825, %get3A_826] {strides = array<i32>} : memref<2x128x64xf32, #tpu.memory_space<vmem>>, vector<16xf32>,
        %add3A_828 = vector.broadcast %mul3A_817 : i32 to vector<16xi32>
        %add3A_829 = arith.addi %min3A_684, %add3A_828 : vector<16xi32>
        tpu.vector_store_idx %arg9[%add3A_829], %get3A_827 masked %and3A_678 {add = true} : memref<8192xf32, #tpu.memory_space<vmem>>[vector<16xi32>], vector<16xf32>, vector<16xi1>
        %get3A_830 = arith.index_cast %rem3A_43 : i32 to index
        %get3A_831 = arith.index_cast %add3A_815 : i32 to index
        %get3A_832 = arith.constant 32 : index
        %get3A_833 = tpu.vector_load %arg8[%get3A_830, %get3A_831, %get3A_832] {strides = array<i32>} : memref<2x128x64xf32, #tpu.memory_space<vmem>>, vector<16xf32>,
        %add3A_834 = vector.broadcast %mul3A_817 : i32 to vector<16xi32>
        %add3A_835 = arith.addi %min3A_700, %add3A_834 : vector<16xi32>
        tpu.vector_store_idx %arg9[%add3A_835], %get3A_833 masked %and3A_694 {add = true} : memref<8192xf32, #tpu.memory_space<vmem>>[vector<16xi32>], vector<16xf32>, vector<16xi1>
        %get3A_836 = arith.index_cast %rem3A_43 : i32 to index
        %get3A_837 = arith.index_cast %add3A_815 : i32 to index
        %get3A_838 = arith.constant 48 : index
        %get3A_839 = tpu.vector_load %arg8[%get3A_836, %get3A_837, %get3A_838] {strides = array<i32>} : memref<2x128x64xf32, #tpu.memory_space<vmem>>, vector<16xf32>,
        %add3A_840 = vector.broadcast %mul3A_817 : i32 to vector<16xi32>
        %add3A_841 = arith.addi %min3A_716, %add3A_840 : vector<16xi32>
        tpu.vector_store_idx %arg9[%add3A_841], %get3A_839 masked %and3A_710 {add = true} : memref<8192xf32, #tpu.memory_space<vmem>>[vector<16xi32>], vector<16xf32>, vector<16xi1>
      }
      %slice3A_726 = vector.extract_strided_slice %max3A_74 {offsets = [7], sizes = [1], strides = [1]} : vector<16xi32> to vector<1xi32>
      %squeeze3A_727 = vector.extract %slice3A_726[0] : i32 from vector<1xi32>
      %slice3A_728 = vector.extract_strided_slice %min3A_81 {offsets = [7], sizes = [1], strides = [1]} : vector<16xi32> to vector<1xi32>
      %squeeze3A_729 = vector.extract %slice3A_728[0] : i32 from vector<1xi32>
      %slice3A_730 = vector.extract_strided_slice %sub3A_98 {offsets = [7], sizes = [1], strides = [1]} : vector<16xi32> to vector<1xi32>
      %squeeze3A_731 = vector.extract %slice3A_730[0] : i32 from vector<1xi32>
      %add3A_732 = arith.constant 112 : i32
      %add3A_733 = arith.addi %squeeze3A_731, %add3A_732 : i32
      %slice3A_734 = vector.extract_strided_slice %gather3A_68 {offsets = [7], sizes = [1], strides = [1]} : vector<16xi32> to vector<1xi32>
      %squeeze3A_735 = vector.extract %slice3A_734[0] : i32 from vector<1xi32>
      %min3A_736 = arith.minsi %squeeze3A_727, %squeeze3A_729 : i32
      %sub3A_737 = arith.constant 32 : i32
      %sub3A_738 = arith.subi %squeeze3A_735, %sub3A_737 : i32
      %add3A_739 = vector.broadcast %sub3A_738 : i32 to vector<16xi32>
      %add3A_740 = arith.addi %add3A_739, %iota3A : vector<16xi32>
      %add3A_741 = arith.constant 0 : i32
      %add3A_742 = vector.broadcast %add3A_741 : i32 to vector<16xi32>
      %add3A_743 = arith.addi %add3A_740, %add3A_742 : vector<16xi32>
      %ge3A_744 = arith.constant 0 : i32
      %ge3A_745 = vector.broadcast %ge3A_744 : i32 to vector<16xi32>
      %ge3A_746 = arith.cmpi sge, %add3A_743, %ge3A_745 : vector<16xi32>
      %lt3A_747 = arith.constant 512 : i32
      %lt3A_748 = vector.broadcast %lt3A_747 : i32 to vector<16xi32>
      %lt3A_749 = arith.cmpi slt, %add3A_743, %lt3A_748 : vector<16xi32>
      %and3A_750 = arith.andi %ge3A_746, %lt3A_749 : vector<16xi1>
      %jit3A_751 = arith.constant 0 : i32
      %jit3A_752 = arith.constant 511 : i32
      %max3A_753 = vector.broadcast %jit3A_751 : i32 to vector<16xi32>
      %max3A_754 = arith.maxsi %max3A_753, %add3A_743 : vector<16xi32>
      %min3A_755 = vector.broadcast %jit3A_752 : i32 to vector<16xi32>
      %min3A_756 = arith.minsi %min3A_755, %max3A_754 : vector<16xi32>
      %add3A_757 = arith.constant 16 : i32
      %add3A_758 = vector.broadcast %add3A_757 : i32 to vector<16xi32>
      %add3A_759 = arith.addi %add3A_740, %add3A_758 : vector<16xi32>
      %ge3A_760 = arith.constant 0 : i32
      %ge3A_761 = vector.broadcast %ge3A_760 : i32 to vector<16xi32>
      %ge3A_762 = arith.cmpi sge, %add3A_759, %ge3A_761 : vector<16xi32>
      %lt3A_763 = arith.constant 512 : i32
      %lt3A_764 = vector.broadcast %lt3A_763 : i32 to vector<16xi32>
      %lt3A_765 = arith.cmpi slt, %add3A_759, %lt3A_764 : vector<16xi32>
      %and3A_766 = arith.andi %ge3A_762, %lt3A_765 : vector<16xi1>
      %jit3A_767 = arith.constant 0 : i32
      %jit3A_768 = arith.constant 511 : i32
      %max3A_769 = vector.broadcast %jit3A_767 : i32 to vector<16xi32>
      %max3A_770 = arith.maxsi %max3A_769, %add3A_759 : vector<16xi32>
      %min3A_771 = vector.broadcast %jit3A_768 : i32 to vector<16xi32>
      %min3A_772 = arith.minsi %min3A_771, %max3A_770 : vector<16xi32>
      %add3A_773 = arith.constant 32 : i32
      %add3A_774 = vector.broadcast %add3A_773 : i32 to vector<16xi32>
      %add3A_775 = arith.addi %add3A_740, %add3A_774 : vector<16xi32>
      %ge3A_776 = arith.constant 0 : i32
      %ge3A_777 = vector.broadcast %ge3A_776 : i32 to vector<16xi32>
      %ge3A_778 = arith.cmpi sge, %add3A_775, %ge3A_777 : vector<16xi32>
      %lt3A_779 = arith.constant 512 : i32
      %lt3A_780 = vector.broadcast %lt3A_779 : i32 to vector<16xi32>
      %lt3A_781 = arith.cmpi slt, %add3A_775, %lt3A_780 : vector<16xi32>
      %and3A_782 = arith.andi %ge3A_778, %lt3A_781 : vector<16xi1>
      %jit3A_783 = arith.constant 0 : i32
      %jit3A_784 = arith.constant 511 : i32
      %max3A_785 = vector.broadcast %jit3A_783 : i32 to vector<16xi32>
      %max3A_786 = arith.maxsi %max3A_785, %add3A_775 : vector<16xi32>
      %min3A_787 = vector.broadcast %jit3A_784 : i32 to vector<16xi32>
      %min3A_788 = arith.minsi %min3A_787, %max3A_786 : vector<16xi32>
      %add3A_789 = arith.constant 48 : i32
      %add3A_790 = vector.broadcast %add3A_789 : i32 to vector<16xi32>
      %add3A_791 = arith.addi %add3A_740, %add3A_790 : vector<16xi32>
      %ge3A_792 = arith.constant 0 : i32
      %ge3A_793 = vector.broadcast %ge3A_792 : i32 to vector<16xi32>
      %ge3A_794 = arith.cmpi sge, %add3A_791, %ge3A_793 : vector<16xi32>
      %lt3A_795 = arith.constant 512 : i32
      %lt3A_796 = vector.broadcast %lt3A_795 : i32 to vector<16xi32>
      %lt3A_797 = arith.cmpi slt, %add3A_791, %lt3A_796 : vector<16xi32>
      %and3A_798 = arith.andi %ge3A_794, %lt3A_797 : vector<16xi1>
      %jit3A_799 = arith.constant 0 : i32
      %jit3A_800 = arith.constant 511 : i32
      %max3A_801 = vector.broadcast %jit3A_799 : i32 to vector<16xi32>
      %max3A_802 = arith.maxsi %max3A_801, %add3A_791 : vector<16xi32>
      %min3A_803 = vector.broadcast %jit3A_800 : i32 to vector<16xi32>
      %min3A_804 = arith.minsi %min3A_803, %max3A_802 : vector<16xi32>
      %while3A_805 = arith.constant 0 : i32
      %while3A_806 = arith.subi %squeeze3A_729, %min3A_736 : i32
      %while3A_807 = arith.addi %min3A_736, %while3A_806 : i32
      %while3A_808 = arith.constant 1 : i32
      %while3A_809 = arith.divsi %while3A_806, %while3A_808 : i32
      %while3A_810 = arith.muli %while3A_809, %while3A_808 : i32
      %while3A_811 = arith.addi %min3A_736, %while3A_810 : i32
      %while3A_812 = arith.constant 1 : i32
      scf.for %while3A_814 = %min3A_736 to %while3A_811 step %while3A_812  : i32 {
        %add3A_815 = arith.addi %add3A_733, %while3A_814 : i32
        %mul3A_816 = arith.constant 512 : i32
        %mul3A_817 = arith.muli %while3A_814, %mul3A_816 : i32
        %get3A_818 = arith.index_cast %rem3A_43 : i32 to index
        %get3A_819 = arith.index_cast %add3A_815 : i32 to index
        %get3A_820 = arith.constant 0 : index
        %get3A_821 = tpu.vector_load %arg8[%get3A_818, %get3A_819, %get3A_820] {strides = array<i32>} : memref<2x128x64xf32, #tpu.memory_space<vmem>>, vector<16xf32>,
        %add3A_822 = vector.broadcast %mul3A_817 : i32 to vector<16xi32>
        %add3A_823 = arith.addi %min3A_756, %add3A_822 : vector<16xi32>
        tpu.vector_store_idx %arg9[%add3A_823], %get3A_821 masked %and3A_750 {add = true} : memref<8192xf32, #tpu.memory_space<vmem>>[vector<16xi32>], vector<16xf32>, vector<16xi1>
        %get3A_824 = arith.index_cast %rem3A_43 : i32 to index
        %get3A_825 = arith.index_cast %add3A_815 : i32 to index
        %get3A_826 = arith.constant 16 : index
        %get3A_827 = tpu.vector_load %arg8[%get3A_824, %get3A_825, %get3A_826] {strides = array<i32>} : memref<2x128x64xf32, #tpu.memory_space<vmem>>, vector<16xf32>,
        %add3A_828 = vector.broadcast %mul3A_817 : i32 to vector<16xi32>
        %add3A_829 = arith.addi %min3A_772, %add3A_828 : vector<16xi32>
        tpu.vector_store_idx %arg9[%add3A_829], %get3A_827 masked %and3A_766 {add = true} : memref<8192xf32, #tpu.memory_space<vmem>>[vector<16xi32>], vector<16xf32>, vector<16xi1>
        %get3A_830 = arith.index_cast %rem3A_43 : i32 to index
        %get3A_831 = arith.index_cast %add3A_815 : i32 to index
        %get3A_832 = arith.constant 32 : index
        %get3A_833 = tpu.vector_load %arg8[%get3A_830, %get3A_831, %get3A_832] {strides = array<i32>} : memref<2x128x64xf32, #tpu.memory_space<vmem>>, vector<16xf32>,
        %add3A_834 = vector.broadcast %mul3A_817 : i32 to vector<16xi32>
        %add3A_835 = arith.addi %min3A_788, %add3A_834 : vector<16xi32>
        tpu.vector_store_idx %arg9[%add3A_835], %get3A_833 masked %and3A_782 {add = true} : memref<8192xf32, #tpu.memory_space<vmem>>[vector<16xi32>], vector<16xf32>, vector<16xi1>
        %get3A_836 = arith.index_cast %rem3A_43 : i32 to index
        %get3A_837 = arith.index_cast %add3A_815 : i32 to index
        %get3A_838 = arith.constant 48 : index
        %get3A_839 = tpu.vector_load %arg8[%get3A_836, %get3A_837, %get3A_838] {strides = array<i32>} : memref<2x128x64xf32, #tpu.memory_space<vmem>>, vector<16xf32>,
        %add3A_840 = vector.broadcast %mul3A_817 : i32 to vector<16xi32>
        %add3A_841 = arith.addi %min3A_804, %add3A_840 : vector<16xi32>
        tpu.vector_store_idx %arg9[%add3A_841], %get3A_839 masked %and3A_798 {add = true} : memref<8192xf32, #tpu.memory_space<vmem>>[vector<16xi32>], vector<16xf32>, vector<16xi1>
      }
      %while3A_813 = arith.constant 1 : i32
      scf.for %while3A_814 = %while3A_811 to %while3A_807 step %while3A_813  : i32 {
        %add3A_815 = arith.addi %add3A_733, %while3A_814 : i32
        %mul3A_816 = arith.constant 512 : i32
        %mul3A_817 = arith.muli %while3A_814, %mul3A_816 : i32
        %get3A_818 = arith.index_cast %rem3A_43 : i32 to index
        %get3A_819 = arith.index_cast %add3A_815 : i32 to index
        %get3A_820 = arith.constant 0 : index
        %get3A_821 = tpu.vector_load %arg8[%get3A_818, %get3A_819, %get3A_820] {strides = array<i32>} : memref<2x128x64xf32, #tpu.memory_space<vmem>>, vector<16xf32>,
        %add3A_822 = vector.broadcast %mul3A_817 : i32 to vector<16xi32>
        %add3A_823 = arith.addi %min3A_756, %add3A_822 : vector<16xi32>
        tpu.vector_store_idx %arg9[%add3A_823], %get3A_821 masked %and3A_750 {add = true} : memref<8192xf32, #tpu.memory_space<vmem>>[vector<16xi32>], vector<16xf32>, vector<16xi1>
        %get3A_824 = arith.index_cast %rem3A_43 : i32 to index
        %get3A_825 = arith.index_cast %add3A_815 : i32 to index
        %get3A_826 = arith.constant 16 : index
        %get3A_827 = tpu.vector_load %arg8[%get3A_824, %get3A_825, %get3A_826] {strides = array<i32>} : memref<2x128x64xf32, #tpu.memory_space<vmem>>, vector<16xf32>,
        %add3A_828 = vector.broadcast %mul3A_817 : i32 to vector<16xi32>
        %add3A_829 = arith.addi %min3A_772, %add3A_828 : vector<16xi32>
        tpu.vector_store_idx %arg9[%add3A_829], %get3A_827 masked %and3A_766 {add = true} : memref<8192xf32, #tpu.memory_space<vmem>>[vector<16xi32>], vector<16xf32>, vector<16xi1>
        %get3A_830 = arith.index_cast %rem3A_43 : i32 to index
        %get3A_831 = arith.index_cast %add3A_815 : i32 to index
        %get3A_832 = arith.constant 32 : index
        %get3A_833 = tpu.vector_load %arg8[%get3A_830, %get3A_831, %get3A_832] {strides = array<i32>} : memref<2x128x64xf32, #tpu.memory_space<vmem>>, vector<16xf32>,
        %add3A_834 = vector.broadcast %mul3A_817 : i32 to vector<16xi32>
        %add3A_835 = arith.addi %min3A_788, %add3A_834 : vector<16xi32>
        tpu.vector_store_idx %arg9[%add3A_835], %get3A_833 masked %and3A_782 {add = true} : memref<8192xf32, #tpu.memory_space<vmem>>[vector<16xi32>], vector<16xf32>, vector<16xi1>
        %get3A_836 = arith.index_cast %rem3A_43 : i32 to index
        %get3A_837 = arith.index_cast %add3A_815 : i32 to index
        %get3A_838 = arith.constant 48 : index
        %get3A_839 = tpu.vector_load %arg8[%get3A_836, %get3A_837, %get3A_838] {strides = array<i32>} : memref<2x128x64xf32, #tpu.memory_space<vmem>>, vector<16xf32>,
        %add3A_840 = vector.broadcast %mul3A_817 : i32 to vector<16xi32>
        %add3A_841 = arith.addi %min3A_804, %add3A_840 : vector<16xi32>
        tpu.vector_store_idx %arg9[%add3A_841], %get3A_839 masked %and3A_798 {add = true} : memref<8192xf32, #tpu.memory_space<vmem>>[vector<16xi32>], vector<16xf32>, vector<16xi1>
      }
    }
    %mul3A_40 = arith.constant 512 : i32
    %mul3A_41 = arith.muli %mul3A_2, %mul3A_40 : i32
    "tpu.region"() ({
      %run_scoped3A = tpu.sem_alloc : memref<!tpu.dma_semaphore, #tpu.memory_space<semaphore_mem>>
      %dma_start3A = tpu.memref_slice %arg4[%mul3A_41] : memref<262144xf32, #tpu.memory_space<hbm>> -> memref<8192xf32, #tpu.memory_space<hbm>>
      %dma_start3A_42 = tpu.memref_slice %arg4[%mul3A_41] : memref<262144xf32, #tpu.memory_space<hbm>> -> memref<8192xf32, #tpu.memory_space<hbm>>
      tpu.enqueue_dma source(%arg9 : memref<8192xf32, #tpu.memory_space<vmem>>) target(%dma_start3A_42 : memref<8192xf32, #tpu.memory_space<hbm>>) target_semaphore(%run_scoped3A : memref<!tpu.dma_semaphore, #tpu.memory_space<semaphore_mem>>)
      %dma_wait3A = tpu.memref_slice %arg4[%mul3A_41] : memref<262144xf32, #tpu.memory_space<hbm>> -> memref<8192xf32, #tpu.memory_space<hbm>>
      %dma_wait3A_43 = tpu.memref_slice %arg4[%mul3A_41] : memref<262144xf32, #tpu.memory_space<hbm>> -> memref<8192xf32, #tpu.memory_space<hbm>>
      tpu.wait_dma2 semaphore(%run_scoped3A : memref<!tpu.dma_semaphore, #tpu.memory_space<semaphore_mem>>) src(%arg9 : memref<8192xf32, #tpu.memory_space<vmem>>) dst(%dma_wait3A_43 : memref<8192xf32, #tpu.memory_space<hbm>>)
      tpu.yield
    }) : () -> ()
    return
  }
}

</mosaic_0001>

<sc_bundles>
// kernel: kernel.3.cloned.1.call-start
scs
__scs_entry_jumppad:
0x0: {  	(pc) =	sbr.rel $0x88, $3  }
0x1: {  	(tag) =	ssettag $0x0;
	lr =	simm.s32 $0x1  }
0x2: {  	[smem:$0x3F9F] =	sst lr;
	_ =	strace $0xD0000000  }
0x3: {  	_ = 	snop  }
0x4: {  	_ = 	snop  }
0x5: {  	_ = 	snop  }
0x6: {  	_ = 	snop  }
0x7: {  	_ = 	snop  }
__scs_overlays_trampoline_lowered:
0x8: {  	[smem:$0x3FAE] =	sst s0  }
0x9: {  	[smem:$0x3FAF] =	sst s1  }
0xa: {  	[smem:$0x3FB0] =	sst s2  }
0xb: {  	[smem:$0x3FB1] =	sst s3  }
0xc: {  	[smem:$0x3FB2] =	sst s4  }
0xd: {  	[smem:$0x3FB3] =	sst s5  }
0xe: {  	[smem:$0x3FB4] =	sst s6  }
0xf: {  	[smem:$0x3FB5] =	sst s7  }
0x10: {  	[smem:$0x3FB6] =	sst s8  }
0x11: {  	[smem:$0x3FB7] =	sst s9;
	s0 =	simm.s32 @!p0 $0x0  }
0x12: {  	s1 =	sld [smem:$0x3F9D];
	s0 =	simm.s32 @p0 $0x1  }
0x13: {  	[smem:$0x3FB8] =	sst s0;
	s0 =	simm.s32 @!p1 $0x0  }
0x14: {  	s2 =	sld [smem:$0x3F9C];
	s0 =	simm.s32 @p1 $0x1  }
0x15: {  	[smem:$0x3FB9] =	sst s0;
	s0 =	simm.s32 @!p2 $0x0  }
0x16: {  	s3 =	sld [smem:$0x3FDB];
	s0 =	simm.s32 @p2 $0x1  }
0x17: {  	s4 =	simm.s32 $0x1BF5;
	[smem:$0x3FBB] =	sst s0  }
0x18: {  	s0 =	sld [smem:$0x3F9E];
	_ =	swait.ge [sflag:s4], $0x0  }
0x19: {  	s7 =	sld [smem:$0x3F9F]  }
0x1a: {  	s8 =	sadd.s32 $0xFFFFE003, lr  }
0x1b: {  	s9 =	sadd.s32 $0xFFFFFEF7, lr;
	s5 =	simm.s32 $0xFFFFFFFF;
	p2 =	slt.u32 s8, $0xFFFFF086  }
0x1c: {  	p1 =	slt.u32 s9, $0xF7A;
	s5 =	simm.s32 @!p2 $0x0  }
0x1d: {  	s5 =	simm.s32 @p1 $0x1;
	p0 =	seq.s32 s7, s2  }
0x1e: {  	s7 =	smul.u32 @!p0 $0xF7A, s2;
	p2 =	seq.s32 @!p0 s5, $0x0  }
0x1f: {  	s9 =	smul.u32 $0xF7A, s1;
	s8 =	simm.s32 @!p0 $0x1BF5;
	p2 =	por !p2, p0  }
0x20: {  	[sflag:s8] =	ssyncset.s32 @!p0 $0xFFFFF086;
	s6 =	sadd.s32 @!p0 s3, s7;
	s7 =	simm.s32 @!p0 $0x108  }
0x21: {  	s3 =	sadd.s32 s3, s9;
	s6 =	sadd.s32 @!p0 $0x88, s6;
	s7 =	simm.s32 @p2 $0x1082  }
0x22: {  	[simem:s7], [sflag:s8] =	dma.local @!p0 [hbm:s6], $0xF7A  }
0x23: {  	s9 =	sor.u32 $0xD0000000, s2;
	s6 =	simm.s32 $0x108;
	_ =	swait.ge @!p0 [sflag:s8], $0x0  }
0x24: {  	s3 =	sadd.s32 $0x88, s3;
	s6 =	simm.s32 @!p1 $0x1082;
	[sflag:s4] =	ssyncset.s32 $0xFFFFF086  }
0x25: {  	[simem:s6], [sflag:s4] =	dma.local [hbm:s3], $0xF7A  }
0x26: {  	[smem:$0x3F9F] =	sst s1;
	(tag) =	ssettag s2;
	_ =	strace s9  }
0x27: {  	s1 =	sld [smem:$0x3FAF]  }
0x28: {  	s2 =	sld [smem:$0x3FB0]  }
0x29: {  	s4 =	sld [smem:$0x3FB2]  }
0x2a: {  	p0 =	seq.s32 s5, $0x0;
	s5 =	sld [smem:$0x3FB3]  }
0x2b: {  	s6 =	sld [smem:$0x3FB4]  }
0x2c: {  	s7 =	sld [smem:$0x3FB5]  }
0x2d: {  	s3 =	simm.s32 $0x108;
	s8 =	sld [smem:$0x3FB6]  }
0x2e: {  	s3 =	simm.s32 @!p0 $0x1082;
	s9 =	sld [smem:$0x3FB7]  }
0x2f: {  	lr =	sadd.s32 s0, s3;
	s0 =	sld [smem:$0x3FAE]  }
0x30: {  	s3 =	sld [smem:$0x3FB1]  }
0x31: {  	[smem:$0x3FBA] =	sst s10  }
0x32: {  	s10 =	sld [smem:$0x3FB8];
	_ =	sdelay $0x3  }
0x33: {  	p0 =	seq.s32 s10, $0x1;
	s10 =	sld [smem:$0x3FBA];
	_ =	sdelay $0x3  }
0x34: {  	[smem:$0x3FBA] =	sst s10  }
0x35: {  	s10 =	sld [smem:$0x3FB9];
	_ =	sdelay $0x3  }
0x36: {  	p1 =	seq.s32 s10, $0x1;
	s10 =	sld [smem:$0x3FBA];
	_ =	sdelay $0x3  }
0x37: {  	[smem:$0x3FBA] =	sst s10  }
0x38: {  	s10 =	sld [smem:$0x3FBB]  }
0x39: {  	_ = 	snop;
	(pc) =	sbr.ind lr, $3  }
0x3a: {  	_ = 	snop  }
0x3b: {  	_ = 	snop  }
0x3c: {  	p2 =	seq.s32 s10, $0x1;
	s10 =	sld [smem:$0x3FBA]  }
0x3d: {  	_ =	shalt  }
0x3e: {  	_ =	shalt  }
0x3f: {  	_ =	shalt  }
0x40: {  	_ =	shalt  }
0x41: {  	_ =	shalt  }
0x42: {  	_ =	shalt  }
0x43: {  	_ =	shalt  }
0x44: {  	_ =	shalt  }
0x45: {  	_ =	shalt  }
0x46: {  	_ =	shalt  }
0x47: {  	_ =	shalt  }
0x48: {  	_ =	shalt  }
0x49: {  	_ =	shalt  }
0x4a: {  	_ =	shalt  }
0x4b: {  	_ =	shalt  }
0x4c: {  	_ =	shalt  }
0x4d: {  	_ =	shalt  }
0x4e: {  	_ =	shalt  }
0x4f: {  	_ =	shalt  }
0x50: {  	_ =	shalt  }
0x51: {  	_ =	shalt  }
0x52: {  	_ =	shalt  }
0x53: {  	_ =	shalt  }
0x54: {  	_ =	shalt  }
0x55: {  	_ =	shalt  }
0x56: {  	_ =	shalt  }
0x57: {  	_ =	shalt  }
0x58: {  	_ =	shalt  }
0x59: {  	_ =	shalt  }
0x5a: {  	_ =	shalt  }
0x5b: {  	_ =	shalt  }
0x5c: {  	_ =	shalt  }
0x5d: {  	_ =	shalt  }
0x5e: {  	_ =	shalt  }
0x5f: {  	_ =	shalt  }
0x60: {  	_ =	shalt  }
0x61: {  	_ =	shalt  }
0x62: {  	_ =	shalt  }
0x63: {  	_ =	shalt  }
0x64: {  	_ =	shalt  }
0x65: {  	_ =	shalt  }
0x66: {  	_ =	shalt  }
0x67: {  	_ =	shalt  }
0x68: {  	_ =	shalt  }
0x69: {  	_ =	shalt  }
0x6a: {  	_ =	shalt  }
0x6b: {  	_ =	shalt  }
0x6c: {  	_ =	shalt  }
0x6d: {  	_ =	shalt  }
0x6e: {  	_ =	shalt  }
0x6f: {  	_ =	shalt  }
0x70: {  	_ =	shalt  }
0x71: {  	_ =	shalt  }
0x72: {  	_ =	shalt  }
0x73: {  	_ =	shalt  }
0x74: {  	_ =	shalt  }
0x75: {  	_ =	shalt  }
0x76: {  	_ =	shalt  }
0x77: {  	_ =	shalt  }
0x78: {  	_ =	shalt  }
0x79: {  	_ =	shalt  }
0x7a: {  	_ =	shalt  }
0x7b: {  	_ =	shalt  }
0x7c: {  	_ =	shalt  }
0x7d: {  	_ =	shalt  }
0x7e: {  	_ =	shalt  }
0x7f: {  	_ =	shalt  }
0x80: {  	_ =	shalt  }
0x81: {  	_ =	shalt  }
0x82: {  	_ =	shalt  }
0x83: {  	_ =	shalt  }
0x84: {  	_ =	shalt  }
0x85: {  	_ =	shalt  }
0x86: {  	_ =	shalt  }
0x87: {  	_ =	shalt  }
.Lfunc_end0:
.L_simem_size_0:
called_computation_lowered:
.L_overlay_start_0:
0x88: {  	s2 =	sld [smem:$0x3FD9]  }
0x89: {  	s3 =	sld [smem:$0x3FFE];
	_ =	sdelay $0x1  }
0x8a: {  	s1 =	srdreg.scid  }
0x8b: {  	s0 =	sand.u32 $0x1, s1  }
0x8c: {  	s17 =	sshll.u32 s0, $0xA;
	s2 =	sadd.s32 s3, s2  }
0x8d: {  	s2 =	sadd.s32 s2, s17  }
0x8e: {  	[smem:$0x3FC6] =	sst s2  }
0x8f: {  	_ = 	snop  }
0x90: {  	s2 =	sld [smem:$0x3FD0];
	(tm) =	ssettm $0x1  }
0x91: {  	s18 =	sld [smem:$0x3FFB];
	_ =	sdelay $0x3  }
0x92: {  	_ =	strace s18  }
0x93: {  	s3 =	sld [smem:$0x3FFC];
	_ =	sdelay $0x3  }
0x94: {  	_ =	strace s3  }
0x95: {  	s3 =	sld [smem:$0x3FFD];
	_ =	sdelay $0x3  }
0x96: {  	_ =	strace s3  }
0x97: {  	_ =	strace $0x8FFFFFFF  }
0x98: {  	s19 =	sld [smem:$0x3FDB];
	_ =	sdelay $0x1  }
0x99: {  	s4 =	simm.s32 $_scs_section_size  }
0x9a: {  	s5 =	simm.s32 $_size__tile_overlayer_lowered;
	s6 =	simm.s32 $_tile_overlayer_lowered  }
0x9b: {  	s22 =	simm.s32 $0x1BFF;
	s21 =	sshll.u32 s6, $0x1;
	s3 =	sadd.s32 s4, s19  }
0x9c: {  	s7 =	simm.s32 $0x0;
	s20 =	sshll.u32 s5, $0x1;
	s5 =	sadd.s32 s21, s3  }
0x9d: {  	[timem:s7], [sflag:s22] =	dma.local [hbm:s5], s20  }
0x9e: {  	_ =	swait.ge [sflag:s22], s20  }
0x9f: {  	s4 =	ssub.s32 $0x0, s20;
	[sflag:s22] =	ssyncset.done $0x0  }
0xa0: {  	[sflag:s22] =	ssyncadd.s32 s4;
	_ =	sdelay $0x1  }
0xa1: {  	s23 =	simm.s32 $0x1B8B  }
0xa2: {  	_ =	swait.ge [sflag:s23], $0x1  }
0xa3: {  	[sflag:s23] =	ssyncset.done $0x0  }
0xa4: {  	s25 =	simm.s32 $0x1B8E;
	s24 =	sld [smem:$0x3FFE];
	[sflag:s23] =	ssyncadd.s32 $0xFFFFFFFF  }
0xa5: {  	s26 =	simm.s32 $execute0_lowered;
	[smem:$0x3FD2] =	sst s25  }
0xa6: {  	s5 =	sshll.u32 s26, $0x1;
	_ =	strace $0x80000046;
	[dreg:$0x1] =	wrdreg $0xFFFFFFFF  }
0xa7: {  	s28 =	simm.s32 $_size_execute0_lowered;
	s3 =	sadd.s32 s3, s5;
	[dreg:$0x0] =	wrdreg $0x0  }
0xa8: {  	s5 =	sshll.u32 s28, $0x1;
	[dreg:$0x2] =	wrdreg s3  }
0xa9: {  	[dreg:$0x3] =	wrdreg s5  }
0xaa: {  	[dreg:$0x4] =	wrdreg $0xC0  }
0xab: {  	_ =	task [dreg:s7], $0x5FFFF  }
0xac: {  	[dreg:$0x1] =	wrdreg $0xFFFFFFFF  }
0xad: {  	[dreg:$0x0] =	wrdreg $0x60  }
0xae: {  	[dreg:$0x2] =	wrdreg s2  }
0xaf: {  	[dreg:$0x3] =	wrdreg s24  }
0xb0: {  	[dreg:$0x4] =	wrdreg $0x9  }
0xb1: {  	_ =	task.clear_ibuf [dreg:s7], $0x5FFFF;
	_ =	strace $0x90000046  }
0xb2: {  	s29 =	simm.s32 $0x9;
	_ =	strace $0x80000048  }
0xb3: {  	_ =	swait.ge [sflag:s29], $0x1  }
0xb4: {  	[sflag:s29] =	ssyncadd.s32 $0xFFFFFFFF  }
0xb5: {  	_ =	strace $0x90000048  }
0xb6: {  	_ =	sfence  }
0xb7: {  	s30 =	sld [smem:$0x0];
	_ =	sdelay $0x2  }
0xb8: {  	s31 =	sshll.u32 s1, $0xD;
	s1 =	sshrl.u32 s1, $0x2  }
0xb9: {  	s3 =	sand.u32 $0x4000, s31;
	s1 =	sadd.s32 s1, s30  }
0xba: {  	s0 =	sor.u32 s3, s0;
	s1 =	sshll.u32 s1, $0x11  }
0xbb: {  	s0 =	sor.u32 s1, s0  }
0xbc: {  	s0 =	sadd.s32 $0x8F2B, s0  }
0xbd: {  	[sflag:s0] =	ssyncadd.remote.s32 $0x1  }
0xbe: {  	_ =	sfence.sel $0xFFFF  }
0xbf: {  	[dreg:$0x0] =	wrdreg $0xFFFFFFFF;
	(pc) =	sbr.abs _section_cstart, $3  }
0xc0: {  	[dreg:$0x1] =	wrdreg $0xFFFFFFFF  }
0xc1: {  	_ =	task.clear_ibuf [dreg:s7], $0x2FFFF;
	_ =	strace $0x9FFFFFFF  }
0xc2: {  	(tm) =	ssettm $0x7FFFFFFF  }
0xc3: {  	_ =	shalt  }
tec
execute0_lowered:
.L_overlay_start_1:
0x0: {  	(tag) =	ssettag $0x1  }
0x1: {  	s2 =	rddreg [dreg:$0x0]  }
0x2: {  	s1 =	srdreg.scid;
	s0 =	stileid.u32  }
0x3: {  	s4 =	rddreg [dreg:$0x1];
	s3 =	simm.s32 $0x0;
	s11 =	simm.s32 $0xC130  }
0x4: {  	s5 =	sand.u32 $0x1, s1;
	s6 =	sshll.u32 s0, $0x1;
	s1 =	rddreg [dreg:$0x2]  }
0x5: {  	s12 =	simm.s32 $0x0;
	[smem:$0x7FF] =	sst s3;
	s6 =	sor.u32 s5, s6  }
0x6: {  	s5 =	ssub.s32 $0x2, s5;
	_ =	strace $0x80000047;
	s7 =	sshll.u32 s6, $0x4  }
.Ltmp0:
0x7: {  	v4 =	vimm.s32 $0x0;
	vm0 =	vcmask $0x704;
	v8 =	vimm.f32 $0.0e+00;
	s6 =	sshll.u32 s6, $0xA;
	s10 =	sshrl.u32 s5, $0x1;
	(pc) =	sbr.rel .LBB2_1-.Ltmp0, $4  }
0x8: {  	v9 =	vlaneseq.u32;
	v10 =	vimm.s32 $0x2000;
	v7 =	vsel vm0, $0x800, v4;
	s8 =	sadd.s32 $0xFFFFFFE1, s7;
	s9 =	sadd.s32 $0x2F, s7;
	s6 =	sadd.s32 s6, s4  }
0x9: {  	v11 =	vor.u32 $0x10, v9;
	v12 =	vor.u32 $0x20, v9;
	v13 =	vor.u32 $0x30, v9;
	s30 =	ssub.s32 s5, s10;
	s31 =	sadd.s32 $0x20, s7;
	s4 =	sadd.s32 $0x600, s4  }
0xa: {  	v2 =	vmov s7;
	s7 =	simm.s32 $0x3;
	s10 =	simm.s32 $0x8130;
	v0 =	vmov s8;
	v1 =	vmov s9;
	s5 =	sadd.s32 $0x40600, s6  }
0xb: {  	v3 =	vadd.s32 $0x20, v2;
	v5 =	vmov s31;
	s6 =	smax.u32 s30, $0x1;
	v6 =	vsub.s32 $0xFFFFFFE0, v2;
	s8 =	simm.s32 $0x80;
	s9 =	simm.s32 $0x8030  }
.LBB2_40:
0xc: {  	s12 =	sadd.s32 $0x1, s12  }
0xd: {  	p0 =	sne.s32 s12, s6  }
.Ltmp1:
0xe: {  	_ = 	snop;
	(pc) =	sbr.rel @!p0 .LBB2_41-.Ltmp1, $4  }
0xf: {  	[hbm4b:s5+s3] =	stream.linear.scatter [tilespmem:s11], [sflag:$0x3], $0x2000, $0x38;
	[tilespmem:$0xE130] =	vst v63  }
0x10: {  	_ =	swait.ge [sflag:s7], $0x2000  }
0x11: {  	[sflag:s7] =	ssyncset.done $0x0  }
0x12: {  	[sflag:s7] =	ssyncadd.s32 $0xFFFFE000  }
.LBB2_1:
0x13: {  	[tilespmem:s3], [sflag:$0x3] =	stream.linear.gather [hbm4b:s2+s3], $0x6000, $0x38;
	[tilespmem:$0xE130] =	vst v63  }
0x14: {  	_ =	swait.ge [sflag:s7], $0x6000  }
0x15: {  	[sflag:s7] =	ssyncset.done $0x0  }
0x16: {  	[sflag:s7] =	ssyncadd.s32 $0xFFFFA000  }
0x17: {  	s13 =	simm.s32 $0x0;
	[tilespmem:$0x6000] =	vst v7  }
.LBB2_2:
0x18: {  	p0 =	sne.s32 s13, $0x7FC0  }
.Ltmp2:
0x19: {  	_ = 	snop;
	(pc) =	sbr.rel @p0 .LBB2_2-.Ltmp2, $3  }
0x1a: {  	_ =	sdelay $0x1  }
0x1b: {  	s14 =	sshra.s32 s13, $0x2  }
0x1c: {  	s13 =	sadd.s32 $0x40, s13;
	[tilespmem:s14+$0xC130] =	vst v8  }
0x1d: {  	s13 =	simm.s32 $0x0  }
0x1e: {  	v15 =	vor.u32 s13, v9  }
0x1f: {  	v14 =	vmul.u32 $0x3, v15;
	_ =	sdelay $0x1  }
0x20: {  	v14 =	vadd.s32 $0x1, v14;
	_ =	sdelay $0x4  }
0x21: {  	v16 =	vld.idx.msk [tilespmem:v14+s3+$0x0], $0xffff;
	_ =	sdelay $0x4  }
0x22: {  	vm0 =	vge.s32 v16, v0;
	vm1 =	vle.s32 v16, v1  }
0x23: {  	vm0 =	vmand vm0, vm1  }
0x24: {  	[tilespmem:s13+$0x6010] =	vst.msk vm0, v15;
	v15 =	vsel vm0, $0x1, v4  }
0x25: {  	s14 =	simm.s32 $0x10;
	(xrf0) =	vadd.scan.msk.s32 $0xffff, v15  }
0x26: {  	v14 =	vor.u32 s14, v9  }
0x27: {  	v17 =	vmul.u32 $0x3, v14;
	_ =	sdelay $0x1  }
0x28: {  	v17 =	vadd.s32 $0x1, v17;
	_ =	sdelay $0x1  }
0x29: {  	v15, _, _ =	vpop (xrf0)  }
0x2a: {  	(v2sf) =	vpush v15, $0xF;
	_ =	sdelay $0x1  }
0x2b: {  	v16 =	vld.idx.msk [tilespmem:v17+s3+$0x0], $0xffff;
	_ =	sdelay $0x4  }
0x2c: {  	vm0 =	vge.s32 v16, v0;
	vm1 =	vle.s32 v16, v1  }
0x2d: {  	vm0 =	vmand vm0, vm1  }
0x2e: {  	s31 =	simm.s32 $0x20;
	v16 =	vsel vm0, $0x1, v4  }
0x2f: {  	s14 =	simm.s32 $0x30;
	v15 =	vor.u32 s31, v9;
	(xrf0) =	vadd.scan.msk.s32 $0xffff, v16  }
.LBB2_4:
0x30: {  	p0 =	sne.s32 s14, $0x1FF0;
	v16 =	vmul.u32 $0x3, v15;
	_ =	sdelay $0x1  }
0x31: {  	v16 =	vadd.s32 $0x1, v16;
	_ =	sdelay $0x1  }
0x32: {  	s15 =	spop (v2sf)  }
0x33: {  	v17, _, _ =	vpop (xrf0);
	s13 =	sadd.s32 s13, s15  }
0x34: {  	[tilespmem:s13+$0x6010] =	vst.msk vm0, v14;
	(v2sf) =	vpush v17, $0xF;
	v14 =	vmov v15  }
0x35: {  	v15 =	vld.idx.msk [tilespmem:v16+s3+$0x0], $0xffff;
	_ =	sdelay $0x4  }
.Ltmp3:
0x36: {  	(pc) =	sbr.rel @p0 .LBB2_4-.Ltmp3, $4  }
0x37: {  	vm0 =	vge.s32 v15, v0;
	vm1 =	vle.s32 v15, v1  }
0x38: {  	vm0 =	vmand vm0, vm1  }
0x39: {  	v16 =	vsel vm0, $0x1, v4  }
0x3a: {  	v15 =	vor.u32 s14, v9;
	s14 =	sadd.s32 $0x10, s14;
	(xrf0) =	vadd.scan.msk.s32 $0xffff, v16  }
0x3b: {  	v16 =	vmul.u32 $0x3, v15;
	_ =	sdelay $0x1  }
0x3c: {  	v16 =	vadd.s32 $0x1, v16;
	_ =	sdelay $0x1  }
0x3d: {  	s14 =	spop (v2sf)  }
0x3e: {  	s13 =	sadd.s32 s13, s14  }
0x3f: {  	[tilespmem:s13+$0x6010] =	vst.msk vm0, v14  }
0x40: {  	v14 =	vld.idx.msk [tilespmem:v16+s3+$0x0], $0xffff;
	_ =	sdelay $0x4  }
0x41: {  	vm15 =	vge.s32 v14, v0;
	vm1 =	vle.s32 v14, v1  }
0x42: {  	vm0 =	vmand vm15, vm1  }
0x43: {  	v14 =	vsel vm0, $0x1, v4  }
0x44: {  	(xrf0) =	vadd.scan.msk.s32 $0xffff, v14;
	_ =	sdelay $0x4  }
0x45: {  	v14, _, _ =	vpop (xrf0)  }
0x46: {  	(v2sf) =	vpush v14, $0xF;
	v14, _, _ =	vpop (xrf0)  }
0x47: {  	(v2sf) =	vpush v14, $0xF;
	_ =	sdelay $0xd  }
0x48: {  	s30 =	spop (v2sf)  }
0x49: {  	s13 =	sadd.s32 s13, s30;
	s31 =	spop (v2sf)  }
0x4a: {  	s15 =	sadd.s32 s13, s31  }
0x4b: {  	s14 =	sadd.s32 $0x7, s15  }
0x4c: {  	p0 =	slt.s32 s14, $0x8  }
.Ltmp4:
0x4d: {  	_ = 	snop;
	(pc) =	sbr.rel @p0 .LBB2_40-.Ltmp4, $3  }
0x4e: {  	_ =	sdelay $0x1  }
0x4f: {  	[tilespmem:s13+$0x6010] =	vst.msk vm0, v15  }
0x50: {  	[tilespmem:s15+$0x6010] =	vst v10  }
0x51: {  	v14 =	vld [tilespmem:$0x6010];
	_ =	sdelay $0x4  }
0x52: {  	v14 =	vmul.u32 $0x3, v14;
	_ =	sdelay $0x1  }
0x53: {  	v15 =	vadd.s32 $0x1, v14;
	_ =	sdelay $0x3  }
0x54: {  	s13 =	simm.s32 $0x0  }
0x55: {  	v15 =	vld.idx.msk [tilespmem:v15+s13+$0x0], $0xffff;
	_ =	sdelay $0x4  }
0x56: {  	v16 =	vadd.s32 v6, v15  }
0x57: {  	v14 =	vld.idx.msk [tilespmem:v14+s13+$0x0], $0xffff;
	vm0 =	vgt.s32 v16, $0x0  }
0x58: {  	v15 =	vsub.s32 v3, v15;
	v16 =	vnsel vm0, $0x0, v16  }
0x59: {  	v15 =	vadd.s32 v16, v15  }
0x5a: {  	vm15 =	vgt.s32 v15, $0x0  }
0x5b: {  	v15 =	vnsel vm15, $0x0, v15  }
0x5c: {  	v14 =	vshll.u32 v14, $0x6;
	v15 =	vmin.u32 v15, $0x30  }
0x5d: {  	v14 =	vor.u32 v14, v15  }
0x5e: {  	v15 =	vbroadcast v14, $0x0;
	v59 =	vbroadcast v14, $0x1  }
0x5f: {  	v17 =	vbroadcast v14, $0x2;
	v60 =	vbroadcast v14, $0x3  }
0x60: {  	v61 =	vbroadcast v14, $0x4;
	v62 =	vbroadcast v14, $0x5  }
0x61: {  	v63 =	vbroadcast v14, $0x6;
	v14 =	vbroadcast v14, $0x7  }
0x62: {  	v15 =	vadd.s32 v9, v15  }
0x63: {  	v14 =	vadd.s32 v9, v14;
	[tilespmem:$0x8030] =	vst v15  }
0x64: {  	v15 =	vadd.s32 v9, v59;
	[tilespmem:$0x80A0] =	vst v14  }
0x65: {  	[tilespmem:$0x8040] =	vst v15;
	v15 =	vadd.s32 v9, v17  }
0x66: {  	[tilespmem:$0x8050] =	vst v15;
	v15 =	vadd.s32 v9, v60  }
.Ltmp5:
0x67: {  	s15 =	sshra.s32 s14, $0x1F;
	[tilespmem:$0x8060] =	vst v15;
	v15 =	vadd.s32 v9, v61;
	(pc) =	sbr.rel .LBB2_8-.Ltmp5, $4  }
0x68: {  	s15 =	sshrl.u32 s15, $0x1D;
	[tilespmem:$0x8070] =	vst v15;
	v15 =	vadd.s32 v9, v62  }
0x69: {  	s31 =	sadd.s32 s15, s14;
	[tilespmem:$0x8080] =	vst v15;
	v15 =	vadd.s32 v9, v63  }
0x6a: {  	p0 =	por $0x0, $0x0;
	s14 =	sshra.s32 s31, $0x3;
	[tilespmem:$0x8090] =	vst v15  }
0x6b: {  	[tilespmem:s10], [sflag:$0x1] =	stream.indirect.gather [hbm4b:s4+s8], $0x40, s9, s8, $0xb8;
	[tilespmem:$0xE130] =	vst v63  }
.LBB2_39:
0x6c: {  	v19 =	vld [tilespmem:s16+$0xFFFFFFD0];
	v14 =	vor.u32 s15, v14;
	_ =	sdelay $0x4  }
0x6d: {  	vm3 =	vlt.u32 v15, $0x200;
	[tilespmem:v14+s11+$0x0] =	vst.idx.add.f32.msk vm2, v19  }
0x6e: {  	v15 =	vor.u32 s15, v18;
	v14 =	vld [tilespmem:s16+$0xFFFFFFE0];
	_ =	sdelay $0x4  }
0x6f: {  	[tilespmem:v15+s11+$0x0] =	vst.idx.add.f32.msk vm3, v14  }
0x70: {  	v15 =	vor.u32 s15, v17;
	v14 =	vld [tilespmem:s16+$0xFFFFFFF0];
	_ =	sdelay $0x4  }
0x71: {  	[tilespmem:v15+s11+$0x0] =	vst.idx.add.f32.msk vm1, v14  }
0x72: {  	v15 =	vor.u32 s15, v16;
	v14 =	vld [tilespmem:s16+$0x0];
	_ =	sdelay $0x4  }
0x73: {  	[tilespmem:v15+s11+$0x0] =	vst.idx.add.f32.msk vm0, v14  }
.LBB2_7:
0x74: {  	p1 =	seq.s32 s13, s14  }
.Ltmp6:
0x75: {  	_ = 	snop;
	(pc) =	sbr.rel @p1 .LBB2_40-.Ltmp6, $2  }
0x76: {  	_ =	sdelay $0x2  }
0x77: {  	p0 =	por !p0, !p0  }
.LBB2_8:
0x78: {  	s15 =	smov.u32 s13;
	s13 =	sadd.s32 $0x1, s13  }
0x79: {  	p1 =	sge.s32 s13, s14  }
0x7a: {  	s16 =	sshll.u32 @!p1 s13, $0x5  }
0x7b: {  	s16 =	sshra.s32 @!p1 s16, $0x2  }
0x7c: {  	v14 =	vld @!p1 [tilespmem:s16+$0x6010];
	_ =	sdelay $0x4  }
0x7d: {  	v14 =	vmul.u32 @!p1 $0x3, v14;
	_ =	sdelay $0x1  }
0x7e: {  	v15 =	vadd.s32 @!p1 $0x1, v14;
	_ =	sdelay $0x3  }
0x7f: {  	s16 =	simm.s32 @!p1 $0x0  }
0x80: {  	v15 =	vld.idx.msk @!p1 [tilespmem:v15+s16+$0x0], $0xffff;
	_ =	sdelay $0x4  }
0x81: {  	v16 =	vadd.s32 @!p1 v6, v15  }
0x82: {  	v14 =	vld.idx.msk @!p1 [tilespmem:v14+s16+$0x0], $0xffff;
	vm0 =	vgt.s32 @!p1 v16, $0x0  }
0x83: {  	v15 =	vsub.s32 @!p1 v3, v15;
	v16 =	vnsel @!p1 vm0, $0x0, v16  }
0x84: {  	v15 =	vadd.s32 @!p1 v16, v15  }
0x85: {  	vm0 =	vgt.s32 @!p1 v15, $0x0  }
0x86: {  	v15 =	vnsel @!p1 vm0, $0x0, v15  }
0x87: {  	v14 =	vshll.u32 @!p1 v14, $0x6;
	v15 =	vmin.u32 @!p1 v15, $0x30  }
0x88: {  	v14 =	vor.u32 @!p1 v14, v15  }
0x89: {  	s16 =	sand.u32 $0x1, s15;
	v15 =	vbroadcast @!p1 v14, $0x0  }
0x8a: {  	s17 =	sxor.u32 @!p1 $0x1, s16;
	v16 =	vlaneseq.u32 @!p1;
	v17 =	vbroadcast @!p1 v14, $0x1  }
0x8b: {  	s18 =	sshll.u32 @!p1 s17, $0x7;
	v18 =	vbroadcast @!p1 v14, $0x2;
	v15 =	vadd.s32 @!p1 v16, v15  }
0x8c: {  	[tilespmem:s18+$0x8030] =	vst @!p1 v15;
	v15 =	vadd.s32 @!p1 v16, v17;
	v17 =	vbroadcast @!p1 v14, $0x3  }
0x8d: {  	[tilespmem:s18+$0x8040] =	vst @!p1 v15;
	v15 =	vadd.s32 @!p1 v16, v18;
	v18 =	vbroadcast @!p1 v14, $0x4  }
0x8e: {  	[tilespmem:s18+$0x8050] =	vst @!p1 v15;
	v15 =	vadd.s32 @!p1 v16, v17;
	v17 =	vbroadcast @!p1 v14, $0x5  }
0x8f: {  	[tilespmem:s18+$0x8060] =	vst @!p1 v15;
	v15 =	vadd.s32 @!p1 v16, v18;
	v18 =	vbroadcast @!p1 v14, $0x6  }
0x90: {  	v14 =	vbroadcast @!p1 v14, $0x7;
	[tilespmem:s18+$0x8070] =	vst @!p1 v15;
	v15 =	vadd.s32 @!p1 v16, v17  }
0x91: {  	s15 =	sshll.u32 s15, $0x5;
	[tilespmem:s18+$0x8080] =	vst @!p1 v15;
	v15 =	vadd.s32 @!p1 v16, v18  }
0x92: {  	s15 =	sshra.s32 s15, $0x2;
	s20 =	sshll.u32 @!p1 s17, $0xD;
	s17 =	sadd.s32 @!p1 $0x1, s17;
	v14 =	vadd.s32 @!p1 v16, v14;
	[tilespmem:s18+$0x8090] =	vst @!p1 v15  }
0x93: {  	s19 =	sor.u32 @!p1 $0x8030, s18;
	[tilespmem:s18+$0x80A0] =	vst @!p1 v14;
	s18 =	sor.u32 @!p1 $0x8130, s20;
	s20 =	simm.s32 @!p1 $0x80  }
0x94: {  	[tilespmem:s18], [sflag:s17] =	stream.indirect.gather @!p1 [hbm4b:s4+s20], $0x40, s19, s20, $0xb8;
	[tilespmem:$0xE130] =	vst v63  }
0x95: {  	v14 =	vld [tilespmem:s15+$0x6010];
	_ =	sdelay $0x4  }
0x96: {  	v14 =	vmul.u32 $0x3, v14;
	_ =	sdelay $0x1  }
0x97: {  	v15 =	vadd.s32 $0x1, v14;
	_ =	sdelay $0x4  }
0x98: {  	v17 =	vld.idx.msk [tilespmem:v15+s3+$0x0], $0xffff;
	_ =	sdelay $0x2  }
0x99: {  	v15 =	vadd.s32 $0x2, v14;
	_ =	sdelay $0x1  }
0x9a: {  	v16 =	vsub.s32 v17, v2  }
0x9b: {  	v14 =	vadd.s32 $0xFFFFFFE0, v16  }
0x9c: {  	s31 =	sadd.s32 $0x1, s16;
	v16 =	vadd.s32 $0x20, v16;
	vm13 =	vgt.s32 v14, $0x0  }
0x9d: {  	v18 =	vsub.s32 v3, v17;
	v15 =	vld.idx.msk [tilespmem:v15+s3+$0x0], $0xffff;
	_ =	swait.ge [sflag:s31], $0x2000;
	vm15 =	vlt.s32 v16, $0x10;
	v14 =	vnsel vm13, $0x0, v14  }
0x9e: {  	v16 =	vnsel vm15, $0x10, v16;
	v18 =	vadd.s32 v14, v18;
	(v2sf) =	vpush v14, $0x0  }
0x9f: {  	vm14 =	vgt.s32 v18, $0x0;
	(v2sf) =	vpush v16, $0x0  }
0xa0: {  	v18 =	vnsel vm14, $0x0, v18  }
0xa1: {  	v18 =	vmin.u32 v18, $0x30  }
0xa2: {  	v17 =	vadd.s32 v18, v17  }
0xa3: {  	v17 =	vsub.s32 v5, v17  }
0xa4: {  	(v2sf) =	vpush v17, $0x0  }
0xa5: {  	(v2sf) =	vpush v15, $0x0;
	_ =	sdelay $0x7  }
0xa6: {  	s16 =	spop (v2sf)  }
0xa7: {  	s17 =	spop (v2sf)  }
0xa8: {  	p1 =	sle.s32 s17, s16  }
.Ltmp7:
0xa9: {  	_ = 	snop;
	(pc) =	sbr.rel @p1 .LBB2_12-.Ltmp7, $4  }
0xaa: {  	_ = 	snop  }
0xab: {  	s15 =	simm.s32 $0x1  }
0xac: {  	s15 =	simm.s32 @!p0 $0x0;
	[sflag:s31] =	ssyncset.done $0x0;
	s18 =	spop (v2sf)  }
0xad: {  	s15 =	sshll.u32 s15, $0xF;
	[sflag:s31] =	ssyncadd.s32 $0xFFFFE000;
	s19 =	spop (v2sf)  }
0xae: {  	s19 =	sadd.s32 $0xFFFFFFE0, s19  }
0xaf: {  	s30 =	ssub.s32 s17, s16;
	v22 =	vadd.s32 s19, v9;
	v23 =	vadd.s32 s19, v11;
	v24 =	vadd.s32 s19, v12  }
0xb0: {  	s18 =	sadd.s32 s18, s16;
	v25 =	vadd.s32 s19, v13;
	p1 =	sne.s32 s30, $0x1;
	vm0 =	vgt.s32 v22, $0x0;
	vm1 =	vgt.s32 v24, $0x0  }
.Ltmp8:
0xb1: {  	s18 =	sshll.u32 s18, $0x8;
	vm2 =	vlt.u32 v23, $0x200;
	vm3 =	vlt.u32 v22, $0x200;
	v18 =	vnsel vm0, $0x0, v22;
	(pc) =	sbr.rel @!p1 .LBB2_11-.Ltmp8, $4  }
0xb2: {  	s18 =	sadd.s32 s18, s15;
	vm0 =	vgt.s32 v23, $0x0;
	v20 =	vnsel vm1, $0x0, v24;
	vm1 =	vlt.u32 v24, $0x200  }
0xb3: {  	s31 =	sshra.s32 s18, $0x2;
	v18 =	vmin.u32 v18, $0x1FF;
	v19 =	vnsel vm0, $0x0, v23;
	vm0 =	vgt.s32 v25, $0x0  }
0xb4: {  	s16 =	sshll.u32 s16, $0x9;
	s17 =	sadd.s32 $0x8150, s31;
	v21 =	vmin.u32 v19, $0x1FF;
	v19 =	vmin.u32 v20, $0x1FF;
	v20 =	vnsel vm0, $0x0, v25  }
0xb5: {  	s18 =	sadd.s32 $0xFFFFFFFF, s30;
	vm0 =	vlt.u32 v25, $0x200;
	v22 =	vld [tilespmem:s17+$0xFFFFFFE0];
	v23 =	vor.u32 s16, v18;
	v20 =	vmin.u32 v20, $0x1FF  }
.LBB2_10:
0xb6: {  	p1 =	sne.s32 s18, $0x1;
	_ =	sdelay $0x3  }
0xb7: {  	[tilespmem:v23+s11+$0x0] =	vst.idx.add.f32.msk vm3, v22  }
0xb8: {  	v23 =	vor.u32 s16, v21;
	v22 =	vld [tilespmem:s17+$0xFFFFFFF0];
	_ =	sdelay $0x4  }
0xb9: {  	[tilespmem:v23+s11+$0x0] =	vst.idx.add.f32.msk vm2, v22  }
0xba: {  	v23 =	vor.u32 s16, v19;
	v22 =	vld [tilespmem:s17+$0x0];
	_ =	sdelay $0x4  }
0xbb: {  	[tilespmem:v23+s11+$0x0] =	vst.idx.add.f32.msk vm1, v22  }
0xbc: {  	v23 =	vor.u32 s16, v20;
	v22 =	vld [tilespmem:s17+$0x10];
	_ =	sdelay $0x1  }
.Ltmp9:
0xbd: {  	(pc) =	sbr.rel @p1 .LBB2_10-.Ltmp9, $3  }
0xbe: {  	_ =	sdelay $0x1  }
0xbf: {  	s16 =	sadd.s32 $0x200, s16;
	s17 =	sadd.s32 $0x40, s17;
	[tilespmem:v23+s11+$0x0] =	vst.idx.add.f32.msk vm0, v22  }
0xc0: {  	s18 =	sadd.s32 $0xFFFFFFFF, s18;
	v23 =	vor.u32 s16, v18;
	v22 =	vld [tilespmem:s17+$0xFFFFFFE0]  }
.LBB2_11:
0xc1: {  	_ =	sdelay $0x4  }
0xc2: {  	[tilespmem:v23+s11+$0x0] =	vst.idx.add.f32.msk vm3, v22  }
0xc3: {  	v21 =	vor.u32 s16, v21;
	v18 =	vld [tilespmem:s17+$0xFFFFFFF0];
	_ =	sdelay $0x4  }
0xc4: {  	[tilespmem:v21+s11+$0x0] =	vst.idx.add.f32.msk vm2, v18  }
0xc5: {  	v19 =	vor.u32 s16, v19;
	v18 =	vld [tilespmem:s17+$0x0];
	_ =	sdelay $0x4  }
0xc6: {  	[tilespmem:v19+s11+$0x0] =	vst.idx.add.f32.msk vm1, v18  }
0xc7: {  	v19 =	vor.u32 s16, v20;
	v18 =	vld [tilespmem:s17+$0x10];
	_ =	sdelay $0x4  }
0xc8: {  	[tilespmem:v19+s11+$0x0] =	vst.idx.add.f32.msk vm0, v18  }
.LBB2_12:
0xc9: {  	(v2sf) =	vpush v14, $0x1  }
0xca: {  	(v2sf) =	vpush v16, $0x1;
	_ =	sdelay $0x4  }
0xcb: {  	(v2sf) =	vpush v17, $0x1  }
0xcc: {  	(v2sf) =	vpush v15, $0x1;
	_ =	sdelay $0x7  }
0xcd: {  	s16 =	spop (v2sf)  }
0xce: {  	s17 =	spop (v2sf)  }
0xcf: {  	p1 =	sle.s32 s17, s16  }
.Ltmp10:
0xd0: {  	_ = 	snop;
	(pc) =	sbr.rel @p1 .LBB2_16-.Ltmp10, $3  }
0xd1: {  	_ =	sdelay $0x1  }
0xd2: {  	s18 =	spop (v2sf)  }
0xd3: {  	s19 =	spop (v2sf)  }
0xd4: {  	s19 =	sadd.s32 $0xFFFFFFE0, s19  }
0xd5: {  	s30 =	ssub.s32 s17, s16;
	v22 =	vadd.s32 s19, v9;
	v23 =	vadd.s32 s19, v11;
	v24 =	vadd.s32 s19, v12  }
0xd6: {  	s18 =	sadd.s32 s18, s16;
	v25 =	vadd.s32 s19, v13;
	p1 =	sne.s32 s30, $0x1;
	vm0 =	vgt.s32 v22, $0x0;
	vm1 =	vgt.s32 v24, $0x0  }
.Ltmp11:
0xd7: {  	s18 =	sshll.u32 s18, $0x8;
	vm2 =	vlt.u32 v23, $0x200;
	vm3 =	vlt.u32 v22, $0x200;
	v18 =	vnsel vm0, $0x0, v22;
	(pc) =	sbr.rel @!p1 .LBB2_15-.Ltmp11, $4  }
0xd8: {  	s18 =	sadd.s32 s18, s15;
	vm0 =	vgt.s32 v23, $0x0;
	v20 =	vnsel vm1, $0x0, v24;
	vm1 =	vlt.u32 v24, $0x200  }
0xd9: {  	s31 =	sshra.s32 s18, $0x2;
	v18 =	vmin.u32 v18, $0x1FF;
	v19 =	vnsel vm0, $0x0, v23;
	vm0 =	vgt.s32 v25, $0x0  }
0xda: {  	s16 =	sshll.u32 s16, $0x9;
	s17 =	sadd.s32 $0x8560, s31;
	v21 =	vmin.u32 v19, $0x1FF;
	v19 =	vmin.u32 v20, $0x1FF;
	v20 =	vnsel vm0, $0x0, v25  }
0xdb: {  	s18 =	sadd.s32 $0xFFFFFFFF, s30;
	vm0 =	vlt.u32 v25, $0x200;
	v22 =	vld [tilespmem:s17+$0xFFFFFFD0];
	v23 =	vor.u32 s16, v18;
	v20 =	vmin.u32 v20, $0x1FF  }
.LBB2_14:
0xdc: {  	p1 =	sne.s32 s18, $0x1;
	_ =	sdelay $0x3  }
0xdd: {  	[tilespmem:v23+s11+$0x0] =	vst.idx.add.f32.msk vm3, v22  }
0xde: {  	v23 =	vor.u32 s16, v21;
	v22 =	vld [tilespmem:s17+$0xFFFFFFE0];
	_ =	sdelay $0x4  }
0xdf: {  	[tilespmem:v23+s11+$0x0] =	vst.idx.add.f32.msk vm2, v22  }
0xe0: {  	v23 =	vor.u32 s16, v19;
	v22 =	vld [tilespmem:s17+$0xFFFFFFF0];
	_ =	sdelay $0x4  }
0xe1: {  	[tilespmem:v23+s11+$0x0] =	vst.idx.add.f32.msk vm1, v22  }
0xe2: {  	v23 =	vor.u32 s16, v20;
	v22 =	vld [tilespmem:s17+$0x0];
	_ =	sdelay $0x1  }
.Ltmp12:
0xe3: {  	(pc) =	sbr.rel @p1 .LBB2_14-.Ltmp12, $3  }
0xe4: {  	_ =	sdelay $0x1  }
0xe5: {  	s16 =	sadd.s32 $0x200, s16;
	s17 =	sadd.s32 $0x40, s17;
	[tilespmem:v23+s11+$0x0] =	vst.idx.add.f32.msk vm0, v22  }
0xe6: {  	s18 =	sadd.s32 $0xFFFFFFFF, s18;
	v23 =	vor.u32 s16, v18;
	v22 =	vld [tilespmem:s17+$0xFFFFFFD0]  }
.LBB2_15:
0xe7: {  	_ =	sdelay $0x4  }
0xe8: {  	[tilespmem:v23+s11+$0x0] =	vst.idx.add.f32.msk vm3, v22  }
0xe9: {  	v21 =	vor.u32 s16, v21;
	v18 =	vld [tilespmem:s17+$0xFFFFFFE0];
	_ =	sdelay $0x4  }
0xea: {  	[tilespmem:v21+s11+$0x0] =	vst.idx.add.f32.msk vm2, v18  }
0xeb: {  	v19 =	vor.u32 s16, v19;
	v18 =	vld [tilespmem:s17+$0xFFFFFFF0];
	_ =	sdelay $0x4  }
0xec: {  	[tilespmem:v19+s11+$0x0] =	vst.idx.add.f32.msk vm1, v18  }
0xed: {  	v19 =	vor.u32 s16, v20;
	v18 =	vld [tilespmem:s17+$0x0];
	_ =	sdelay $0x4  }
0xee: {  	[tilespmem:v19+s11+$0x0] =	vst.idx.add.f32.msk vm0, v18  }
.LBB2_16:
0xef: {  	(v2sf) =	vpush v14, $0x2  }
0xf0: {  	(v2sf) =	vpush v16, $0x2;
	_ =	sdelay $0x4  }
0xf1: {  	(v2sf) =	vpush v17, $0x2  }
0xf2: {  	(v2sf) =	vpush v15, $0x2;
	_ =	sdelay $0x7  }
0xf3: {  	s16 =	spop (v2sf)  }
0xf4: {  	s17 =	spop (v2sf)  }
0xf5: {  	p1 =	sle.s32 s17, s16  }
.Ltmp13:
0xf6: {  	_ = 	snop;
	(pc) =	sbr.rel @p1 .LBB2_20-.Ltmp13, $3  }
0xf7: {  	_ =	sdelay $0x1  }
0xf8: {  	s18 =	spop (v2sf)  }
0xf9: {  	s19 =	spop (v2sf)  }
0xfa: {  	s19 =	sadd.s32 $0xFFFFFFE0, s19  }
0xfb: {  	s30 =	ssub.s32 s17, s16;
	v22 =	vadd.s32 s19, v9;
	v23 =	vadd.s32 s19, v11;
	v24 =	vadd.s32 s19, v12  }
0xfc: {  	s18 =	sadd.s32 s18, s16;
	v25 =	vadd.s32 s19, v13;
	p1 =	sne.s32 s30, $0x1;
	vm0 =	vgt.s32 v22, $0x0;
	vm1 =	vgt.s32 v24, $0x0  }
.Ltmp14:
0xfd: {  	s18 =	sshll.u32 s18, $0x8;
	vm2 =	vlt.u32 v23, $0x200;
	vm3 =	vlt.u32 v22, $0x200;
	v18 =	vnsel vm0, $0x0, v22;
	(pc) =	sbr.rel @!p1 .LBB2_19-.Ltmp14, $4  }
0xfe: {  	s18 =	sadd.s32 s18, s15;
	vm0 =	vgt.s32 v23, $0x0;
	v20 =	vnsel vm1, $0x0, v24;
	vm1 =	vlt.u32 v24, $0x200  }
0xff: {  	s31 =	sshra.s32 s18, $0x2;
	v18 =	vmin.u32 v18, $0x1FF;
	v19 =	vnsel vm0, $0x0, v23;
	vm0 =	vgt.s32 v25, $0x0  }
0x100: {  	s16 =	sshll.u32 s16, $0x9;
	s17 =	sadd.s32 $0x8960, s31;
	v21 =	vmin.u32 v19, $0x1FF;
	v19 =	vmin.u32 v20, $0x1FF;
	v20 =	vnsel vm0, $0x0, v25  }
0x101: {  	s18 =	sadd.s32 $0xFFFFFFFF, s30;
	vm0 =	vlt.u32 v25, $0x200;
	v22 =	vld [tilespmem:s17+$0xFFFFFFD0];
	v23 =	vor.u32 s16, v18;
	v20 =	vmin.u32 v20, $0x1FF  }
.LBB2_18:
0x102: {  	p1 =	sne.s32 s18, $0x1;
	_ =	sdelay $0x3  }
0x103: {  	[tilespmem:v23+s11+$0x0] =	vst.idx.add.f32.msk vm3, v22  }
0x104: {  	v23 =	vor.u32 s16, v21;
	v22 =	vld [tilespmem:s17+$0xFFFFFFE0];
	_ =	sdelay $0x4  }
0x105: {  	[tilespmem:v23+s11+$0x0] =	vst.idx.add.f32.msk vm2, v22  }
0x106: {  	v23 =	vor.u32 s16, v19;
	v22 =	vld [tilespmem:s17+$0xFFFFFFF0];
	_ =	sdelay $0x4  }
0x107: {  	[tilespmem:v23+s11+$0x0] =	vst.idx.add.f32.msk vm1, v22  }
0x108: {  	v23 =	vor.u32 s16, v20;
	v22 =	vld [tilespmem:s17+$0x0];
	_ =	sdelay $0x1  }
.Ltmp15:
0x109: {  	(pc) =	sbr.rel @p1 .LBB2_18-.Ltmp15, $3  }
0x10a: {  	_ =	sdelay $0x1  }
0x10b: {  	s16 =	sadd.s32 $0x200, s16;
	s17 =	sadd.s32 $0x40, s17;
	[tilespmem:v23+s11+$0x0] =	vst.idx.add.f32.msk vm0, v22  }
0x10c: {  	s18 =	sadd.s32 $0xFFFFFFFF, s18;
	v23 =	vor.u32 s16, v18;
	v22 =	vld [tilespmem:s17+$0xFFFFFFD0]  }
.LBB2_19:
0x10d: {  	_ =	sdelay $0x4  }
0x10e: {  	[tilespmem:v23+s11+$0x0] =	vst.idx.add.f32.msk vm3, v22  }
0x10f: {  	v21 =	vor.u32 s16, v21;
	v18 =	vld [tilespmem:s17+$0xFFFFFFE0];
	_ =	sdelay $0x4  }
0x110: {  	[tilespmem:v21+s11+$0x0] =	vst.idx.add.f32.msk vm2, v18  }
0x111: {  	v19 =	vor.u32 s16, v19;
	v18 =	vld [tilespmem:s17+$0xFFFFFFF0];
	_ =	sdelay $0x4  }
0x112: {  	[tilespmem:v19+s11+$0x0] =	vst.idx.add.f32.msk vm1, v18  }
0x113: {  	v19 =	vor.u32 s16, v20;
	v18 =	vld [tilespmem:s17+$0x0];
	_ =	sdelay $0x4  }
0x114: {  	[tilespmem:v19+s11+$0x0] =	vst.idx.add.f32.msk vm0, v18  }
.LBB2_20:
0x115: {  	(v2sf) =	vpush v14, $0x3  }
0x116: {  	(v2sf) =	vpush v16, $0x3;
	_ =	sdelay $0x4  }
0x117: {  	(v2sf) =	vpush v17, $0x3  }
0x118: {  	(v2sf) =	vpush v15, $0x3;
	_ =	sdelay $0x7  }
0x119: {  	s16 =	spop (v2sf)  }
0x11a: {  	s17 =	spop (v2sf)  }
0x11b: {  	p1 =	sle.s32 s17, s16  }
.Ltmp16:
0x11c: {  	_ = 	snop;
	(pc) =	sbr.rel @p1 .LBB2_24-.Ltmp16, $3  }
0x11d: {  	_ =	sdelay $0x1  }
0x11e: {  	s18 =	spop (v2sf)  }
0x11f: {  	s19 =	spop (v2sf)  }
0x120: {  	s19 =	sadd.s32 $0xFFFFFFE0, s19  }
0x121: {  	s30 =	ssub.s32 s17, s16;
	v22 =	vadd.s32 s19, v9;
	v23 =	vadd.s32 s19, v11;
	v24 =	vadd.s32 s19, v12  }
0x122: {  	s18 =	sadd.s32 s18, s16;
	v25 =	vadd.s32 s19, v13;
	p1 =	sne.s32 s30, $0x1;
	vm0 =	vgt.s32 v22, $0x0;
	vm1 =	vgt.s32 v24, $0x0  }
.Ltmp17:
0x123: {  	s18 =	sshll.u32 s18, $0x8;
	vm2 =	vlt.u32 v23, $0x200;
	vm3 =	vlt.u32 v22, $0x200;
	v18 =	vnsel vm0, $0x0, v22;
	(pc) =	sbr.rel @!p1 .LBB2_23-.Ltmp17, $4  }
0x124: {  	s18 =	sadd.s32 s18, s15;
	vm0 =	vgt.s32 v23, $0x0;
	v20 =	vnsel vm1, $0x0, v24;
	vm1 =	vlt.u32 v24, $0x200  }
0x125: {  	s31 =	sshra.s32 s18, $0x2;
	v18 =	vmin.u32 v18, $0x1FF;
	v19 =	vnsel vm0, $0x0, v23;
	vm0 =	vgt.s32 v25, $0x0  }
0x126: {  	s16 =	sshll.u32 s16, $0x9;
	s17 =	sadd.s32 $0x8D60, s31;
	v21 =	vmin.u32 v19, $0x1FF;
	v19 =	vmin.u32 v20, $0x1FF;
	v20 =	vnsel vm0, $0x0, v25  }
0x127: {  	s18 =	sadd.s32 $0xFFFFFFFF, s30;
	vm0 =	vlt.u32 v25, $0x200;
	v22 =	vld [tilespmem:s17+$0xFFFFFFD0];
	v23 =	vor.u32 s16, v18;
	v20 =	vmin.u32 v20, $0x1FF  }
.LBB2_22:
0x128: {  	p1 =	sne.s32 s18, $0x1;
	_ =	sdelay $0x3  }
0x129: {  	[tilespmem:v23+s11+$0x0] =	vst.idx.add.f32.msk vm3, v22  }
0x12a: {  	v23 =	vor.u32 s16, v21;
	v22 =	vld [tilespmem:s17+$0xFFFFFFE0];
	_ =	sdelay $0x4  }
0x12b: {  	[tilespmem:v23+s11+$0x0] =	vst.idx.add.f32.msk vm2, v22  }
0x12c: {  	v23 =	vor.u32 s16, v19;
	v22 =	vld [tilespmem:s17+$0xFFFFFFF0];
	_ =	sdelay $0x4  }
0x12d: {  	[tilespmem:v23+s11+$0x0] =	vst.idx.add.f32.msk vm1, v22  }
0x12e: {  	v23 =	vor.u32 s16, v20;
	v22 =	vld [tilespmem:s17+$0x0];
	_ =	sdelay $0x1  }
.Ltmp18:
0x12f: {  	(pc) =	sbr.rel @p1 .LBB2_22-.Ltmp18, $3  }
0x130: {  	_ =	sdelay $0x1  }
0x131: {  	s16 =	sadd.s32 $0x200, s16;
	s17 =	sadd.s32 $0x40, s17;
	[tilespmem:v23+s11+$0x0] =	vst.idx.add.f32.msk vm0, v22  }
0x132: {  	s18 =	sadd.s32 $0xFFFFFFFF, s18;
	v23 =	vor.u32 s16, v18;
	v22 =	vld [tilespmem:s17+$0xFFFFFFD0]  }
.LBB2_23:
0x133: {  	_ =	sdelay $0x4  }
0x134: {  	[tilespmem:v23+s11+$0x0] =	vst.idx.add.f32.msk vm3, v22  }
0x135: {  	v21 =	vor.u32 s16, v21;
	v18 =	vld [tilespmem:s17+$0xFFFFFFE0];
	_ =	sdelay $0x4  }
0x136: {  	[tilespmem:v21+s11+$0x0] =	vst.idx.add.f32.msk vm2, v18  }
0x137: {  	v19 =	vor.u32 s16, v19;
	v18 =	vld [tilespmem:s17+$0xFFFFFFF0];
	_ =	sdelay $0x4  }
0x138: {  	[tilespmem:v19+s11+$0x0] =	vst.idx.add.f32.msk vm1, v18  }
0x139: {  	v19 =	vor.u32 s16, v20;
	v18 =	vld [tilespmem:s17+$0x0];
	_ =	sdelay $0x4  }
0x13a: {  	[tilespmem:v19+s11+$0x0] =	vst.idx.add.f32.msk vm0, v18  }
.LBB2_24:
0x13b: {  	(v2sf) =	vpush v14, $0x4  }
0x13c: {  	(v2sf) =	vpush v16, $0x4;
	_ =	sdelay $0x4  }
0x13d: {  	(v2sf) =	vpush v17, $0x4  }
0x13e: {  	(v2sf) =	vpush v15, $0x4;
	_ =	sdelay $0x7  }
0x13f: {  	s16 =	spop (v2sf)  }
0x140: {  	s17 =	spop (v2sf)  }
0x141: {  	p1 =	sle.s32 s17, s16  }
.Ltmp19:
0x142: {  	_ = 	snop;
	(pc) =	sbr.rel @p1 .LBB2_28-.Ltmp19, $3  }
0x143: {  	_ =	sdelay $0x1  }
0x144: {  	s18 =	spop (v2sf)  }
0x145: {  	s19 =	spop (v2sf)  }
0x146: {  	s19 =	sadd.s32 $0xFFFFFFE0, s19  }
0x147: {  	s30 =	ssub.s32 s17, s16;
	v22 =	vadd.s32 s19, v9;
	v23 =	vadd.s32 s19, v11;
	v24 =	vadd.s32 s19, v12  }
0x148: {  	s18 =	sadd.s32 s18, s16;
	v25 =	vadd.s32 s19, v13;
	p1 =	sne.s32 s30, $0x1;
	vm0 =	vgt.s32 v22, $0x0;
	vm1 =	vgt.s32 v24, $0x0  }
.Ltmp20:
0x149: {  	s18 =	sshll.u32 s18, $0x8;
	vm2 =	vlt.u32 v23, $0x200;
	vm3 =	vlt.u32 v22, $0x200;
	v18 =	vnsel vm0, $0x0, v22;
	(pc) =	sbr.rel @!p1 .LBB2_27-.Ltmp20, $4  }
0x14a: {  	s18 =	sadd.s32 s18, s15;
	vm0 =	vgt.s32 v23, $0x0;
	v20 =	vnsel vm1, $0x0, v24;
	vm1 =	vlt.u32 v24, $0x200  }
0x14b: {  	s31 =	sshra.s32 s18, $0x2;
	v18 =	vmin.u32 v18, $0x1FF;
	v19 =	vnsel vm0, $0x0, v23;
	vm0 =	vgt.s32 v25, $0x0  }
0x14c: {  	s16 =	sshll.u32 s16, $0x9;
	s17 =	sadd.s32 $0x9160, s31;
	v21 =	vmin.u32 v19, $0x1FF;
	v19 =	vmin.u32 v20, $0x1FF;
	v20 =	vnsel vm0, $0x0, v25  }
0x14d: {  	s18 =	sadd.s32 $0xFFFFFFFF, s30;
	vm0 =	vlt.u32 v25, $0x200;
	v22 =	vld [tilespmem:s17+$0xFFFFFFD0];
	v23 =	vor.u32 s16, v18;
	v20 =	vmin.u32 v20, $0x1FF  }
.LBB2_26:
0x14e: {  	p1 =	sne.s32 s18, $0x1;
	_ =	sdelay $0x3  }
0x14f: {  	[tilespmem:v23+s11+$0x0] =	vst.idx.add.f32.msk vm3, v22  }
0x150: {  	v23 =	vor.u32 s16, v21;
	v22 =	vld [tilespmem:s17+$0xFFFFFFE0];
	_ =	sdelay $0x4  }
0x151: {  	[tilespmem:v23+s11+$0x0] =	vst.idx.add.f32.msk vm2, v22  }
0x152: {  	v23 =	vor.u32 s16, v19;
	v22 =	vld [tilespmem:s17+$0xFFFFFFF0];
	_ =	sdelay $0x4  }
0x153: {  	[tilespmem:v23+s11+$0x0] =	vst.idx.add.f32.msk vm1, v22  }
0x154: {  	v23 =	vor.u32 s16, v20;
	v22 =	vld [tilespmem:s17+$0x0];
	_ =	sdelay $0x1  }
.Ltmp21:
0x155: {  	(pc) =	sbr.rel @p1 .LBB2_26-.Ltmp21, $3  }
0x156: {  	_ =	sdelay $0x1  }
0x157: {  	s16 =	sadd.s32 $0x200, s16;
	s17 =	sadd.s32 $0x40, s17;
	[tilespmem:v23+s11+$0x0] =	vst.idx.add.f32.msk vm0, v22  }
0x158: {  	s18 =	sadd.s32 $0xFFFFFFFF, s18;
	v23 =	vor.u32 s16, v18;
	v22 =	vld [tilespmem:s17+$0xFFFFFFD0]  }
.LBB2_27:
0x159: {  	_ =	sdelay $0x4  }
0x15a: {  	[tilespmem:v23+s11+$0x0] =	vst.idx.add.f32.msk vm3, v22  }
0x15b: {  	v21 =	vor.u32 s16, v21;
	v18 =	vld [tilespmem:s17+$0xFFFFFFE0];
	_ =	sdelay $0x4  }
0x15c: {  	[tilespmem:v21+s11+$0x0] =	vst.idx.add.f32.msk vm2, v18  }
0x15d: {  	v19 =	vor.u32 s16, v19;
	v18 =	vld [tilespmem:s17+$0xFFFFFFF0];
	_ =	sdelay $0x4  }
0x15e: {  	[tilespmem:v19+s11+$0x0] =	vst.idx.add.f32.msk vm1, v18  }
0x15f: {  	v19 =	vor.u32 s16, v20;
	v18 =	vld [tilespmem:s17+$0x0];
	_ =	sdelay $0x4  }
0x160: {  	[tilespmem:v19+s11+$0x0] =	vst.idx.add.f32.msk vm0, v18  }
.LBB2_28:
0x161: {  	(v2sf) =	vpush v14, $0x5  }
0x162: {  	(v2sf) =	vpush v16, $0x5;
	_ =	sdelay $0x4  }
0x163: {  	(v2sf) =	vpush v17, $0x5  }
0x164: {  	(v2sf) =	vpush v15, $0x5;
	_ =	sdelay $0x7  }
0x165: {  	s16 =	spop (v2sf)  }
0x166: {  	s17 =	spop (v2sf)  }
0x167: {  	p1 =	sle.s32 s17, s16  }
.Ltmp22:
0x168: {  	_ = 	snop;
	(pc) =	sbr.rel @p1 .LBB2_32-.Ltmp22, $3  }
0x169: {  	_ =	sdelay $0x1  }
0x16a: {  	s18 =	spop (v2sf)  }
0x16b: {  	s19 =	spop (v2sf)  }
0x16c: {  	s19 =	sadd.s32 $0xFFFFFFE0, s19  }
0x16d: {  	s30 =	ssub.s32 s17, s16;
	v22 =	vadd.s32 s19, v9;
	v23 =	vadd.s32 s19, v11;
	v24 =	vadd.s32 s19, v12  }
0x16e: {  	s18 =	sadd.s32 s18, s16;
	v25 =	vadd.s32 s19, v13;
	p1 =	sne.s32 s30, $0x1;
	vm0 =	vgt.s32 v22, $0x0;
	vm1 =	vgt.s32 v24, $0x0  }
.Ltmp23:
0x16f: {  	s18 =	sshll.u32 s18, $0x8;
	vm2 =	vlt.u32 v23, $0x200;
	vm3 =	vlt.u32 v22, $0x200;
	v18 =	vnsel vm0, $0x0, v22;
	(pc) =	sbr.rel @!p1 .LBB2_31-.Ltmp23, $4  }
0x170: {  	s18 =	sadd.s32 s18, s15;
	vm0 =	vgt.s32 v23, $0x0;
	v20 =	vnsel vm1, $0x0, v24;
	vm1 =	vlt.u32 v24, $0x200  }
0x171: {  	s31 =	sshra.s32 s18, $0x2;
	v18 =	vmin.u32 v18, $0x1FF;
	v19 =	vnsel vm0, $0x0, v23;
	vm0 =	vgt.s32 v25, $0x0  }
0x172: {  	s16 =	sshll.u32 s16, $0x9;
	s17 =	sadd.s32 $0x9560, s31;
	v21 =	vmin.u32 v19, $0x1FF;
	v19 =	vmin.u32 v20, $0x1FF;
	v20 =	vnsel vm0, $0x0, v25  }
0x173: {  	s18 =	sadd.s32 $0xFFFFFFFF, s30;
	vm0 =	vlt.u32 v25, $0x200;
	v22 =	vld [tilespmem:s17+$0xFFFFFFD0];
	v23 =	vor.u32 s16, v18;
	v20 =	vmin.u32 v20, $0x1FF  }
.LBB2_30:
0x174: {  	p1 =	sne.s32 s18, $0x1;
	_ =	sdelay $0x3  }
0x175: {  	[tilespmem:v23+s11+$0x0] =	vst.idx.add.f32.msk vm3, v22  }
0x176: {  	v23 =	vor.u32 s16, v21;
	v22 =	vld [tilespmem:s17+$0xFFFFFFE0];
	_ =	sdelay $0x4  }
0x177: {  	[tilespmem:v23+s11+$0x0] =	vst.idx.add.f32.msk vm2, v22  }
0x178: {  	v23 =	vor.u32 s16, v19;
	v22 =	vld [tilespmem:s17+$0xFFFFFFF0];
	_ =	sdelay $0x4  }
0x179: {  	[tilespmem:v23+s11+$0x0] =	vst.idx.add.f32.msk vm1, v22  }
0x17a: {  	v23 =	vor.u32 s16, v20;
	v22 =	vld [tilespmem:s17+$0x0];
	_ =	sdelay $0x1  }
.Ltmp24:
0x17b: {  	(pc) =	sbr.rel @p1 .LBB2_30-.Ltmp24, $3  }
0x17c: {  	_ =	sdelay $0x1  }
0x17d: {  	s16 =	sadd.s32 $0x200, s16;
	s17 =	sadd.s32 $0x40, s17;
	[tilespmem:v23+s11+$0x0] =	vst.idx.add.f32.msk vm0, v22  }
0x17e: {  	s18 =	sadd.s32 $0xFFFFFFFF, s18;
	v23 =	vor.u32 s16, v18;
	v22 =	vld [tilespmem:s17+$0xFFFFFFD0]  }
.LBB2_31:
0x17f: {  	_ =	sdelay $0x4  }
0x180: {  	[tilespmem:v23+s11+$0x0] =	vst.idx.add.f32.msk vm3, v22  }
0x181: {  	v21 =	vor.u32 s16, v21;
	v18 =	vld [tilespmem:s17+$0xFFFFFFE0];
	_ =	sdelay $0x4  }
0x182: {  	[tilespmem:v21+s11+$0x0] =	vst.idx.add.f32.msk vm2, v18  }
0x183: {  	v19 =	vor.u32 s16, v19;
	v18 =	vld [tilespmem:s17+$0xFFFFFFF0];
	_ =	sdelay $0x4  }
0x184: {  	[tilespmem:v19+s11+$0x0] =	vst.idx.add.f32.msk vm1, v18  }
0x185: {  	v19 =	vor.u32 s16, v20;
	v18 =	vld [tilespmem:s17+$0x0];
	_ =	sdelay $0x4  }
0x186: {  	[tilespmem:v19+s11+$0x0] =	vst.idx.add.f32.msk vm0, v18  }
.LBB2_32:
0x187: {  	(v2sf) =	vpush v14, $0x6  }
0x188: {  	(v2sf) =	vpush v16, $0x6;
	_ =	sdelay $0x4  }
0x189: {  	(v2sf) =	vpush v17, $0x6  }
0x18a: {  	(v2sf) =	vpush v15, $0x6;
	_ =	sdelay $0x7  }
0x18b: {  	s16 =	spop (v2sf)  }
0x18c: {  	s17 =	spop (v2sf)  }
0x18d: {  	p1 =	sle.s32 s17, s16  }
.Ltmp25:
0x18e: {  	_ = 	snop;
	(pc) =	sbr.rel @p1 .LBB2_36-.Ltmp25, $3  }
0x18f: {  	_ =	sdelay $0x1  }
0x190: {  	s18 =	spop (v2sf)  }
0x191: {  	s19 =	spop (v2sf)  }
0x192: {  	s19 =	sadd.s32 $0xFFFFFFE0, s19  }
0x193: {  	s30 =	ssub.s32 s17, s16;
	v22 =	vadd.s32 s19, v9;
	v23 =	vadd.s32 s19, v11;
	v24 =	vadd.s32 s19, v12  }
0x194: {  	s18 =	sadd.s32 s18, s16;
	v25 =	vadd.s32 s19, v13;
	p1 =	sne.s32 s30, $0x1;
	vm0 =	vgt.s32 v22, $0x0;
	vm1 =	vgt.s32 v24, $0x0  }
.Ltmp26:
0x195: {  	s18 =	sshll.u32 s18, $0x8;
	vm2 =	vlt.u32 v23, $0x200;
	vm3 =	vlt.u32 v22, $0x200;
	v18 =	vnsel vm0, $0x0, v22;
	(pc) =	sbr.rel @!p1 .LBB2_35-.Ltmp26, $4  }
0x196: {  	s18 =	sadd.s32 s18, s15;
	vm0 =	vgt.s32 v23, $0x0;
	v20 =	vnsel vm1, $0x0, v24;
	vm1 =	vlt.u32 v24, $0x200  }
0x197: {  	s31 =	sshra.s32 s18, $0x2;
	v18 =	vmin.u32 v18, $0x1FF;
	v19 =	vnsel vm0, $0x0, v23;
	vm0 =	vgt.s32 v25, $0x0  }
0x198: {  	s16 =	sshll.u32 s16, $0x9;
	s17 =	sadd.s32 $0x9960, s31;
	v21 =	vmin.u32 v19, $0x1FF;
	v19 =	vmin.u32 v20, $0x1FF;
	v20 =	vnsel vm0, $0x0, v25  }
0x199: {  	s18 =	sadd.s32 $0xFFFFFFFF, s30;
	vm0 =	vlt.u32 v25, $0x200;
	v22 =	vld [tilespmem:s17+$0xFFFFFFD0];
	v23 =	vor.u32 s16, v18;
	v20 =	vmin.u32 v20, $0x1FF  }
.LBB2_34:
0x19a: {  	p1 =	sne.s32 s18, $0x1;
	_ =	sdelay $0x3  }
0x19b: {  	[tilespmem:v23+s11+$0x0] =	vst.idx.add.f32.msk vm3, v22  }
0x19c: {  	v23 =	vor.u32 s16, v21;
	v22 =	vld [tilespmem:s17+$0xFFFFFFE0];
	_ =	sdelay $0x4  }
0x19d: {  	[tilespmem:v23+s11+$0x0] =	vst.idx.add.f32.msk vm2, v22  }
0x19e: {  	v23 =	vor.u32 s16, v19;
	v22 =	vld [tilespmem:s17+$0xFFFFFFF0];
	_ =	sdelay $0x4  }
0x19f: {  	[tilespmem:v23+s11+$0x0] =	vst.idx.add.f32.msk vm1, v22  }
0x1a0: {  	v23 =	vor.u32 s16, v20;
	v22 =	vld [tilespmem:s17+$0x0];
	_ =	sdelay $0x1  }
.Ltmp27:
0x1a1: {  	(pc) =	sbr.rel @p1 .LBB2_34-.Ltmp27, $3  }
0x1a2: {  	_ =	sdelay $0x1  }
0x1a3: {  	s16 =	sadd.s32 $0x200, s16;
	s17 =	sadd.s32 $0x40, s17;
	[tilespmem:v23+s11+$0x0] =	vst.idx.add.f32.msk vm0, v22  }
0x1a4: {  	s18 =	sadd.s32 $0xFFFFFFFF, s18;
	v23 =	vor.u32 s16, v18;
	v22 =	vld [tilespmem:s17+$0xFFFFFFD0]  }
.LBB2_35:
0x1a5: {  	_ =	sdelay $0x4  }
0x1a6: {  	[tilespmem:v23+s11+$0x0] =	vst.idx.add.f32.msk vm3, v22  }
0x1a7: {  	v21 =	vor.u32 s16, v21;
	v18 =	vld [tilespmem:s17+$0xFFFFFFE0];
	_ =	sdelay $0x4  }
0x1a8: {  	[tilespmem:v21+s11+$0x0] =	vst.idx.add.f32.msk vm2, v18  }
0x1a9: {  	v19 =	vor.u32 s16, v19;
	v18 =	vld [tilespmem:s17+$0xFFFFFFF0];
	_ =	sdelay $0x4  }
0x1aa: {  	[tilespmem:v19+s11+$0x0] =	vst.idx.add.f32.msk vm1, v18  }
0x1ab: {  	v19 =	vor.u32 s16, v20;
	v18 =	vld [tilespmem:s17+$0x0];
	_ =	sdelay $0x4  }
0x1ac: {  	[tilespmem:v19+s11+$0x0] =	vst.idx.add.f32.msk vm0, v18  }
.LBB2_36:
0x1ad: {  	(v2sf) =	vpush v14, $0x7  }
0x1ae: {  	(v2sf) =	vpush v16, $0x7;
	_ =	sdelay $0x4  }
0x1af: {  	(v2sf) =	vpush v17, $0x7  }
0x1b0: {  	(v2sf) =	vpush v15, $0x7;
	_ =	sdelay $0x7  }
0x1b1: {  	s16 =	spop (v2sf)  }
0x1b2: {  	s17 =	spop (v2sf)  }
0x1b3: {  	p1 =	sle.s32 s17, s16  }
.Ltmp28:
0x1b4: {  	_ = 	snop;
	(pc) =	sbr.rel @p1 .LBB2_7-.Ltmp28, $3  }
0x1b5: {  	_ =	sdelay $0x1  }
0x1b6: {  	s18 =	spop (v2sf)  }
0x1b7: {  	s19 =	spop (v2sf)  }
0x1b8: {  	s19 =	sadd.s32 $0xFFFFFFE0, s19  }
0x1b9: {  	s17 =	ssub.s32 s17, s16;
	v19 =	vadd.s32 s19, v9  }
0x1ba: {  	v15 =	vadd.s32 s19, v11;
	v20 =	vadd.s32 s19, v12;
	v21 =	vadd.s32 s19, v13;
	p1 =	seq.s32 s17, $0x1  }
.Ltmp29:
0x1bb: {  	s18 =	sadd.s32 s18, s16;
	vm0 =	vgt.s32 v19, $0x0;
	vm1 =	vgt.s32 v20, $0x0;
	vm2 =	vgt.s32 v21, $0x0;
	(pc) =	sbr.rel @p1 .LBB2_39-.Ltmp29, $4  }
0x1bc: {  	s18 =	sshll.u32 s18, $0x8;
	v14 =	vnsel vm0, $0x0, v19;
	vm0 =	vgt.s32 v15, $0x0;
	v17 =	vnsel vm1, $0x0, v20  }
0x1bd: {  	s15 =	sadd.s32 s18, s15;
	v22 =	vnsel vm2, $0x0, v21;
	vm1 =	vlt.u32 v20, $0x200;
	vm2 =	vlt.u32 v19, $0x200  }
0x1be: {  	s18 =	sshra.s32 s15, $0x2;
	v14 =	vmin.u32 v14, $0x1FF;
	v16 =	vnsel vm0, $0x0, v15;
	v17 =	vmin.u32 v17, $0x1FF  }
0x1bf: {  	s17 =	sadd.s32 $0xFFFFFFFF, s17;
	s15 =	sshll.u32 s16, $0x9;
	s16 =	sadd.s32 $0x9D60, s18;
	vm0 =	vlt.u32 v21, $0x200;
	v18 =	vmin.u32 v16, $0x1FF;
	v16 =	vmin.u32 v22, $0x1FF  }
.LBB2_38:
0x1c0: {  	p1 =	seq.s32 s17, $0x1;
	v19 =	vld [tilespmem:s16+$0xFFFFFFD0];
	v20 =	vor.u32 s15, v14;
	_ =	sdelay $0x4  }
0x1c1: {  	vm3 =	vlt.u32 v15, $0x200;
	[tilespmem:v20+s11+$0x0] =	vst.idx.add.f32.msk vm2, v19  }
0x1c2: {  	v20 =	vor.u32 s15, v18;
	v19 =	vld [tilespmem:s16+$0xFFFFFFE0];
	_ =	sdelay $0x4  }
0x1c3: {  	[tilespmem:v20+s11+$0x0] =	vst.idx.add.f32.msk vm3, v19  }
0x1c4: {  	v20 =	vor.u32 s15, v17;
	v19 =	vld [tilespmem:s16+$0xFFFFFFF0];
	_ =	sdelay $0x4  }
0x1c5: {  	[tilespmem:v20+s11+$0x0] =	vst.idx.add.f32.msk vm1, v19  }
0x1c6: {  	v20 =	vor.u32 s15, v16;
	v19 =	vld [tilespmem:s16+$0x0]  }
.Ltmp30:
0x1c7: {  	(pc) =	sbr.rel @!p1 .LBB2_38-.Ltmp30, $2  }
0x1c8: {  	_ =	sdelay $0x2  }
0x1c9: {  	s17 =	sadd.s32 $0xFFFFFFFF, s17;
	s15 =	sadd.s32 $0x200, s15;
	s16 =	sadd.s32 $0x40, s16;
	[tilespmem:v20+s11+$0x0] =	vst.idx.add.f32.msk vm0, v19  }
.Ltmp31:
0x1ca: {  	_ = 	snop;
	(pc) =	sbr.rel .LBB2_39-.Ltmp31, $1  }
0x1cb: {  	_ =	sdelay $0x3  }
.LBB2_41:
0x1cc: {  	_ =	sfence.sel $0x180000  }
0x1cd: {  	[bflag:$0x0] =	sbarrier.arrive $0xFFFF  }
0x1ce: {  	p0 =	sne.s32 s0, $0x0;
	_ =	strace $0x90000047  }
0x1cf: {  	s0 =	sadd.s32 @!p0 $0x100000, s1;
	[bflag:$0x2] =	sbarrier.arrive $0xFFFF  }
0x1d0: {  	[sflag:s0] =	ssyncadd.tile.s32 @!p0 $0x1;
	_ =	shalt  }
.Lfunc_end2:
_tile_overlayer_lowered:
.L_overlay_start_2:
0x1d1: {  	(tag) =	ssettag $0x2  }
0x1d2: {  	s0 =	rddreg [dreg:$0x0];
	s2 =	stileid.u32  }
0x1d3: {  	s1 =	rddreg [dreg:$0x1];
	p0 =	sne.s32 s2, $0x0  }
0x1d4: {  	s3 =	rddreg [dreg:$0x2];
	[bflag:$0x3] =	sbarrier.arrive $0xFFFF;
	s2 =	simm.s32 @!p0 $0x1C03  }
0x1d5: {  	[timem:s3], [sflag:s2] =	dma.local @!p0 [hbm:s0], s1  }
0x1d6: {  	s0 =	simm.s32 @!p0 $0x3  }
0x1d7: {  	_ =	swait.ge @!p0 [sflag:s0], s1  }
0x1d8: {  	s1 =	ssub.s32 @!p0 $0x0, s1;
	[sflag:s0] =	ssyncset.done @!p0 $0x0  }
0x1d9: {  	[sflag:s0] =	ssyncadd.s32 @!p0 s1  }
0x1da: {  	[bflag:$0x3] =	sbarrier.arrive $0xFFFF  }
0x1db: {  	_ =	shalt  }

</sc_bundles>
